<compile_context>
chip_gen: v7x
topology: tpu7x:2x2x1
jax: 0.10.2.dev20260603
libtpu: 0.0.44.dev20260713+nightly
codegen_flags: <defaults>
</compile_context>

<pallas_src>
import functools

import jax
import jax.numpy as jnp
from jax import lax
from jax.experimental import pallas as pl
from jax.experimental.pallas import tpu as pltpu
from jax.experimental.pallas import tpu_sc as plsc

N = 10000
N_PAD = 10240
D = 128
E = 320000

NC = 2
NS = 16
NW = NC * NS
K = 50
CHUNKS = E // K
CHUNKS_PER_W = CHUNKS // NW
IBLK = 40
NBUF = 5
EDGES_PER_W = E // NW
ROWS_PER_TILE = N_PAD // NS
ROW_BLK = 1024

_mesh = plsc.VectorSubcoreMesh(core_axis_name="c", subcore_axis_name="s")
_sc_params = pltpu.CompilerParams(needs_layout_passes=False)


@functools.partial(
    pl.kernel,
    out_type=jax.ShapeDtypeStruct((NW * N_PAD,), jnp.float32),
    mesh=_mesh,
    scratch_types=[
        pltpu.VMEM((EDGES_PER_W,), jnp.int32),
        pltpu.VMEM((N_PAD,), jnp.float32),
    ],
    compiler_params=_sc_params,
)
def _sc_hist(dst_hbm, out_hbm, dst_v, hist_v):
    c = lax.axis_index("c")
    s = lax.axis_index("s")
    wid = s * NC + c
    pltpu.sync_copy(dst_hbm.at[pl.ds(wid * EDGES_PER_W, EDGES_PER_W)], dst_v)

    zero16 = jnp.zeros((16,), jnp.float32)

    def zbody(i, carry):
        hist_v[pl.ds(i * 16, 16)] = zero16
        return carry

    lax.fori_loop(0, N_PAD // 16, zbody, 0, unroll=4)

    ones16 = jnp.ones((16,), jnp.float32)

    def body(i, carry):
        idx = dst_v[pl.ds(i * 16, 16)]
        plsc.addupdate_scatter(hist_v, [idx], ones16)
        return carry

    lax.fori_loop(0, EDGES_PER_W // 16, body, 0, unroll=4)
    pltpu.sync_copy(hist_v, out_hbm.at[pl.ds(wid * N_PAD, N_PAD)])


@functools.partial(
    pl.kernel,
    out_type=jax.ShapeDtypeStruct((NC, N_PAD, D), jnp.float32),
    mesh=_mesh,
    scratch_types=[
        pltpu.VMEM((IBLK, K), jnp.int32),
        pltpu.VMEM((IBLK, K), jnp.int32),
        [pltpu.VMEM((K, D), jnp.float32)] * NBUF,
        pltpu.VMEM_SHARED((N_PAD, D), jnp.float32),
        [pltpu.SemaphoreType.DMA] * NBUF,
        [pltpu.SemaphoreType.DMA] * NBUF,
    ],
    compiler_params=_sc_params,
)
def _sc_scatter(h_hbm, src_hbm, dst_hbm, zeros_hbm, part_hbm,
                src_v, dst_v, rows, acc_sh, sg, ss):
    c = lax.axis_index("c")
    s = lax.axis_index("s")
    wid = s * NC + c

    pltpu.sync_copy(zeros_hbm, acc_sh.at[pl.ds(s * ROWS_PER_TILE, ROWS_PER_TILE)])
    plsc.subcore_barrier()

    def blk(b, carry):
        base = wid * CHUNKS_PER_W + b * IBLK
        pltpu.sync_copy(src_hbm.at[pl.ds(base, IBLK)], src_v)
        pltpu.sync_copy(dst_hbm.at[pl.ds(base, IBLK)], dst_v)
        for p in range(NBUF):
            pltpu.async_copy(h_hbm.at[src_v.at[p]], rows[p], sg[p])

        def ring(i, carry2):
            for p in range(NBUF):
                j = i * NBUF + p
                pltpu.make_async_copy(h_hbm.at[src_v.at[j]], rows[p],
                                      sg[p]).wait()
                pltpu.async_copy(rows[p], acc_sh.at[dst_v.at[j]], ss[p],
                                 add=True).wait()

                @pl.when(j + NBUF < IBLK)
                def _():
                    pltpu.async_copy(h_hbm.at[src_v.at[j + NBUF]], rows[p],
                                     sg[p])
            return carry2

        lax.fori_loop(0, IBLK // NBUF, ring, 0)
        return carry

    lax.fori_loop(0, CHUNKS_PER_W // IBLK, blk, 0)
    plsc.subcore_barrier()
    pltpu.sync_copy(
        acc_sh.at[pl.ds(s * ROWS_PER_TILE, ROWS_PER_TILE)],
        part_hbm.at[c, pl.ds(s * ROWS_PER_TILE, ROWS_PER_TILE)],
    )


def _prep_body(hist_ref, x_ref, w_ref, dinv_ref, h_ref):
    deg = jnp.sum(hist_ref[...], axis=0) + 1.0
    dinv = lax.rsqrt(deg)
    h = lax.dot_general(x_ref[...], w_ref[...], (((1,), (1,)), ((), ())),
                        preferred_element_type=jnp.float32)
    dinv_ref[...] = dinv[:, None]
    h_ref[...] = h * dinv[:, None]


def _tc_prep(hist, x, w):
    grid = (N_PAD // ROW_BLK,)
    return pl.pallas_call(
        _prep_body,
        grid=grid,
        in_specs=[
            pl.BlockSpec((NW, ROW_BLK), lambda i: (0, i)),
            pl.BlockSpec((ROW_BLK, D), lambda i: (i, 0)),
            pl.BlockSpec((D, D), lambda i: (0, 0)),
        ],
        out_specs=[
            pl.BlockSpec((ROW_BLK, 1), lambda i: (i, 0)),
            pl.BlockSpec((ROW_BLK, D), lambda i: (i, 0)),
        ],
        out_shape=[
            jax.ShapeDtypeStruct((N_PAD, 1), jnp.float32),
            jax.ShapeDtypeStruct((N_PAD, D), jnp.float32),
        ],
    )(hist, x, w)


def _layer_norm(h, g, b):
    mu = jnp.mean(h, axis=-1, keepdims=True)
    var = jnp.mean((h - mu) ** 2, axis=-1, keepdims=True)
    return (h - mu) * lax.rsqrt(var + 1e-5) * g + b


def _mid_body(p0_ref, p1_ref, hs_ref, dinv_ref, res_ref, b_ref, g_ref,
              bt_ref, w_ref, out_ref, hn_ref):
    dinv = dinv_ref[...]
    agg = (p0_ref[...] + p1_ref[...] + hs_ref[...]) * dinv + b_ref[...]
    ln = _layer_norm(agg, g_ref[...], bt_ref[...])
    res = jnp.maximum(ln, 0.0) + res_ref[...]
    out_ref[...] = res
    hn = lax.dot_general(res, w_ref[...], (((1,), (1,)), ((), ())),
                         preferred_element_type=jnp.float32)
    hn_ref[...] = hn * dinv


def _tc_mid(p0, p1, hs, dinv, res, b, g, bt, w):
    grid = (N_PAD // ROW_BLK,)
    row = pl.BlockSpec((ROW_BLK, D), lambda i: (i, 0))
    vec = pl.BlockSpec((1, D), lambda i: (0, 0))
    return pl.pallas_call(
        _mid_body,
        grid=grid,
        in_specs=[row, row, row,
                  pl.BlockSpec((ROW_BLK, 1), lambda i: (i, 0)),
                  row, vec, vec, vec,
                  pl.BlockSpec((D, D), lambda i: (0, 0))],
        out_specs=[row, row],
        out_shape=[
            jax.ShapeDtypeStruct((N_PAD, D), jnp.float32),
            jax.ShapeDtypeStruct((N_PAD, D), jnp.float32),
        ],
    )(p0, p1, hs, dinv, res, b[None, :], g[None, :], bt[None, :], w)


def _final_body(p0_ref, p1_ref, hs_ref, dinv_ref, b_ref, g_ref, bt_ref,
                out_ref):
    agg = (p0_ref[...] + p1_ref[...] + hs_ref[...]) * dinv_ref[...] + b_ref[...]
    out_ref[...] = _layer_norm(agg, g_ref[...], bt_ref[...])


def _tc_final(p0, p1, hs, dinv, b, g, bt):
    grid = (N_PAD // ROW_BLK,)
    row = pl.BlockSpec((ROW_BLK, D), lambda i: (i, 0))
    vec = pl.BlockSpec((1, D), lambda i: (0, 0))
    return pl.pallas_call(
        _final_body,
        grid=grid,
        in_specs=[row, row, row,
                  pl.BlockSpec((ROW_BLK, 1), lambda i: (i, 0)),
                  vec, vec, vec],
        out_specs=row,
        out_shape=jax.ShapeDtypeStruct((N_PAD, D), jnp.float32),
    )(p0, p1, hs, dinv, b[None, :], g[None, :], bt[None, :])


def kernel(x, edge_index, W1, b1, g1, bt1, W2, b2, g2, bt2, W3, b3, g3, bt3):
    src2 = edge_index[0].reshape(CHUNKS, K)
    dst = edge_index[1]
    dst2 = dst.reshape(CHUNKS, K)
    zeros = jnp.zeros((ROWS_PER_TILE, D), jnp.float32)
    x_pad = jnp.pad(x, ((0, N_PAD - N), (0, 0)))

    hist = _sc_hist(dst).reshape(NW, N_PAD)
    dinv, h1 = _tc_prep(hist, x_pad, W1)

    parts = _sc_scatter(h1, src2, dst2, zeros)
    res1, h2 = _tc_mid(parts[0], parts[1], h1, dinv, x_pad, b1, g1, bt1, W2)

    parts = _sc_scatter(h2, src2, dst2, zeros)
    res2, h3 = _tc_mid(parts[0], parts[1], h2, dinv, res1, b2, g2, bt2, W3)

    parts = _sc_scatter(h3, src2, dst2, zeros)
    out = _tc_final(parts[0], parts[1], h3, dinv, b3, g3, bt3)
    return out[:N]

# --- scband reference (transcript-rebuilt; emitter-appended) ---
"""Pipeline reference for scband-rna-class-query-model-45887430590918 (READ-ONLY COPY).

The authoritative reference and input builder live on the scoring server;
editing this copy changes nothing except your own understanding.
"""

import jax, jax.numpy as jnp
import numpy as np

N = 10000
D = 128
E = 320000


def layer_norm(x, g, b, eps=1e-5):
    mu = jnp.mean(x, axis=-1, keepdims=True)
    var = jnp.mean((x - mu) ** 2, axis=-1, keepdims=True)
    return (x - mu) / jnp.sqrt(var + eps) * g + b


def gcn_conv(x, src, dst, W, b, n):
    # PyG GCNConv: h = x @ W^T, symmetric normalization with self-loops (added by caller),
    # scatter-add aggregation at dst, plus bias.
    h = x @ W.T
    deg = jnp.zeros((n,), x.dtype).at[dst].add(1.0)
    dinv = jnp.where(deg > 0, 1.0 / jnp.sqrt(deg), 0.0)
    norm = dinv[src] * dinv[dst]
    msgs = norm[:, None] * h[src]
    out = jnp.zeros((n, W.shape[0]), x.dtype).at[dst].add(msgs)
    return out + b


def setup_inputs(seed: int = 0) -> dict:
    key = jax.random.key(seed)
    ks = jax.random.split(key, 16)
    x = jax.random.normal(ks[0], (N, D), dtype=jnp.float32)
    edge_index = jax.random.randint(ks[1], (2, E), 0, N, dtype=jnp.int32)
    s = 1.0 / np.sqrt(D)
    inp = {"x": x, "edge_index": edge_index}
    for i in range(3):
        inp[f"W{i+1}"] = jax.random.uniform(ks[2 + i * 2], (D, D), jnp.float32, -s, s)
        inp[f"b{i+1}"] = jax.random.uniform(ks[3 + i * 2], (D,), jnp.float32, -s, s)
        inp[f"g{i+1}"] = jnp.ones((D,), jnp.float32)
        inp[f"bt{i+1}"] = jnp.zeros((D,), jnp.float32)
    return inp


def reference(x, edge_index, W1, b1, g1, bt1, W2, b2, g2, bt2, W3, b3, g3, bt3):
    src = edge_index[0]
    dst = edge_index[1]
    loop = jnp.arange(N, dtype=src.dtype)
    src = jnp.concatenate([src, loop])
    dst = jnp.concatenate([dst, loop])
    # GCNBlock forward (eval mode: dropout = identity), in_channels == hidden_dim so no input_proj
    residual = x
    h = gcn_conv(x, src, dst, W1, b1, N)
    h = layer_norm(h, g1, bt1)
    h = jax.nn.relu(h)
    h = h + residual
    residual = h
    h = gcn_conv(h, src, dst, W2, b2, N)
    h = layer_norm(h, g2, bt2)
    h = jax.nn.relu(h)
    h = h + residual
    residual = h
    h = gcn_conv(h, src, dst, W3, b3, N)
    h = layer_norm(h, g3, bt3)
    return h

if __name__ == "__main__":
    import jax
    _d = setup_inputs()
    print(jax.jit(kernel)(*tuple(_d.values())))

</pallas_src>

<mosaic_0001>
#map = affine_map<(d0, d1) -> (0, 0)>
#map1 = affine_map<(d0, d1) -> (0, 0, 0)>
module attributes {stable_mosaic.version = 14 : i64} {
  func.func @_sc_scatter(%arg0: i32, %arg1: i32, %arg2: memref<10240x128xf32, #tpu.memory_space<hbm>>, %arg3: memref<6400x50xi32, #tpu.memory_space<hbm>>, %arg4: memref<6400x50xi32, #tpu.memory_space<hbm>>, %arg5: memref<640x128xf32, #tpu.memory_space<hbm>>, %arg6: memref<2x10240x128xf32, #tpu.memory_space<hbm>>, %arg7: memref<40x50xi32, #tpu.memory_space<vmem>>, %arg8: memref<40x50xi32, #tpu.memory_space<vmem>>, %arg9: memref<50x128xf32, #tpu.memory_space<vmem>>, %arg10: memref<50x128xf32, #tpu.memory_space<vmem>>, %arg11: memref<50x128xf32, #tpu.memory_space<vmem>>, %arg12: memref<50x128xf32, #tpu.memory_space<vmem>>, %arg13: memref<50x128xf32, #tpu.memory_space<vmem>>, %arg14: memref<10240x128xf32, #tpu.memory_space<vmem_shared>>, %arg15: memref<!tpu.dma_semaphore, #tpu.memory_space<semaphore_mem>>, %arg16: memref<!tpu.dma_semaphore, #tpu.memory_space<semaphore_mem>>, %arg17: memref<!tpu.dma_semaphore, #tpu.memory_space<semaphore_mem>>, %arg18: memref<!tpu.dma_semaphore, #tpu.memory_space<semaphore_mem>>, %arg19: memref<!tpu.dma_semaphore, #tpu.memory_space<semaphore_mem>>, %arg20: memref<!tpu.dma_semaphore, #tpu.memory_space<semaphore_mem>>, %arg21: memref<!tpu.dma_semaphore, #tpu.memory_space<semaphore_mem>>, %arg22: memref<!tpu.dma_semaphore, #tpu.memory_space<semaphore_mem>>, %arg23: memref<!tpu.dma_semaphore, #tpu.memory_space<semaphore_mem>>, %arg24: memref<!tpu.dma_semaphore, #tpu.memory_space<semaphore_mem>>) attributes {dimension_semantics = [#tpu.dimension_semantics<core_parallel>, #tpu.dimension_semantics<subcore_parallel>], iteration_bounds = array<i64: 2, 16>, scalar_prefetch = 0 : i64, scratch_operands = 18 : i64, tpu.core_type = #tpu.core_type<sc_vector_subcore>, window_params = [{transform_indices = #map}, {transform_indices = #map}, {transform_indices = #map}, {transform_indices = #map}, {transform_indices = #map1}]} {
    %mul3A = arith.constant 2 : i32
    %mul3A_0 = arith.muli %arg1, %mul3A : i32
    %add3A = arith.addi %mul3A_0, %arg0 : i32
    %mul3A_1 = arith.constant 640 : i32
    %mul3A_2 = arith.muli %arg1, %mul3A_1 : i32
    "tpu.region"() ({
      %run_scoped3A = tpu.sem_alloc : memref<!tpu.dma_semaphore, #tpu.memory_space<semaphore_mem>>
      %dma_start3A = arith.constant 0 : i32
      %dma_start3A_13 = tpu.memref_slice %arg14[%mul3A_2, %dma_start3A] : memref<10240x128xf32, #tpu.memory_space<vmem_shared>> -> memref<640x128xf32, #tpu.memory_space<vmem_shared>>
      tpu.enqueue_dma source(%arg5 : memref<640x128xf32, #tpu.memory_space<hbm>>) target(%dma_start3A_13 : memref<640x128xf32, #tpu.memory_space<vmem_shared>>) target_semaphore(%run_scoped3A : memref<!tpu.dma_semaphore, #tpu.memory_space<semaphore_mem>>)
      %dma_wait3A = arith.constant 0 : i32
      %dma_wait3A_14 = tpu.memref_slice %arg14[%mul3A_2, %dma_wait3A] : memref<10240x128xf32, #tpu.memory_space<vmem_shared>> -> memref<640x128xf32, #tpu.memory_space<vmem_shared>>
      tpu.wait_dma2 semaphore(%run_scoped3A : memref<!tpu.dma_semaphore, #tpu.memory_space<semaphore_mem>>) src(%arg5 : memref<640x128xf32, #tpu.memory_space<hbm>>) dst(%dma_wait3A_14 : memref<640x128xf32, #tpu.memory_space<vmem_shared>>)
      tpu.yield
    }) : () -> ()
    %barrier3A = arith.constant 0 : index
    tpu.barrier barrier_id(%barrier3A)
    %scan3A = arith.constant 0 : i32
    %scan3A_3 = arith.constant 0 : i32
    %scan3A_4 = arith.constant 5 : i32
    %scan3A_5 = arith.addi %scan3A_3, %scan3A_4 : i32
    %scan3A_6 = arith.constant 1 : i32
    scf.for %scan3A_13 = %scan3A_3 to %scan3A_5 step %scan3A_6  : i32 {
      %mul3A_14 = arith.constant 200 : i32
      %mul3A_15 = arith.muli %add3A, %mul3A_14 : i32
      %mul3A_16 = arith.constant 40 : i32
      %mul3A_17 = arith.muli %scan3A_13, %mul3A_16 : i32
      %add3A_18 = arith.addi %mul3A_15, %mul3A_17 : i32
      "tpu.region"() ({
        %run_scoped3A = tpu.sem_alloc : memref<!tpu.dma_semaphore, #tpu.memory_space<semaphore_mem>>
        %dma_start3A_59 = arith.constant 0 : i32
        %dma_start3A_60 = tpu.memref_slice %arg3[%add3A_18, %dma_start3A_59] : memref<6400x50xi32, #tpu.memory_space<hbm>> -> memref<40x50xi32, #tpu.memory_space<hbm>>
        %dma_start3A_61 = arith.constant 0 : i32
        %dma_start3A_62 = tpu.memref_slice %arg3[%add3A_18, %dma_start3A_61] : memref<6400x50xi32, #tpu.memory_space<hbm>> -> memref<40x50xi32, #tpu.memory_space<hbm>>
        tpu.enqueue_dma source(%dma_start3A_62 : memref<40x50xi32, #tpu.memory_space<hbm>>) target(%arg7 : memref<40x50xi32, #tpu.memory_space<vmem>>) target_semaphore(%run_scoped3A : memref<!tpu.dma_semaphore, #tpu.memory_space<semaphore_mem>>)
        %dma_wait3A = arith.constant 0 : i32
        %dma_wait3A_63 = tpu.memref_slice %arg3[%add3A_18, %dma_wait3A] : memref<6400x50xi32, #tpu.memory_space<hbm>> -> memref<40x50xi32, #tpu.memory_space<hbm>>
        %dma_wait3A_64 = arith.constant 0 : i32
        %dma_wait3A_65 = tpu.memref_slice %arg3[%add3A_18, %dma_wait3A_64] : memref<6400x50xi32, #tpu.memory_space<hbm>> -> memref<40x50xi32, #tpu.memory_space<hbm>>
        tpu.wait_dma2 semaphore(%run_scoped3A : memref<!tpu.dma_semaphore, #tpu.memory_space<semaphore_mem>>) src(%dma_wait3A_65 : memref<40x50xi32, #tpu.memory_space<hbm>>) dst(%arg7 : memref<40x50xi32, #tpu.memory_space<vmem>>)
        tpu.yield
      }) : () -> ()
      "tpu.region"() ({
        %run_scoped3A = tpu.sem_alloc : memref<!tpu.dma_semaphore, #tpu.memory_space<semaphore_mem>>
        %dma_start3A_59 = arith.constant 0 : i32
        %dma_start3A_60 = tpu.memref_slice %arg4[%add3A_18, %dma_start3A_59] : memref<6400x50xi32, #tpu.memory_space<hbm>> -> memref<40x50xi32, #tpu.memory_space<hbm>>
        %dma_start3A_61 = arith.constant 0 : i32
        %dma_start3A_62 = tpu.memref_slice %arg4[%add3A_18, %dma_start3A_61] : memref<6400x50xi32, #tpu.memory_space<hbm>> -> memref<40x50xi32, #tpu.memory_space<hbm>>
        tpu.enqueue_dma source(%dma_start3A_62 : memref<40x50xi32, #tpu.memory_space<hbm>>) target(%arg8 : memref<40x50xi32, #tpu.memory_space<vmem>>) target_semaphore(%run_scoped3A : memref<!tpu.dma_semaphore, #tpu.memory_space<semaphore_mem>>)
        %dma_wait3A = arith.constant 0 : i32
        %dma_wait3A_63 = tpu.memref_slice %arg4[%add3A_18, %dma_wait3A] : memref<6400x50xi32, #tpu.memory_space<hbm>> -> memref<40x50xi32, #tpu.memory_space<hbm>>
        %dma_wait3A_64 = arith.constant 0 : i32
        %dma_wait3A_65 = tpu.memref_slice %arg4[%add3A_18, %dma_wait3A_64] : memref<6400x50xi32, #tpu.memory_space<hbm>> -> memref<40x50xi32, #tpu.memory_space<hbm>>
        tpu.wait_dma2 semaphore(%run_scoped3A : memref<!tpu.dma_semaphore, #tpu.memory_space<semaphore_mem>>) src(%dma_wait3A_65 : memref<40x50xi32, #tpu.memory_space<hbm>>) dst(%arg8 : memref<40x50xi32, #tpu.memory_space<vmem>>)
        tpu.yield
      }) : () -> ()
      %dma_start3A = arith.constant 0 : i32
      %dma_start3A_19 = arith.constant 0 : i32
      %dma_start3A_20 = tpu.memref_slice %arg7[%dma_start3A, %dma_start3A_19] : memref<40x50xi32, #tpu.memory_space<vmem>> -> memref<1x50xi32, #tpu.memory_space<vmem>>
      %dma_start3A_21 = tpu.memref_squeeze %dma_start3A_20 : memref<1x50xi32, #tpu.memory_space<vmem>> -> memref<50xi32, #tpu.memory_space<vmem>>
      %dma_start3A_22 = arith.constant 0 : i32
      %dma_start3A_23 = arith.constant 0 : i32
      %dma_start3A_24 = tpu.memref_slice %arg2[%dma_start3A_22, %dma_start3A_23] : memref<10240x128xf32, #tpu.memory_space<hbm>> -> memref<10240x128xf32, #tpu.memory_space<hbm>>
      tpu.enqueue_indirect_dma source(%dma_start3A_24 : memref<10240x128xf32, #tpu.memory_space<hbm>>) target(%arg9 : memref<50x128xf32, #tpu.memory_space<vmem>>) offsets(%dma_start3A_21 : memref<50xi32, #tpu.memory_space<vmem>>) semaphore(%arg15 : memref<!tpu.dma_semaphore, #tpu.memory_space<semaphore_mem>>)
      %dma_start3A_25 = arith.constant 1 : i32
      %dma_start3A_26 = arith.constant 0 : i32
      %dma_start3A_27 = tpu.memref_slice %arg7[%dma_start3A_25, %dma_start3A_26] : memref<40x50xi32, #tpu.memory_space<vmem>> -> memref<1x50xi32, #tpu.memory_space<vmem>>
      %dma_start3A_28 = tpu.memref_squeeze %dma_start3A_27 : memref<1x50xi32, #tpu.memory_space<vmem>> -> memref<50xi32, #tpu.memory_space<vmem>>
      %dma_start3A_29 = arith.constant 0 : i32
      %dma_start3A_30 = arith.constant 0 : i32
      %dma_start3A_31 = tpu.memref_slice %arg2[%dma_start3A_29, %dma_start3A_30] : memref<10240x128xf32, #tpu.memory_space<hbm>> -> memref<10240x128xf32, #tpu.memory_space<hbm>>
      tpu.enqueue_indirect_dma source(%dma_start3A_31 : memref<10240x128xf32, #tpu.memory_space<hbm>>) target(%arg10 : memref<50x128xf32, #tpu.memory_space<vmem>>) offsets(%dma_start3A_28 : memref<50xi32, #tpu.memory_space<vmem>>) semaphore(%arg16 : memref<!tpu.dma_semaphore, #tpu.memory_space<semaphore_mem>>)
      %dma_start3A_32 = arith.constant 2 : i32
      %dma_start3A_33 = arith.constant 0 : i32
      %dma_start3A_34 = tpu.memref_slice %arg7[%dma_start3A_32, %dma_start3A_33] : memref<40x50xi32, #tpu.memory_space<vmem>> -> memref<1x50xi32, #tpu.memory_space<vmem>>
      %dma_start3A_35 = tpu.memref_squeeze %dma_start3A_34 : memref<1x50xi32, #tpu.memory_space<vmem>> -> memref<50xi32, #tpu.memory_space<vmem>>
      %dma_start3A_36 = arith.constant 0 : i32
      %dma_start3A_37 = arith.constant 0 : i32
      %dma_start3A_38 = tpu.memref_slice %arg2[%dma_start3A_36, %dma_start3A_37] : memref<10240x128xf32, #tpu.memory_space<hbm>> -> memref<10240x128xf32, #tpu.memory_space<hbm>>
      tpu.enqueue_indirect_dma source(%dma_start3A_38 : memref<10240x128xf32, #tpu.memory_space<hbm>>) target(%arg11 : memref<50x128xf32, #tpu.memory_space<vmem>>) offsets(%dma_start3A_35 : memref<50xi32, #tpu.memory_space<vmem>>) semaphore(%arg17 : memref<!tpu.dma_semaphore, #tpu.memory_space<semaphore_mem>>)
      %dma_start3A_39 = arith.constant 3 : i32
      %dma_start3A_40 = arith.constant 0 : i32
      %dma_start3A_41 = tpu.memref_slice %arg7[%dma_start3A_39, %dma_start3A_40] : memref<40x50xi32, #tpu.memory_space<vmem>> -> memref<1x50xi32, #tpu.memory_space<vmem>>
      %dma_start3A_42 = tpu.memref_squeeze %dma_start3A_41 : memref<1x50xi32, #tpu.memory_space<vmem>> -> memref<50xi32, #tpu.memory_space<vmem>>
      %dma_start3A_43 = arith.constant 0 : i32
      %dma_start3A_44 = arith.constant 0 : i32
      %dma_start3A_45 = tpu.memref_slice %arg2[%dma_start3A_43, %dma_start3A_44] : memref<10240x128xf32, #tpu.memory_space<hbm>> -> memref<10240x128xf32, #tpu.memory_space<hbm>>
      tpu.enqueue_indirect_dma source(%dma_start3A_45 : memref<10240x128xf32, #tpu.memory_space<hbm>>) target(%arg12 : memref<50x128xf32, #tpu.memory_space<vmem>>) offsets(%dma_start3A_42 : memref<50xi32, #tpu.memory_space<vmem>>) semaphore(%arg18 : memref<!tpu.dma_semaphore, #tpu.memory_space<semaphore_mem>>)
      %dma_start3A_46 = arith.constant 4 : i32
      %dma_start3A_47 = arith.constant 0 : i32
      %dma_start3A_48 = tpu.memref_slice %arg7[%dma_start3A_46, %dma_start3A_47] : memref<40x50xi32, #tpu.memory_space<vmem>> -> memref<1x50xi32, #tpu.memory_space<vmem>>
      %dma_start3A_49 = tpu.memref_squeeze %dma_start3A_48 : memref<1x50xi32, #tpu.memory_space<vmem>> -> memref<50xi32, #tpu.memory_space<vmem>>
      %dma_start3A_50 = arith.constant 0 : i32
      %dma_start3A_51 = arith.constant 0 : i32
      %dma_start3A_52 = tpu.memref_slice %arg2[%dma_start3A_50, %dma_start3A_51] : memref<10240x128xf32, #tpu.memory_space<hbm>> -> memref<10240x128xf32, #tpu.memory_space<hbm>>
      tpu.enqueue_indirect_dma source(%dma_start3A_52 : memref<10240x128xf32, #tpu.memory_space<hbm>>) target(%arg13 : memref<50x128xf32, #tpu.memory_space<vmem>>) offsets(%dma_start3A_49 : memref<50xi32, #tpu.memory_space<vmem>>) semaphore(%arg19 : memref<!tpu.dma_semaphore, #tpu.memory_space<semaphore_mem>>)
      %scan3A_53 = arith.constant 0 : i32
      %scan3A_54 = arith.constant 0 : i32
      %scan3A_55 = arith.constant 8 : i32
      %scan3A_56 = arith.addi %scan3A_54, %scan3A_55 : i32
      %scan3A_57 = arith.constant 1 : i32
      scf.for %scan3A_59 = %scan3A_54 to %scan3A_56 step %scan3A_57  : i32 {
        %mul3A_60 = arith.constant 5 : i32
        %mul3A_61 = arith.muli %scan3A_59, %mul3A_60 : i32
        %add3A_62 = arith.constant 0 : i32
        %add3A_63 = arith.addi %mul3A_61, %add3A_62 : i32
        %dma_wait3A = arith.constant 0 : i32
        %dma_wait3A_64 = tpu.memref_slice %arg7[%add3A_63, %dma_wait3A] : memref<40x50xi32, #tpu.memory_space<vmem>> -> memref<1x50xi32, #tpu.memory_space<vmem>>
        %dma_wait3A_65 = tpu.memref_squeeze %dma_wait3A_64 : memref<1x50xi32, #tpu.memory_space<vmem>> -> memref<50xi32, #tpu.memory_space<vmem>>
        %dma_wait3A_66 = arith.constant 0 : i32
        %dma_wait3A_67 = arith.constant 0 : i32
        %dma_wait3A_68 = tpu.memref_slice %arg2[%dma_wait3A_66, %dma_wait3A_67] : memref<10240x128xf32, #tpu.memory_space<hbm>> -> memref<10240x128xf32, #tpu.memory_space<hbm>>
        tpu.wait_indirect_dma semaphore(%arg15 : memref<!tpu.dma_semaphore, #tpu.memory_space<semaphore_mem>>) src(%dma_wait3A_68 : memref<10240x128xf32, #tpu.memory_space<hbm>>) dst(%arg9 : memref<50x128xf32, #tpu.memory_space<vmem>>)
        %dma_start3A_69 = arith.constant 0 : i32
        %dma_start3A_70 = tpu.memref_slice %arg8[%add3A_63, %dma_start3A_69] : memref<40x50xi32, #tpu.memory_space<vmem>> -> memref<1x50xi32, #tpu.memory_space<vmem>>
        %dma_start3A_71 = tpu.memref_squeeze %dma_start3A_70 : memref<1x50xi32, #tpu.memory_space<vmem>> -> memref<50xi32, #tpu.memory_space<vmem>>
        %dma_start3A_72 = arith.constant 0 : i32
        %dma_start3A_73 = arith.constant 0 : i32
        %dma_start3A_74 = tpu.memref_slice %arg14[%dma_start3A_72, %dma_start3A_73] : memref<10240x128xf32, #tpu.memory_space<vmem_shared>> -> memref<10240x128xf32, #tpu.memory_space<vmem_shared>>
        tpu.enqueue_indirect_dma source(%arg9 : memref<50x128xf32, #tpu.memory_space<vmem>>) target(%dma_start3A_74 : memref<10240x128xf32, #tpu.memory_space<vmem_shared>>) offsets(%dma_start3A_71 : memref<50xi32, #tpu.memory_space<vmem>>) semaphore(%arg20 : memref<!tpu.dma_semaphore, #tpu.memory_space<semaphore_mem>>) {add = true}
        %dma_wait3A_75 = arith.constant 0 : i32
        %dma_wait3A_76 = tpu.memref_slice %arg8[%add3A_63, %dma_wait3A_75] : memref<40x50xi32, #tpu.memory_space<vmem>> -> memref<1x50xi32, #tpu.memory_space<vmem>>
        %dma_wait3A_77 = tpu.memref_squeeze %dma_wait3A_76 : memref<1x50xi32, #tpu.memory_space<vmem>> -> memref<50xi32, #tpu.memory_space<vmem>>
        %dma_wait3A_78 = arith.constant 0 : i32
        %dma_wait3A_79 = arith.constant 0 : i32
        %dma_wait3A_80 = tpu.memref_slice %arg14[%dma_wait3A_78, %dma_wait3A_79] : memref<10240x128xf32, #tpu.memory_space<vmem_shared>> -> memref<10240x128xf32, #tpu.memory_space<vmem_shared>>
        tpu.wait_indirect_dma semaphore(%arg20 : memref<!tpu.dma_semaphore, #tpu.memory_space<semaphore_mem>>) src(%arg9 : memref<50x128xf32, #tpu.memory_space<vmem>>) dst(%dma_wait3A_80 : memref<10240x128xf32, #tpu.memory_space<vmem_shared>>)
        %add3A_81 = arith.constant 5 : i32
        %add3A_82 = arith.addi %add3A_63, %add3A_81 : i32
        %lt3A = arith.constant 40 : i32
        %lt3A_83 = arith.cmpi slt, %add3A_82, %lt3A : i32
        %convert_element_type3A = arith.extui %lt3A_83 : i1 to i32
        %cond3A = arith.constant 0 : i32
        %cond3A_84 = arith.cmpi ne, %convert_element_type3A, %cond3A : i32
        scf.if %cond3A_84 {
          %add3A_201 = arith.constant 5 : i32
          %add3A_202 = arith.addi %add3A_63, %add3A_201 : i32
          %dma_start3A_203 = arith.constant 0 : i32
          %dma_start3A_204 = tpu.memref_slice %arg7[%add3A_202, %dma_start3A_203] : memref<40x50xi32, #tpu.memory_space<vmem>> -> memref<1x50xi32, #tpu.memory_space<vmem>>
          %dma_start3A_205 = tpu.memref_squeeze %dma_start3A_204 : memref<1x50xi32, #tpu.memory_space<vmem>> -> memref<50xi32, #tpu.memory_space<vmem>>
          %dma_start3A_206 = arith.constant 0 : i32
          %dma_start3A_207 = arith.constant 0 : i32
          %dma_start3A_208 = tpu.memref_slice %arg2[%dma_start3A_206, %dma_start3A_207] : memref<10240x128xf32, #tpu.memory_space<hbm>> -> memref<10240x128xf32, #tpu.memory_space<hbm>>
          tpu.enqueue_indirect_dma source(%dma_start3A_208 : memref<10240x128xf32, #tpu.memory_space<hbm>>) target(%arg9 : memref<50x128xf32, #tpu.memory_space<vmem>>) offsets(%dma_start3A_205 : memref<50xi32, #tpu.memory_space<vmem>>) semaphore(%arg15 : memref<!tpu.dma_semaphore, #tpu.memory_space<semaphore_mem>>)
        } else {
        }
        %mul3A_85 = arith.constant 5 : i32
        %mul3A_86 = arith.muli %scan3A_59, %mul3A_85 : i32
        %add3A_87 = arith.constant 1 : i32
        %add3A_88 = arith.addi %mul3A_86, %add3A_87 : i32
        %dma_wait3A_89 = arith.constant 0 : i32
        %dma_wait3A_90 = tpu.memref_slice %arg7[%add3A_88, %dma_wait3A_89] : memref<40x50xi32, #tpu.memory_space<vmem>> -> memref<1x50xi32, #tpu.memory_space<vmem>>
        %dma_wait3A_91 = tpu.memref_squeeze %dma_wait3A_90 : memref<1x50xi32, #tpu.memory_space<vmem>> -> memref<50xi32, #tpu.memory_space<vmem>>
        %dma_wait3A_92 = arith.constant 0 : i32
        %dma_wait3A_93 = arith.constant 0 : i32
        %dma_wait3A_94 = tpu.memref_slice %arg2[%dma_wait3A_92, %dma_wait3A_93] : memref<10240x128xf32, #tpu.memory_space<hbm>> -> memref<10240x128xf32, #tpu.memory_space<hbm>>
        tpu.wait_indirect_dma semaphore(%arg16 : memref<!tpu.dma_semaphore, #tpu.memory_space<semaphore_mem>>) src(%dma_wait3A_94 : memref<10240x128xf32, #tpu.memory_space<hbm>>) dst(%arg10 : memref<50x128xf32, #tpu.memory_space<vmem>>)
        %dma_start3A_95 = arith.constant 0 : i32
        %dma_start3A_96 = tpu.memref_slice %arg8[%add3A_88, %dma_start3A_95] : memref<40x50xi32, #tpu.memory_space<vmem>> -> memref<1x50xi32, #tpu.memory_space<vmem>>
        %dma_start3A_97 = tpu.memref_squeeze %dma_start3A_96 : memref<1x50xi32, #tpu.memory_space<vmem>> -> memref<50xi32, #tpu.memory_space<vmem>>
        %dma_start3A_98 = arith.constant 0 : i32
        %dma_start3A_99 = arith.constant 0 : i32
        %dma_start3A_100 = tpu.memref_slice %arg14[%dma_start3A_98, %dma_start3A_99] : memref<10240x128xf32, #tpu.memory_space<vmem_shared>> -> memref<10240x128xf32, #tpu.memory_space<vmem_shared>>
        tpu.enqueue_indirect_dma source(%arg10 : memref<50x128xf32, #tpu.memory_space<vmem>>) target(%dma_start3A_100 : memref<10240x128xf32, #tpu.memory_space<vmem_shared>>) offsets(%dma_start3A_97 : memref<50xi32, #tpu.memory_space<vmem>>) semaphore(%arg21 : memref<!tpu.dma_semaphore, #tpu.memory_space<semaphore_mem>>) {add = true}
        %dma_wait3A_101 = arith.constant 0 : i32
        %dma_wait3A_102 = tpu.memref_slice %arg8[%add3A_88, %dma_wait3A_101] : memref<40x50xi32, #tpu.memory_space<vmem>> -> memref<1x50xi32, #tpu.memory_space<vmem>>
        %dma_wait3A_103 = tpu.memref_squeeze %dma_wait3A_102 : memref<1x50xi32, #tpu.memory_space<vmem>> -> memref<50xi32, #tpu.memory_space<vmem>>
        %dma_wait3A_104 = arith.constant 0 : i32
        %dma_wait3A_105 = arith.constant 0 : i32
        %dma_wait3A_106 = tpu.memref_slice %arg14[%dma_wait3A_104, %dma_wait3A_105] : memref<10240x128xf32, #tpu.memory_space<vmem_shared>> -> memref<10240x128xf32, #tpu.memory_space<vmem_shared>>
        tpu.wait_indirect_dma semaphore(%arg21 : memref<!tpu.dma_semaphore, #tpu.memory_space<semaphore_mem>>) src(%arg10 : memref<50x128xf32, #tpu.memory_space<vmem>>) dst(%dma_wait3A_106 : memref<10240x128xf32, #tpu.memory_space<vmem_shared>>)
        %add3A_107 = arith.constant 5 : i32
        %add3A_108 = arith.addi %add3A_88, %add3A_107 : i32
        %lt3A_109 = arith.constant 40 : i32
        %lt3A_110 = arith.cmpi slt, %add3A_108, %lt3A_109 : i32
        %convert_element_type3A_111 = arith.extui %lt3A_110 : i1 to i32
        %cond3A_112 = arith.constant 0 : i32
        %cond3A_113 = arith.cmpi ne, %convert_element_type3A_111, %cond3A_112 : i32
        scf.if %cond3A_113 {
          %add3A_201 = arith.constant 5 : i32
          %add3A_202 = arith.addi %add3A_88, %add3A_201 : i32
          %dma_start3A_203 = arith.constant 0 : i32
          %dma_start3A_204 = tpu.memref_slice %arg7[%add3A_202, %dma_start3A_203] : memref<40x50xi32, #tpu.memory_space<vmem>> -> memref<1x50xi32, #tpu.memory_space<vmem>>
          %dma_start3A_205 = tpu.memref_squeeze %dma_start3A_204 : memref<1x50xi32, #tpu.memory_space<vmem>> -> memref<50xi32, #tpu.memory_space<vmem>>
          %dma_start3A_206 = arith.constant 0 : i32
          %dma_start3A_207 = arith.constant 0 : i32
          %dma_start3A_208 = tpu.memref_slice %arg2[%dma_start3A_206, %dma_start3A_207] : memref<10240x128xf32, #tpu.memory_space<hbm>> -> memref<10240x128xf32, #tpu.memory_space<hbm>>
          tpu.enqueue_indirect_dma source(%dma_start3A_208 : memref<10240x128xf32, #tpu.memory_space<hbm>>) target(%arg10 : memref<50x128xf32, #tpu.memory_space<vmem>>) offsets(%dma_start3A_205 : memref<50xi32, #tpu.memory_space<vmem>>) semaphore(%arg16 : memref<!tpu.dma_semaphore, #tpu.memory_space<semaphore_mem>>)
        } else {
        }
        %mul3A_114 = arith.constant 5 : i32
        %mul3A_115 = arith.muli %scan3A_59, %mul3A_114 : i32
        %add3A_116 = arith.constant 2 : i32
        %add3A_117 = arith.addi %mul3A_115, %add3A_116 : i32
        %dma_wait3A_118 = arith.constant 0 : i32
        %dma_wait3A_119 = tpu.memref_slice %arg7[%add3A_117, %dma_wait3A_118] : memref<40x50xi32, #tpu.memory_space<vmem>> -> memref<1x50xi32, #tpu.memory_space<vmem>>
        %dma_wait3A_120 = tpu.memref_squeeze %dma_wait3A_119 : memref<1x50xi32, #tpu.memory_space<vmem>> -> memref<50xi32, #tpu.memory_space<vmem>>
        %dma_wait3A_121 = arith.constant 0 : i32
        %dma_wait3A_122 = arith.constant 0 : i32
        %dma_wait3A_123 = tpu.memref_slice %arg2[%dma_wait3A_121, %dma_wait3A_122] : memref<10240x128xf32, #tpu.memory_space<hbm>> -> memref<10240x128xf32, #tpu.memory_space<hbm>>
        tpu.wait_indirect_dma semaphore(%arg17 : memref<!tpu.dma_semaphore, #tpu.memory_space<semaphore_mem>>) src(%dma_wait3A_123 : memref<10240x128xf32, #tpu.memory_space<hbm>>) dst(%arg11 : memref<50x128xf32, #tpu.memory_space<vmem>>)
        %dma_start3A_124 = arith.constant 0 : i32
        %dma_start3A_125 = tpu.memref_slice %arg8[%add3A_117, %dma_start3A_124] : memref<40x50xi32, #tpu.memory_space<vmem>> -> memref<1x50xi32, #tpu.memory_space<vmem>>
        %dma_start3A_126 = tpu.memref_squeeze %dma_start3A_125 : memref<1x50xi32, #tpu.memory_space<vmem>> -> memref<50xi32, #tpu.memory_space<vmem>>
        %dma_start3A_127 = arith.constant 0 : i32
        %dma_start3A_128 = arith.constant 0 : i32
        %dma_start3A_129 = tpu.memref_slice %arg14[%dma_start3A_127, %dma_start3A_128] : memref<10240x128xf32, #tpu.memory_space<vmem_shared>> -> memref<10240x128xf32, #tpu.memory_space<vmem_shared>>
        tpu.enqueue_indirect_dma source(%arg11 : memref<50x128xf32, #tpu.memory_space<vmem>>) target(%dma_start3A_129 : memref<10240x128xf32, #tpu.memory_space<vmem_shared>>) offsets(%dma_start3A_126 : memref<50xi32, #tpu.memory_space<vmem>>) semaphore(%arg22 : memref<!tpu.dma_semaphore, #tpu.memory_space<semaphore_mem>>) {add = true}
        %dma_wait3A_130 = arith.constant 0 : i32
        %dma_wait3A_131 = tpu.memref_slice %arg8[%add3A_117, %dma_wait3A_130] : memref<40x50xi32, #tpu.memory_space<vmem>> -> memref<1x50xi32, #tpu.memory_space<vmem>>
        %dma_wait3A_132 = tpu.memref_squeeze %dma_wait3A_131 : memref<1x50xi32, #tpu.memory_space<vmem>> -> memref<50xi32, #tpu.memory_space<vmem>>
        %dma_wait3A_133 = arith.constant 0 : i32
        %dma_wait3A_134 = arith.constant 0 : i32
        %dma_wait3A_135 = tpu.memref_slice %arg14[%dma_wait3A_133, %dma_wait3A_134] : memref<10240x128xf32, #tpu.memory_space<vmem_shared>> -> memref<10240x128xf32, #tpu.memory_space<vmem_shared>>
        tpu.wait_indirect_dma semaphore(%arg22 : memref<!tpu.dma_semaphore, #tpu.memory_space<semaphore_mem>>) src(%arg11 : memref<50x128xf32, #tpu.memory_space<vmem>>) dst(%dma_wait3A_135 : memref<10240x128xf32, #tpu.memory_space<vmem_shared>>)
        %add3A_136 = arith.constant 5 : i32
        %add3A_137 = arith.addi %add3A_117, %add3A_136 : i32
        %lt3A_138 = arith.constant 40 : i32
        %lt3A_139 = arith.cmpi slt, %add3A_137, %lt3A_138 : i32
        %convert_element_type3A_140 = arith.extui %lt3A_139 : i1 to i32
        %cond3A_141 = arith.constant 0 : i32
        %cond3A_142 = arith.cmpi ne, %convert_element_type3A_140, %cond3A_141 : i32
        scf.if %cond3A_142 {
          %add3A_201 = arith.constant 5 : i32
          %add3A_202 = arith.addi %add3A_117, %add3A_201 : i32
          %dma_start3A_203 = arith.constant 0 : i32
          %dma_start3A_204 = tpu.memref_slice %arg7[%add3A_202, %dma_start3A_203] : memref<40x50xi32, #tpu.memory_space<vmem>> -> memref<1x50xi32, #tpu.memory_space<vmem>>
          %dma_start3A_205 = tpu.memref_squeeze %dma_start3A_204 : memref<1x50xi32, #tpu.memory_space<vmem>> -> memref<50xi32, #tpu.memory_space<vmem>>
          %dma_start3A_206 = arith.constant 0 : i32
          %dma_start3A_207 = arith.constant 0 : i32
          %dma_start3A_208 = tpu.memref_slice %arg2[%dma_start3A_206, %dma_start3A_207] : memref<10240x128xf32, #tpu.memory_space<hbm>> -> memref<10240x128xf32, #tpu.memory_space<hbm>>
          tpu.enqueue_indirect_dma source(%dma_start3A_208 : memref<10240x128xf32, #tpu.memory_space<hbm>>) target(%arg11 : memref<50x128xf32, #tpu.memory_space<vmem>>) offsets(%dma_start3A_205 : memref<50xi32, #tpu.memory_space<vmem>>) semaphore(%arg17 : memref<!tpu.dma_semaphore, #tpu.memory_space<semaphore_mem>>)
        } else {
        }
        %mul3A_143 = arith.constant 5 : i32
        %mul3A_144 = arith.muli %scan3A_59, %mul3A_143 : i32
        %add3A_145 = arith.constant 3 : i32
        %add3A_146 = arith.addi %mul3A_144, %add3A_145 : i32
        %dma_wait3A_147 = arith.constant 0 : i32
        %dma_wait3A_148 = tpu.memref_slice %arg7[%add3A_146, %dma_wait3A_147] : memref<40x50xi32, #tpu.memory_space<vmem>> -> memref<1x50xi32, #tpu.memory_space<vmem>>
        %dma_wait3A_149 = tpu.memref_squeeze %dma_wait3A_148 : memref<1x50xi32, #tpu.memory_space<vmem>> -> memref<50xi32, #tpu.memory_space<vmem>>
        %dma_wait3A_150 = arith.constant 0 : i32
        %dma_wait3A_151 = arith.constant 0 : i32
        %dma_wait3A_152 = tpu.memref_slice %arg2[%dma_wait3A_150, %dma_wait3A_151] : memref<10240x128xf32, #tpu.memory_space<hbm>> -> memref<10240x128xf32, #tpu.memory_space<hbm>>
        tpu.wait_indirect_dma semaphore(%arg18 : memref<!tpu.dma_semaphore, #tpu.memory_space<semaphore_mem>>) src(%dma_wait3A_152 : memref<10240x128xf32, #tpu.memory_space<hbm>>) dst(%arg12 : memref<50x128xf32, #tpu.memory_space<vmem>>)
        %dma_start3A_153 = arith.constant 0 : i32
        %dma_start3A_154 = tpu.memref_slice %arg8[%add3A_146, %dma_start3A_153] : memref<40x50xi32, #tpu.memory_space<vmem>> -> memref<1x50xi32, #tpu.memory_space<vmem>>
        %dma_start3A_155 = tpu.memref_squeeze %dma_start3A_154 : memref<1x50xi32, #tpu.memory_space<vmem>> -> memref<50xi32, #tpu.memory_space<vmem>>
        %dma_start3A_156 = arith.constant 0 : i32
        %dma_start3A_157 = arith.constant 0 : i32
        %dma_start3A_158 = tpu.memref_slice %arg14[%dma_start3A_156, %dma_start3A_157] : memref<10240x128xf32, #tpu.memory_space<vmem_shared>> -> memref<10240x128xf32, #tpu.memory_space<vmem_shared>>
        tpu.enqueue_indirect_dma source(%arg12 : memref<50x128xf32, #tpu.memory_space<vmem>>) target(%dma_start3A_158 : memref<10240x128xf32, #tpu.memory_space<vmem_shared>>) offsets(%dma_start3A_155 : memref<50xi32, #tpu.memory_space<vmem>>) semaphore(%arg23 : memref<!tpu.dma_semaphore, #tpu.memory_space<semaphore_mem>>) {add = true}
        %dma_wait3A_159 = arith.constant 0 : i32
        %dma_wait3A_160 = tpu.memref_slice %arg8[%add3A_146, %dma_wait3A_159] : memref<40x50xi32, #tpu.memory_space<vmem>> -> memref<1x50xi32, #tpu.memory_space<vmem>>
        %dma_wait3A_161 = tpu.memref_squeeze %dma_wait3A_160 : memref<1x50xi32, #tpu.memory_space<vmem>> -> memref<50xi32, #tpu.memory_space<vmem>>
        %dma_wait3A_162 = arith.constant 0 : i32
        %dma_wait3A_163 = arith.constant 0 : i32
        %dma_wait3A_164 = tpu.memref_slice %arg14[%dma_wait3A_162, %dma_wait3A_163] : memref<10240x128xf32, #tpu.memory_space<vmem_shared>> -> memref<10240x128xf32, #tpu.memory_space<vmem_shared>>
        tpu.wait_indirect_dma semaphore(%arg23 : memref<!tpu.dma_semaphore, #tpu.memory_space<semaphore_mem>>) src(%arg12 : memref<50x128xf32, #tpu.memory_space<vmem>>) dst(%dma_wait3A_164 : memref<10240x128xf32, #tpu.memory_space<vmem_shared>>)
        %add3A_165 = arith.constant 5 : i32
        %add3A_166 = arith.addi %add3A_146, %add3A_165 : i32
        %lt3A_167 = arith.constant 40 : i32
        %lt3A_168 = arith.cmpi slt, %add3A_166, %lt3A_167 : i32
        %convert_element_type3A_169 = arith.extui %lt3A_168 : i1 to i32
        %cond3A_170 = arith.constant 0 : i32
        %cond3A_171 = arith.cmpi ne, %convert_element_type3A_169, %cond3A_170 : i32
        scf.if %cond3A_171 {
          %add3A_201 = arith.constant 5 : i32
          %add3A_202 = arith.addi %add3A_146, %add3A_201 : i32
          %dma_start3A_203 = arith.constant 0 : i32
          %dma_start3A_204 = tpu.memref_slice %arg7[%add3A_202, %dma_start3A_203] : memref<40x50xi32, #tpu.memory_space<vmem>> -> memref<1x50xi32, #tpu.memory_space<vmem>>
          %dma_start3A_205 = tpu.memref_squeeze %dma_start3A_204 : memref<1x50xi32, #tpu.memory_space<vmem>> -> memref<50xi32, #tpu.memory_space<vmem>>
          %dma_start3A_206 = arith.constant 0 : i32
          %dma_start3A_207 = arith.constant 0 : i32
          %dma_start3A_208 = tpu.memref_slice %arg2[%dma_start3A_206, %dma_start3A_207] : memref<10240x128xf32, #tpu.memory_space<hbm>> -> memref<10240x128xf32, #tpu.memory_space<hbm>>
          tpu.enqueue_indirect_dma source(%dma_start3A_208 : memref<10240x128xf32, #tpu.memory_space<hbm>>) target(%arg12 : memref<50x128xf32, #tpu.memory_space<vmem>>) offsets(%dma_start3A_205 : memref<50xi32, #tpu.memory_space<vmem>>) semaphore(%arg18 : memref<!tpu.dma_semaphore, #tpu.memory_space<semaphore_mem>>)
        } else {
        }
        %mul3A_172 = arith.constant 5 : i32
        %mul3A_173 = arith.muli %scan3A_59, %mul3A_172 : i32
        %add3A_174 = arith.constant 4 : i32
        %add3A_175 = arith.addi %mul3A_173, %add3A_174 : i32
        %dma_wait3A_176 = arith.constant 0 : i32
        %dma_wait3A_177 = tpu.memref_slice %arg7[%add3A_175, %dma_wait3A_176] : memref<40x50xi32, #tpu.memory_space<vmem>> -> memref<1x50xi32, #tpu.memory_space<vmem>>
        %dma_wait3A_178 = tpu.memref_squeeze %dma_wait3A_177 : memref<1x50xi32, #tpu.memory_space<vmem>> -> memref<50xi32, #tpu.memory_space<vmem>>
        %dma_wait3A_179 = arith.constant 0 : i32
        %dma_wait3A_180 = arith.constant 0 : i32
        %dma_wait3A_181 = tpu.memref_slice %arg2[%dma_wait3A_179, %dma_wait3A_180] : memref<10240x128xf32, #tpu.memory_space<hbm>> -> memref<10240x128xf32, #tpu.memory_space<hbm>>
        tpu.wait_indirect_dma semaphore(%arg19 : memref<!tpu.dma_semaphore, #tpu.memory_space<semaphore_mem>>) src(%dma_wait3A_181 : memref<10240x128xf32, #tpu.memory_space<hbm>>) dst(%arg13 : memref<50x128xf32, #tpu.memory_space<vmem>>)
        %dma_start3A_182 = arith.constant 0 : i32
        %dma_start3A_183 = tpu.memref_slice %arg8[%add3A_175, %dma_start3A_182] : memref<40x50xi32, #tpu.memory_space<vmem>> -> memref<1x50xi32, #tpu.memory_space<vmem>>
        %dma_start3A_184 = tpu.memref_squeeze %dma_start3A_183 : memref<1x50xi32, #tpu.memory_space<vmem>> -> memref<50xi32, #tpu.memory_space<vmem>>
        %dma_start3A_185 = arith.constant 0 : i32
        %dma_start3A_186 = arith.constant 0 : i32
        %dma_start3A_187 = tpu.memref_slice %arg14[%dma_start3A_185, %dma_start3A_186] : memref<10240x128xf32, #tpu.memory_space<vmem_shared>> -> memref<10240x128xf32, #tpu.memory_space<vmem_shared>>
        tpu.enqueue_indirect_dma source(%arg13 : memref<50x128xf32, #tpu.memory_space<vmem>>) target(%dma_start3A_187 : memref<10240x128xf32, #tpu.memory_space<vmem_shared>>) offsets(%dma_start3A_184 : memref<50xi32, #tpu.memory_space<vmem>>) semaphore(%arg24 : memref<!tpu.dma_semaphore, #tpu.memory_space<semaphore_mem>>) {add = true}
        %dma_wait3A_188 = arith.constant 0 : i32
        %dma_wait3A_189 = tpu.memref_slice %arg8[%add3A_175, %dma_wait3A_188] : memref<40x50xi32, #tpu.memory_space<vmem>> -> memref<1x50xi32, #tpu.memory_space<vmem>>
        %dma_wait3A_190 = tpu.memref_squeeze %dma_wait3A_189 : memref<1x50xi32, #tpu.memory_space<vmem>> -> memref<50xi32, #tpu.memory_space<vmem>>
        %dma_wait3A_191 = arith.constant 0 : i32
        %dma_wait3A_192 = arith.constant 0 : i32
        %dma_wait3A_193 = tpu.memref_slice %arg14[%dma_wait3A_191, %dma_wait3A_192] : memref<10240x128xf32, #tpu.memory_space<vmem_shared>> -> memref<10240x128xf32, #tpu.memory_space<vmem_shared>>
        tpu.wait_indirect_dma semaphore(%arg24 : memref<!tpu.dma_semaphore, #tpu.memory_space<semaphore_mem>>) src(%arg13 : memref<50x128xf32, #tpu.memory_space<vmem>>) dst(%dma_wait3A_193 : memref<10240x128xf32, #tpu.memory_space<vmem_shared>>)
        %add3A_194 = arith.constant 5 : i32
        %add3A_195 = arith.addi %add3A_175, %add3A_194 : i32
        %lt3A_196 = arith.constant 40 : i32
        %lt3A_197 = arith.cmpi slt, %add3A_195, %lt3A_196 : i32
        %convert_element_type3A_198 = arith.extui %lt3A_197 : i1 to i32
        %cond3A_199 = arith.constant 0 : i32
        %cond3A_200 = arith.cmpi ne, %convert_element_type3A_198, %cond3A_199 : i32
        scf.if %cond3A_200 {
          %add3A_201 = arith.constant 5 : i32
          %add3A_202 = arith.addi %add3A_175, %add3A_201 : i32
          %dma_start3A_203 = arith.constant 0 : i32
          %dma_start3A_204 = tpu.memref_slice %arg7[%add3A_202, %dma_start3A_203] : memref<40x50xi32, #tpu.memory_space<vmem>> -> memref<1x50xi32, #tpu.memory_space<vmem>>
          %dma_start3A_205 = tpu.memref_squeeze %dma_start3A_204 : memref<1x50xi32, #tpu.memory_space<vmem>> -> memref<50xi32, #tpu.memory_space<vmem>>
          %dma_start3A_206 = arith.constant 0 : i32
          %dma_start3A_207 = arith.constant 0 : i32
          %dma_start3A_208 = tpu.memref_slice %arg2[%dma_start3A_206, %dma_start3A_207] : memref<10240x128xf32, #tpu.memory_space<hbm>> -> memref<10240x128xf32, #tpu.memory_space<hbm>>
          tpu.enqueue_indirect_dma source(%dma_start3A_208 : memref<10240x128xf32, #tpu.memory_space<hbm>>) target(%arg13 : memref<50x128xf32, #tpu.memory_space<vmem>>) offsets(%dma_start3A_205 : memref<50xi32, #tpu.memory_space<vmem>>) semaphore(%arg19 : memref<!tpu.dma_semaphore, #tpu.memory_space<semaphore_mem>>)
        } else {
        }
      }
      %scan3A_58 = arith.constant 8 : i32
    }
    %scan3A_7 = arith.constant 5 : i32
    %barrier3A_8 = arith.constant 0 : index
    tpu.barrier barrier_id(%barrier3A_8)
    %mul3A_9 = arith.constant 640 : i32
    %mul3A_10 = arith.muli %arg1, %mul3A_9 : i32
    %mul3A_11 = arith.constant 640 : i32
    %mul3A_12 = arith.muli %arg1, %mul3A_11 : i32
    "tpu.region"() ({
      %run_scoped3A = tpu.sem_alloc : memref<!tpu.dma_semaphore, #tpu.memory_space<semaphore_mem>>
      %dma_start3A = arith.constant 0 : i32
      %dma_start3A_13 = tpu.memref_slice %arg6[%arg0, %mul3A_12, %dma_start3A] : memref<2x10240x128xf32, #tpu.memory_space<hbm>> -> memref<1x640x128xf32, #tpu.memory_space<hbm>>
      %dma_start3A_14 = tpu.memref_squeeze %dma_start3A_13 : memref<1x640x128xf32, #tpu.memory_space<hbm>> -> memref<640x128xf32, #tpu.memory_space<hbm>>
      %dma_start3A_15 = arith.constant 0 : i32
      %dma_start3A_16 = tpu.memref_slice %arg14[%mul3A_10, %dma_start3A_15] : memref<10240x128xf32, #tpu.memory_space<vmem_shared>> -> memref<640x128xf32, #tpu.memory_space<vmem_shared>>
      tpu.enqueue_dma source(%dma_start3A_16 : memref<640x128xf32, #tpu.memory_space<vmem_shared>>) target(%dma_start3A_14 : memref<640x128xf32, #tpu.memory_space<hbm>>) target_semaphore(%run_scoped3A : memref<!tpu.dma_semaphore, #tpu.memory_space<semaphore_mem>>)
      %dma_wait3A = arith.constant 0 : i32
      %dma_wait3A_17 = tpu.memref_slice %arg6[%arg0, %mul3A_12, %dma_wait3A] : memref<2x10240x128xf32, #tpu.memory_space<hbm>> -> memref<1x640x128xf32, #tpu.memory_space<hbm>>
      %dma_wait3A_18 = tpu.memref_squeeze %dma_wait3A_17 : memref<1x640x128xf32, #tpu.memory_space<hbm>> -> memref<640x128xf32, #tpu.memory_space<hbm>>
      %dma_wait3A_19 = arith.constant 0 : i32
      %dma_wait3A_20 = tpu.memref_slice %arg14[%mul3A_10, %dma_wait3A_19] : memref<10240x128xf32, #tpu.memory_space<vmem_shared>> -> memref<640x128xf32, #tpu.memory_space<vmem_shared>>
      tpu.wait_dma2 semaphore(%run_scoped3A : memref<!tpu.dma_semaphore, #tpu.memory_space<semaphore_mem>>) src(%dma_wait3A_20 : memref<640x128xf32, #tpu.memory_space<vmem_shared>>) dst(%dma_wait3A_18 : memref<640x128xf32, #tpu.memory_space<hbm>>)
      tpu.yield
    }) : () -> ()
    return
  }
}

#map = affine_map<(d0, d1) -> (0)>
module attributes {stable_mosaic.version = 14 : i64} {
  func.func @_sc_hist(%arg0: i32, %arg1: i32, %arg2: memref<320000xi32, #tpu.memory_space<hbm>>, %arg3: memref<327680xf32, #tpu.memory_space<hbm>>, %arg4: memref<10000xi32, #tpu.memory_space<vmem>>, %arg5: memref<10240xf32, #tpu.memory_space<vmem>>) attributes {dimension_semantics = [#tpu.dimension_semantics<core_parallel>, #tpu.dimension_semantics<subcore_parallel>], iteration_bounds = array<i64: 2, 16>, scalar_prefetch = 0 : i64, scratch_operands = 2 : i64, tpu.core_type = #tpu.core_type<sc_vector_subcore>, window_params = [{transform_indices = #map}, {transform_indices = #map}]} {
    %mul3A = arith.constant 2 : i32
    %mul3A_0 = arith.muli %arg1, %mul3A : i32
    %add3A = arith.addi %mul3A_0, %arg0 : i32
    %mul3A_1 = arith.constant 10000 : i32
    %mul3A_2 = arith.muli %add3A, %mul3A_1 : i32
    "tpu.region"() ({
      %run_scoped3A = tpu.sem_alloc : memref<!tpu.dma_semaphore, #tpu.memory_space<semaphore_mem>>
      %dma_start3A = tpu.memref_slice %arg2[%mul3A_2] : memref<320000xi32, #tpu.memory_space<hbm>> -> memref<10000xi32, #tpu.memory_space<hbm>>
      %dma_start3A_24 = tpu.memref_slice %arg2[%mul3A_2] : memref<320000xi32, #tpu.memory_space<hbm>> -> memref<10000xi32, #tpu.memory_space<hbm>>
      tpu.enqueue_dma source(%dma_start3A_24 : memref<10000xi32, #tpu.memory_space<hbm>>) target(%arg4 : memref<10000xi32, #tpu.memory_space<vmem>>) target_semaphore(%run_scoped3A : memref<!tpu.dma_semaphore, #tpu.memory_space<semaphore_mem>>)
      %dma_wait3A = tpu.memref_slice %arg2[%mul3A_2] : memref<320000xi32, #tpu.memory_space<hbm>> -> memref<10000xi32, #tpu.memory_space<hbm>>
      %dma_wait3A_25 = tpu.memref_slice %arg2[%mul3A_2] : memref<320000xi32, #tpu.memory_space<hbm>> -> memref<10000xi32, #tpu.memory_space<hbm>>
      tpu.wait_dma2 semaphore(%run_scoped3A : memref<!tpu.dma_semaphore, #tpu.memory_space<semaphore_mem>>) src(%dma_wait3A_25 : memref<10000xi32, #tpu.memory_space<hbm>>) dst(%arg4 : memref<10000xi32, #tpu.memory_space<vmem>>)
      tpu.yield
    }) : () -> ()
    %broadcast_in_dim3A = arith.constant 0.000000e+00 : f32
    %broadcast_in_dim3A_3 = vector.broadcast %broadcast_in_dim3A : f32 to vector<16xf32>
    %scan3A = arith.constant 0 : i32
    %scan3A_4 = arith.constant 0 : i32
    %scan3A_5 = arith.constant 640 : i32
    %scan3A_6 = arith.addi %scan3A_4, %scan3A_5 : i32
    %scan3A_7 = arith.constant 4 : i32
    scf.for %scan3A_24 = %scan3A_4 to %scan3A_6 step %scan3A_7  : i32 {
      %mul3A_25 = arith.constant 16 : i32
      %mul3A_26 = arith.muli %scan3A_24, %mul3A_25 : i32
      %swap3A = arith.index_cast %mul3A_26 : i32 to index
      %swap3A_27 = tpu.vector_load %arg5[%swap3A] {strides = array<i32>} : memref<10240xf32, #tpu.memory_space<vmem>>, vector<16xf32>,
      tpu.vector_store %arg5[%swap3A], %broadcast_in_dim3A_3 {strides = array<i32>} : memref<10240xf32, #tpu.memory_space<vmem>>, vector<16xf32>,
      %scan3A_28 = arith.constant 1 : i32
      %scan3A_29 = arith.addi %scan3A_24, %scan3A_28 : i32
      %mul3A_30 = arith.constant 16 : i32
      %mul3A_31 = arith.muli %scan3A_29, %mul3A_30 : i32
      %swap3A_32 = arith.index_cast %mul3A_31 : i32 to index
      %swap3A_33 = tpu.vector_load %arg5[%swap3A_32] {strides = array<i32>} : memref<10240xf32, #tpu.memory_space<vmem>>, vector<16xf32>,
      tpu.vector_store %arg5[%swap3A_32], %broadcast_in_dim3A_3 {strides = array<i32>} : memref<10240xf32, #tpu.memory_space<vmem>>, vector<16xf32>,
      %scan3A_34 = arith.constant 2 : i32
      %scan3A_35 = arith.addi %scan3A_24, %scan3A_34 : i32
      %mul3A_36 = arith.constant 16 : i32
      %mul3A_37 = arith.muli %scan3A_35, %mul3A_36 : i32
      %swap3A_38 = arith.index_cast %mul3A_37 : i32 to index
      %swap3A_39 = tpu.vector_load %arg5[%swap3A_38] {strides = array<i32>} : memref<10240xf32, #tpu.memory_space<vmem>>, vector<16xf32>,
      tpu.vector_store %arg5[%swap3A_38], %broadcast_in_dim3A_3 {strides = array<i32>} : memref<10240xf32, #tpu.memory_space<vmem>>, vector<16xf32>,
      %scan3A_40 = arith.constant 3 : i32
      %scan3A_41 = arith.addi %scan3A_24, %scan3A_40 : i32
      %mul3A_42 = arith.constant 16 : i32
      %mul3A_43 = arith.muli %scan3A_41, %mul3A_42 : i32
      %swap3A_44 = arith.index_cast %mul3A_43 : i32 to index
      %swap3A_45 = tpu.vector_load %arg5[%swap3A_44] {strides = array<i32>} : memref<10240xf32, #tpu.memory_space<vmem>>, vector<16xf32>,
      tpu.vector_store %arg5[%swap3A_44], %broadcast_in_dim3A_3 {strides = array<i32>} : memref<10240xf32, #tpu.memory_space<vmem>>, vector<16xf32>,
    }
    %scan3A_8 = arith.constant 640 : i32
    %broadcast_in_dim3A_9 = arith.constant 1.000000e+00 : f32
    %broadcast_in_dim3A_10 = vector.broadcast %broadcast_in_dim3A_9 : f32 to vector<16xf32>
    %scan3A_11 = arith.constant 0 : i32
    %scan3A_12 = arith.constant 0 : i32
    %scan3A_13 = arith.constant 624 : i32
    %scan3A_14 = arith.addi %scan3A_12, %scan3A_13 : i32
    %scan3A_15 = arith.constant 4 : i32
    scf.for %scan3A_24 = %scan3A_12 to %scan3A_14 step %scan3A_15  : i32 {
      %mul3A_25 = arith.constant 16 : i32
      %mul3A_26 = arith.muli %scan3A_24, %mul3A_25 : i32
      %get3A_27 = arith.index_cast %mul3A_26 : i32 to index
      %get3A_28 = tpu.vector_load %arg4[%get3A_27] {strides = array<i32>} : memref<10000xi32, #tpu.memory_space<vmem>>, vector<16xi32>,
      tpu.vector_store_idx %arg5[%get3A_28], %broadcast_in_dim3A_10 {add = true} : memref<10240xf32, #tpu.memory_space<vmem>>[vector<16xi32>], vector<16xf32>,
      %scan3A_29 = arith.constant 1 : i32
      %scan3A_30 = arith.addi %scan3A_24, %scan3A_29 : i32
      %mul3A_31 = arith.constant 16 : i32
      %mul3A_32 = arith.muli %scan3A_30, %mul3A_31 : i32
      %get3A_33 = arith.index_cast %mul3A_32 : i32 to index
      %get3A_34 = tpu.vector_load %arg4[%get3A_33] {strides = array<i32>} : memref<10000xi32, #tpu.memory_space<vmem>>, vector<16xi32>,
      tpu.vector_store_idx %arg5[%get3A_34], %broadcast_in_dim3A_10 {add = true} : memref<10240xf32, #tpu.memory_space<vmem>>[vector<16xi32>], vector<16xf32>,
      %scan3A_35 = arith.constant 2 : i32
      %scan3A_36 = arith.addi %scan3A_24, %scan3A_35 : i32
      %mul3A_37 = arith.constant 16 : i32
      %mul3A_38 = arith.muli %scan3A_36, %mul3A_37 : i32
      %get3A_39 = arith.index_cast %mul3A_38 : i32 to index
      %get3A_40 = tpu.vector_load %arg4[%get3A_39] {strides = array<i32>} : memref<10000xi32, #tpu.memory_space<vmem>>, vector<16xi32>,
      tpu.vector_store_idx %arg5[%get3A_40], %broadcast_in_dim3A_10 {add = true} : memref<10240xf32, #tpu.memory_space<vmem>>[vector<16xi32>], vector<16xf32>,
      %scan3A_41 = arith.constant 3 : i32
      %scan3A_42 = arith.addi %scan3A_24, %scan3A_41 : i32
      %mul3A_43 = arith.constant 16 : i32
      %mul3A_44 = arith.muli %scan3A_42, %mul3A_43 : i32
      %get3A_45 = arith.index_cast %mul3A_44 : i32 to index
      %get3A_46 = tpu.vector_load %arg4[%get3A_45] {strides = array<i32>} : memref<10000xi32, #tpu.memory_space<vmem>>, vector<16xi32>,
      tpu.vector_store_idx %arg5[%get3A_46], %broadcast_in_dim3A_10 {add = true} : memref<10240xf32, #tpu.memory_space<vmem>>[vector<16xi32>], vector<16xf32>,
    }
    %scan3A_16 = arith.constant 624 : i32
    %scan3A_17 = arith.addi %scan3A_12, %scan3A_16 : i32
    %mul3A_18 = arith.constant 16 : i32
    %mul3A_19 = arith.muli %scan3A_17, %mul3A_18 : i32
    %get3A = arith.index_cast %mul3A_19 : i32 to index
    %get3A_20 = tpu.vector_load %arg4[%get3A] {strides = array<i32>} : memref<10000xi32, #tpu.memory_space<vmem>>, vector<16xi32>,
    tpu.vector_store_idx %arg5[%get3A_20], %broadcast_in_dim3A_10 {add = true} : memref<10240xf32, #tpu.memory_space<vmem>>[vector<16xi32>], vector<16xf32>,
    %scan3A_21 = arith.constant 625 : i32
    %mul3A_22 = arith.constant 10240 : i32
    %mul3A_23 = arith.muli %add3A, %mul3A_22 : i32
    "tpu.region"() ({
      %run_scoped3A = tpu.sem_alloc : memref<!tpu.dma_semaphore, #tpu.memory_space<semaphore_mem>>
      %dma_start3A = tpu.memref_slice %arg3[%mul3A_23] : memref<327680xf32, #tpu.memory_space<hbm>> -> memref<10240xf32, #tpu.memory_space<hbm>>
      %dma_start3A_24 = tpu.memref_slice %arg3[%mul3A_23] : memref<327680xf32, #tpu.memory_space<hbm>> -> memref<10240xf32, #tpu.memory_space<hbm>>
      tpu.enqueue_dma source(%arg5 : memref<10240xf32, #tpu.memory_space<vmem>>) target(%dma_start3A_24 : memref<10240xf32, #tpu.memory_space<hbm>>) target_semaphore(%run_scoped3A : memref<!tpu.dma_semaphore, #tpu.memory_space<semaphore_mem>>)
      %dma_wait3A = tpu.memref_slice %arg3[%mul3A_23] : memref<327680xf32, #tpu.memory_space<hbm>> -> memref<10240xf32, #tpu.memory_space<hbm>>
      %dma_wait3A_25 = tpu.memref_slice %arg3[%mul3A_23] : memref<327680xf32, #tpu.memory_space<hbm>> -> memref<10240xf32, #tpu.memory_space<hbm>>
      tpu.wait_dma2 semaphore(%run_scoped3A : memref<!tpu.dma_semaphore, #tpu.memory_space<semaphore_mem>>) src(%arg5 : memref<10240xf32, #tpu.memory_space<vmem>>) dst(%dma_wait3A_25 : memref<10240xf32, #tpu.memory_space<hbm>>)
      tpu.yield
    }) : () -> ()
    return
  }
}

#map = affine_map<(d0, d1) -> (0, 0)>
#map1 = affine_map<(d0, d1) -> (0, 0, 0)>
module attributes {stable_mosaic.version = 14 : i64} {
  func.func @_sc_scatter(%arg0: i32, %arg1: i32, %arg2: memref<10240x128xf32, #tpu.memory_space<hbm>>, %arg3: memref<6400x50xi32, #tpu.memory_space<hbm>>, %arg4: memref<6400x50xi32, #tpu.memory_space<hbm>>, %arg5: memref<640x128xf32, #tpu.memory_space<hbm>>, %arg6: memref<2x10240x128xf32, #tpu.memory_space<hbm>>, %arg7: memref<40x50xi32, #tpu.memory_space<vmem>>, %arg8: memref<40x50xi32, #tpu.memory_space<vmem>>, %arg9: memref<50x128xf32, #tpu.memory_space<vmem>>, %arg10: memref<50x128xf32, #tpu.memory_space<vmem>>, %arg11: memref<50x128xf32, #tpu.memory_space<vmem>>, %arg12: memref<50x128xf32, #tpu.memory_space<vmem>>, %arg13: memref<50x128xf32, #tpu.memory_space<vmem>>, %arg14: memref<10240x128xf32, #tpu.memory_space<vmem_shared>>, %arg15: memref<!tpu.dma_semaphore, #tpu.memory_space<semaphore_mem>>, %arg16: memref<!tpu.dma_semaphore, #tpu.memory_space<semaphore_mem>>, %arg17: memref<!tpu.dma_semaphore, #tpu.memory_space<semaphore_mem>>, %arg18: memref<!tpu.dma_semaphore, #tpu.memory_space<semaphore_mem>>, %arg19: memref<!tpu.dma_semaphore, #tpu.memory_space<semaphore_mem>>, %arg20: memref<!tpu.dma_semaphore, #tpu.memory_space<semaphore_mem>>, %arg21: memref<!tpu.dma_semaphore, #tpu.memory_space<semaphore_mem>>, %arg22: memref<!tpu.dma_semaphore, #tpu.memory_space<semaphore_mem>>, %arg23: memref<!tpu.dma_semaphore, #tpu.memory_space<semaphore_mem>>, %arg24: memref<!tpu.dma_semaphore, #tpu.memory_space<semaphore_mem>>) attributes {dimension_semantics = [#tpu.dimension_semantics<core_parallel>, #tpu.dimension_semantics<subcore_parallel>], iteration_bounds = array<i64: 2, 16>, scalar_prefetch = 0 : i64, scratch_operands = 18 : i64, tpu.core_type = #tpu.core_type<sc_vector_subcore>, window_params = [{transform_indices = #map}, {transform_indices = #map}, {transform_indices = #map}, {transform_indices = #map}, {transform_indices = #map1}]} {
    %mul3A = arith.constant 2 : i32
    %mul3A_0 = arith.muli %arg1, %mul3A : i32
    %add3A = arith.addi %mul3A_0, %arg0 : i32
    %mul3A_1 = arith.constant 640 : i32
    %mul3A_2 = arith.muli %arg1, %mul3A_1 : i32
    "tpu.region"() ({
      %run_scoped3A = tpu.sem_alloc : memref<!tpu.dma_semaphore, #tpu.memory_space<semaphore_mem>>
      %dma_start3A = arith.constant 0 : i32
      %dma_start3A_13 = tpu.memref_slice %arg14[%mul3A_2, %dma_start3A] : memref<10240x128xf32, #tpu.memory_space<vmem_shared>> -> memref<640x128xf32, #tpu.memory_space<vmem_shared>>
      tpu.enqueue_dma source(%arg5 : memref<640x128xf32, #tpu.memory_space<hbm>>) target(%dma_start3A_13 : memref<640x128xf32, #tpu.memory_space<vmem_shared>>) target_semaphore(%run_scoped3A : memref<!tpu.dma_semaphore, #tpu.memory_space<semaphore_mem>>)
      %dma_wait3A = arith.constant 0 : i32
      %dma_wait3A_14 = tpu.memref_slice %arg14[%mul3A_2, %dma_wait3A] : memref<10240x128xf32, #tpu.memory_space<vmem_shared>> -> memref<640x128xf32, #tpu.memory_space<vmem_shared>>
      tpu.wait_dma2 semaphore(%run_scoped3A : memref<!tpu.dma_semaphore, #tpu.memory_space<semaphore_mem>>) src(%arg5 : memref<640x128xf32, #tpu.memory_space<hbm>>) dst(%dma_wait3A_14 : memref<640x128xf32, #tpu.memory_space<vmem_shared>>)
      tpu.yield
    }) : () -> ()
    %barrier3A = arith.constant 0 : index
    tpu.barrier barrier_id(%barrier3A)
    %scan3A = arith.constant 0 : i32
    %scan3A_3 = arith.constant 0 : i32
    %scan3A_4 = arith.constant 5 : i32
    %scan3A_5 = arith.addi %scan3A_3, %scan3A_4 : i32
    %scan3A_6 = arith.constant 1 : i32
    scf.for %scan3A_13 = %scan3A_3 to %scan3A_5 step %scan3A_6  : i32 {
      %mul3A_14 = arith.constant 200 : i32
      %mul3A_15 = arith.muli %add3A, %mul3A_14 : i32
      %mul3A_16 = arith.constant 40 : i32
      %mul3A_17 = arith.muli %scan3A_13, %mul3A_16 : i32
      %add3A_18 = arith.addi %mul3A_15, %mul3A_17 : i32
      "tpu.region"() ({
        %run_scoped3A = tpu.sem_alloc : memref<!tpu.dma_semaphore, #tpu.memory_space<semaphore_mem>>
        %dma_start3A_59 = arith.constant 0 : i32
        %dma_start3A_60 = tpu.memref_slice %arg3[%add3A_18, %dma_start3A_59] : memref<6400x50xi32, #tpu.memory_space<hbm>> -> memref<40x50xi32, #tpu.memory_space<hbm>>
        %dma_start3A_61 = arith.constant 0 : i32
        %dma_start3A_62 = tpu.memref_slice %arg3[%add3A_18, %dma_start3A_61] : memref<6400x50xi32, #tpu.memory_space<hbm>> -> memref<40x50xi32, #tpu.memory_space<hbm>>
        tpu.enqueue_dma source(%dma_start3A_62 : memref<40x50xi32, #tpu.memory_space<hbm>>) target(%arg7 : memref<40x50xi32, #tpu.memory_space<vmem>>) target_semaphore(%run_scoped3A : memref<!tpu.dma_semaphore, #tpu.memory_space<semaphore_mem>>)
        %dma_wait3A = arith.constant 0 : i32
        %dma_wait3A_63 = tpu.memref_slice %arg3[%add3A_18, %dma_wait3A] : memref<6400x50xi32, #tpu.memory_space<hbm>> -> memref<40x50xi32, #tpu.memory_space<hbm>>
        %dma_wait3A_64 = arith.constant 0 : i32
        %dma_wait3A_65 = tpu.memref_slice %arg3[%add3A_18, %dma_wait3A_64] : memref<6400x50xi32, #tpu.memory_space<hbm>> -> memref<40x50xi32, #tpu.memory_space<hbm>>
        tpu.wait_dma2 semaphore(%run_scoped3A : memref<!tpu.dma_semaphore, #tpu.memory_space<semaphore_mem>>) src(%dma_wait3A_65 : memref<40x50xi32, #tpu.memory_space<hbm>>) dst(%arg7 : memref<40x50xi32, #tpu.memory_space<vmem>>)
        tpu.yield
      }) : () -> ()
      "tpu.region"() ({
        %run_scoped3A = tpu.sem_alloc : memref<!tpu.dma_semaphore, #tpu.memory_space<semaphore_mem>>
        %dma_start3A_59 = arith.constant 0 : i32
        %dma_start3A_60 = tpu.memref_slice %arg4[%add3A_18, %dma_start3A_59] : memref<6400x50xi32, #tpu.memory_space<hbm>> -> memref<40x50xi32, #tpu.memory_space<hbm>>
        %dma_start3A_61 = arith.constant 0 : i32
        %dma_start3A_62 = tpu.memref_slice %arg4[%add3A_18, %dma_start3A_61] : memref<6400x50xi32, #tpu.memory_space<hbm>> -> memref<40x50xi32, #tpu.memory_space<hbm>>
        tpu.enqueue_dma source(%dma_start3A_62 : memref<40x50xi32, #tpu.memory_space<hbm>>) target(%arg8 : memref<40x50xi32, #tpu.memory_space<vmem>>) target_semaphore(%run_scoped3A : memref<!tpu.dma_semaphore, #tpu.memory_space<semaphore_mem>>)
        %dma_wait3A = arith.constant 0 : i32
        %dma_wait3A_63 = tpu.memref_slice %arg4[%add3A_18, %dma_wait3A] : memref<6400x50xi32, #tpu.memory_space<hbm>> -> memref<40x50xi32, #tpu.memory_space<hbm>>
        %dma_wait3A_64 = arith.constant 0 : i32
        %dma_wait3A_65 = tpu.memref_slice %arg4[%add3A_18, %dma_wait3A_64] : memref<6400x50xi32, #tpu.memory_space<hbm>> -> memref<40x50xi32, #tpu.memory_space<hbm>>
        tpu.wait_dma2 semaphore(%run_scoped3A : memref<!tpu.dma_semaphore, #tpu.memory_space<semaphore_mem>>) src(%dma_wait3A_65 : memref<40x50xi32, #tpu.memory_space<hbm>>) dst(%arg8 : memref<40x50xi32, #tpu.memory_space<vmem>>)
        tpu.yield
      }) : () -> ()
      %dma_start3A = arith.constant 0 : i32
      %dma_start3A_19 = arith.constant 0 : i32
      %dma_start3A_20 = tpu.memref_slice %arg7[%dma_start3A, %dma_start3A_19] : memref<40x50xi32, #tpu.memory_space<vmem>> -> memref<1x50xi32, #tpu.memory_space<vmem>>
      %dma_start3A_21 = tpu.memref_squeeze %dma_start3A_20 : memref<1x50xi32, #tpu.memory_space<vmem>> -> memref<50xi32, #tpu.memory_space<vmem>>
      %dma_start3A_22 = arith.constant 0 : i32
      %dma_start3A_23 = arith.constant 0 : i32
      %dma_start3A_24 = tpu.memref_slice %arg2[%dma_start3A_22, %dma_start3A_23] : memref<10240x128xf32, #tpu.memory_space<hbm>> -> memref<10240x128xf32, #tpu.memory_space<hbm>>
      tpu.enqueue_indirect_dma source(%dma_start3A_24 : memref<10240x128xf32, #tpu.memory_space<hbm>>) target(%arg9 : memref<50x128xf32, #tpu.memory_space<vmem>>) offsets(%dma_start3A_21 : memref<50xi32, #tpu.memory_space<vmem>>) semaphore(%arg15 : memref<!tpu.dma_semaphore, #tpu.memory_space<semaphore_mem>>)
      %dma_start3A_25 = arith.constant 1 : i32
      %dma_start3A_26 = arith.constant 0 : i32
      %dma_start3A_27 = tpu.memref_slice %arg7[%dma_start3A_25, %dma_start3A_26] : memref<40x50xi32, #tpu.memory_space<vmem>> -> memref<1x50xi32, #tpu.memory_space<vmem>>
      %dma_start3A_28 = tpu.memref_squeeze %dma_start3A_27 : memref<1x50xi32, #tpu.memory_space<vmem>> -> memref<50xi32, #tpu.memory_space<vmem>>
      %dma_start3A_29 = arith.constant 0 : i32
      %dma_start3A_30 = arith.constant 0 : i32
      %dma_start3A_31 = tpu.memref_slice %arg2[%dma_start3A_29, %dma_start3A_30] : memref<10240x128xf32, #tpu.memory_space<hbm>> -> memref<10240x128xf32, #tpu.memory_space<hbm>>
      tpu.enqueue_indirect_dma source(%dma_start3A_31 : memref<10240x128xf32, #tpu.memory_space<hbm>>) target(%arg10 : memref<50x128xf32, #tpu.memory_space<vmem>>) offsets(%dma_start3A_28 : memref<50xi32, #tpu.memory_space<vmem>>) semaphore(%arg16 : memref<!tpu.dma_semaphore, #tpu.memory_space<semaphore_mem>>)
      %dma_start3A_32 = arith.constant 2 : i32
      %dma_start3A_33 = arith.constant 0 : i32
      %dma_start3A_34 = tpu.memref_slice %arg7[%dma_start3A_32, %dma_start3A_33] : memref<40x50xi32, #tpu.memory_space<vmem>> -> memref<1x50xi32, #tpu.memory_space<vmem>>
      %dma_start3A_35 = tpu.memref_squeeze %dma_start3A_34 : memref<1x50xi32, #tpu.memory_space<vmem>> -> memref<50xi32, #tpu.memory_space<vmem>>
      %dma_start3A_36 = arith.constant 0 : i32
      %dma_start3A_37 = arith.constant 0 : i32
      %dma_start3A_38 = tpu.memref_slice %arg2[%dma_start3A_36, %dma_start3A_37] : memref<10240x128xf32, #tpu.memory_space<hbm>> -> memref<10240x128xf32, #tpu.memory_space<hbm>>
      tpu.enqueue_indirect_dma source(%dma_start3A_38 : memref<10240x128xf32, #tpu.memory_space<hbm>>) target(%arg11 : memref<50x128xf32, #tpu.memory_space<vmem>>) offsets(%dma_start3A_35 : memref<50xi32, #tpu.memory_space<vmem>>) semaphore(%arg17 : memref<!tpu.dma_semaphore, #tpu.memory_space<semaphore_mem>>)
      %dma_start3A_39 = arith.constant 3 : i32
      %dma_start3A_40 = arith.constant 0 : i32
      %dma_start3A_41 = tpu.memref_slice %arg7[%dma_start3A_39, %dma_start3A_40] : memref<40x50xi32, #tpu.memory_space<vmem>> -> memref<1x50xi32, #tpu.memory_space<vmem>>
      %dma_start3A_42 = tpu.memref_squeeze %dma_start3A_41 : memref<1x50xi32, #tpu.memory_space<vmem>> -> memref<50xi32, #tpu.memory_space<vmem>>
      %dma_start3A_43 = arith.constant 0 : i32
      %dma_start3A_44 = arith.constant 0 : i32
      %dma_start3A_45 = tpu.memref_slice %arg2[%dma_start3A_43, %dma_start3A_44] : memref<10240x128xf32, #tpu.memory_space<hbm>> -> memref<10240x128xf32, #tpu.memory_space<hbm>>
      tpu.enqueue_indirect_dma source(%dma_start3A_45 : memref<10240x128xf32, #tpu.memory_space<hbm>>) target(%arg12 : memref<50x128xf32, #tpu.memory_space<vmem>>) offsets(%dma_start3A_42 : memref<50xi32, #tpu.memory_space<vmem>>) semaphore(%arg18 : memref<!tpu.dma_semaphore, #tpu.memory_space<semaphore_mem>>)
      %dma_start3A_46 = arith.constant 4 : i32
      %dma_start3A_47 = arith.constant 0 : i32
      %dma_start3A_48 = tpu.memref_slice %arg7[%dma_start3A_46, %dma_start3A_47] : memref<40x50xi32, #tpu.memory_space<vmem>> -> memref<1x50xi32, #tpu.memory_space<vmem>>
      %dma_start3A_49 = tpu.memref_squeeze %dma_start3A_48 : memref<1x50xi32, #tpu.memory_space<vmem>> -> memref<50xi32, #tpu.memory_space<vmem>>
      %dma_start3A_50 = arith.constant 0 : i32
      %dma_start3A_51 = arith.constant 0 : i32
      %dma_start3A_52 = tpu.memref_slice %arg2[%dma_start3A_50, %dma_start3A_51] : memref<10240x128xf32, #tpu.memory_space<hbm>> -> memref<10240x128xf32, #tpu.memory_space<hbm>>
      tpu.enqueue_indirect_dma source(%dma_start3A_52 : memref<10240x128xf32, #tpu.memory_space<hbm>>) target(%arg13 : memref<50x128xf32, #tpu.memory_space<vmem>>) offsets(%dma_start3A_49 : memref<50xi32, #tpu.memory_space<vmem>>) semaphore(%arg19 : memref<!tpu.dma_semaphore, #tpu.memory_space<semaphore_mem>>)
      %scan3A_53 = arith.constant 0 : i32
      %scan3A_54 = arith.constant 0 : i32
      %scan3A_55 = arith.constant 8 : i32
      %scan3A_56 = arith.addi %scan3A_54, %scan3A_55 : i32
      %scan3A_57 = arith.constant 1 : i32
      scf.for %scan3A_59 = %scan3A_54 to %scan3A_56 step %scan3A_57  : i32 {
        %mul3A_60 = arith.constant 5 : i32
        %mul3A_61 = arith.muli %scan3A_59, %mul3A_60 : i32
        %add3A_62 = arith.constant 0 : i32
        %add3A_63 = arith.addi %mul3A_61, %add3A_62 : i32
        %dma_wait3A = arith.constant 0 : i32
        %dma_wait3A_64 = tpu.memref_slice %arg7[%add3A_63, %dma_wait3A] : memref<40x50xi32, #tpu.memory_space<vmem>> -> memref<1x50xi32, #tpu.memory_space<vmem>>
        %dma_wait3A_65 = tpu.memref_squeeze %dma_wait3A_64 : memref<1x50xi32, #tpu.memory_space<vmem>> -> memref<50xi32, #tpu.memory_space<vmem>>
        %dma_wait3A_66 = arith.constant 0 : i32
        %dma_wait3A_67 = arith.constant 0 : i32
        %dma_wait3A_68 = tpu.memref_slice %arg2[%dma_wait3A_66, %dma_wait3A_67] : memref<10240x128xf32, #tpu.memory_space<hbm>> -> memref<10240x128xf32, #tpu.memory_space<hbm>>
        tpu.wait_indirect_dma semaphore(%arg15 : memref<!tpu.dma_semaphore, #tpu.memory_space<semaphore_mem>>) src(%dma_wait3A_68 : memref<10240x128xf32, #tpu.memory_space<hbm>>) dst(%arg9 : memref<50x128xf32, #tpu.memory_space<vmem>>)
        %dma_start3A_69 = arith.constant 0 : i32
        %dma_start3A_70 = tpu.memref_slice %arg8[%add3A_63, %dma_start3A_69] : memref<40x50xi32, #tpu.memory_space<vmem>> -> memref<1x50xi32, #tpu.memory_space<vmem>>
        %dma_start3A_71 = tpu.memref_squeeze %dma_start3A_70 : memref<1x50xi32, #tpu.memory_space<vmem>> -> memref<50xi32, #tpu.memory_space<vmem>>
        %dma_start3A_72 = arith.constant 0 : i32
        %dma_start3A_73 = arith.constant 0 : i32
        %dma_start3A_74 = tpu.memref_slice %arg14[%dma_start3A_72, %dma_start3A_73] : memref<10240x128xf32, #tpu.memory_space<vmem_shared>> -> memref<10240x128xf32, #tpu.memory_space<vmem_shared>>
        tpu.enqueue_indirect_dma source(%arg9 : memref<50x128xf32, #tpu.memory_space<vmem>>) target(%dma_start3A_74 : memref<10240x128xf32, #tpu.memory_space<vmem_shared>>) offsets(%dma_start3A_71 : memref<50xi32, #tpu.memory_space<vmem>>) semaphore(%arg20 : memref<!tpu.dma_semaphore, #tpu.memory_space<semaphore_mem>>) {add = true}
        %dma_wait3A_75 = arith.constant 0 : i32
        %dma_wait3A_76 = tpu.memref_slice %arg8[%add3A_63, %dma_wait3A_75] : memref<40x50xi32, #tpu.memory_space<vmem>> -> memref<1x50xi32, #tpu.memory_space<vmem>>
        %dma_wait3A_77 = tpu.memref_squeeze %dma_wait3A_76 : memref<1x50xi32, #tpu.memory_space<vmem>> -> memref<50xi32, #tpu.memory_space<vmem>>
        %dma_wait3A_78 = arith.constant 0 : i32
        %dma_wait3A_79 = arith.constant 0 : i32
        %dma_wait3A_80 = tpu.memref_slice %arg14[%dma_wait3A_78, %dma_wait3A_79] : memref<10240x128xf32, #tpu.memory_space<vmem_shared>> -> memref<10240x128xf32, #tpu.memory_space<vmem_shared>>
        tpu.wait_indirect_dma semaphore(%arg20 : memref<!tpu.dma_semaphore, #tpu.memory_space<semaphore_mem>>) src(%arg9 : memref<50x128xf32, #tpu.memory_space<vmem>>) dst(%dma_wait3A_80 : memref<10240x128xf32, #tpu.memory_space<vmem_shared>>)
        %add3A_81 = arith.constant 5 : i32
        %add3A_82 = arith.addi %add3A_63, %add3A_81 : i32
        %lt3A = arith.constant 40 : i32
        %lt3A_83 = arith.cmpi slt, %add3A_82, %lt3A : i32
        %convert_element_type3A = arith.extui %lt3A_83 : i1 to i32
        %cond3A = arith.constant 0 : i32
        %cond3A_84 = arith.cmpi ne, %convert_element_type3A, %cond3A : i32
        scf.if %cond3A_84 {
          %add3A_201 = arith.constant 5 : i32
          %add3A_202 = arith.addi %add3A_63, %add3A_201 : i32
          %dma_start3A_203 = arith.constant 0 : i32
          %dma_start3A_204 = tpu.memref_slice %arg7[%add3A_202, %dma_start3A_203] : memref<40x50xi32, #tpu.memory_space<vmem>> -> memref<1x50xi32, #tpu.memory_space<vmem>>
          %dma_start3A_205 = tpu.memref_squeeze %dma_start3A_204 : memref<1x50xi32, #tpu.memory_space<vmem>> -> memref<50xi32, #tpu.memory_space<vmem>>
          %dma_start3A_206 = arith.constant 0 : i32
          %dma_start3A_207 = arith.constant 0 : i32
          %dma_start3A_208 = tpu.memref_slice %arg2[%dma_start3A_206, %dma_start3A_207] : memref<10240x128xf32, #tpu.memory_space<hbm>> -> memref<10240x128xf32, #tpu.memory_space<hbm>>
          tpu.enqueue_indirect_dma source(%dma_start3A_208 : memref<10240x128xf32, #tpu.memory_space<hbm>>) target(%arg9 : memref<50x128xf32, #tpu.memory_space<vmem>>) offsets(%dma_start3A_205 : memref<50xi32, #tpu.memory_space<vmem>>) semaphore(%arg15 : memref<!tpu.dma_semaphore, #tpu.memory_space<semaphore_mem>>)
        } else {
        }
        %mul3A_85 = arith.constant 5 : i32
        %mul3A_86 = arith.muli %scan3A_59, %mul3A_85 : i32
        %add3A_87 = arith.constant 1 : i32
        %add3A_88 = arith.addi %mul3A_86, %add3A_87 : i32
        %dma_wait3A_89 = arith.constant 0 : i32
        %dma_wait3A_90 = tpu.memref_slice %arg7[%add3A_88, %dma_wait3A_89] : memref<40x50xi32, #tpu.memory_space<vmem>> -> memref<1x50xi32, #tpu.memory_space<vmem>>
        %dma_wait3A_91 = tpu.memref_squeeze %dma_wait3A_90 : memref<1x50xi32, #tpu.memory_space<vmem>> -> memref<50xi32, #tpu.memory_space<vmem>>
        %dma_wait3A_92 = arith.constant 0 : i32
        %dma_wait3A_93 = arith.constant 0 : i32
        %dma_wait3A_94 = tpu.memref_slice %arg2[%dma_wait3A_92, %dma_wait3A_93] : memref<10240x128xf32, #tpu.memory_space<hbm>> -> memref<10240x128xf32, #tpu.memory_space<hbm>>
        tpu.wait_indirect_dma semaphore(%arg16 : memref<!tpu.dma_semaphore, #tpu.memory_space<semaphore_mem>>) src(%dma_wait3A_94 : memref<10240x128xf32, #tpu.memory_space<hbm>>) dst(%arg10 : memref<50x128xf32, #tpu.memory_space<vmem>>)
        %dma_start3A_95 = arith.constant 0 : i32
        %dma_start3A_96 = tpu.memref_slice %arg8[%add3A_88, %dma_start3A_95] : memref<40x50xi32, #tpu.memory_space<vmem>> -> memref<1x50xi32, #tpu.memory_space<vmem>>
        %dma_start3A_97 = tpu.memref_squeeze %dma_start3A_96 : memref<1x50xi32, #tpu.memory_space<vmem>> -> memref<50xi32, #tpu.memory_space<vmem>>
        %dma_start3A_98 = arith.constant 0 : i32
        %dma_start3A_99 = arith.constant 0 : i32
        %dma_start3A_100 = tpu.memref_slice %arg14[%dma_start3A_98, %dma_start3A_99] : memref<10240x128xf32, #tpu.memory_space<vmem_shared>> -> memref<10240x128xf32, #tpu.memory_space<vmem_shared>>
        tpu.enqueue_indirect_dma source(%arg10 : memref<50x128xf32, #tpu.memory_space<vmem>>) target(%dma_start3A_100 : memref<10240x128xf32, #tpu.memory_space<vmem_shared>>) offsets(%dma_start3A_97 : memref<50xi32, #tpu.memory_space<vmem>>) semaphore(%arg21 : memref<!tpu.dma_semaphore, #tpu.memory_space<semaphore_mem>>) {add = true}
        %dma_wait3A_101 = arith.constant 0 : i32
        %dma_wait3A_102 = tpu.memref_slice %arg8[%add3A_88, %dma_wait3A_101] : memref<40x50xi32, #tpu.memory_space<vmem>> -> memref<1x50xi32, #tpu.memory_space<vmem>>
        %dma_wait3A_103 = tpu.memref_squeeze %dma_wait3A_102 : memref<1x50xi32, #tpu.memory_space<vmem>> -> memref<50xi32, #tpu.memory_space<vmem>>
        %dma_wait3A_104 = arith.constant 0 : i32
        %dma_wait3A_105 = arith.constant 0 : i32
        %dma_wait3A_106 = tpu.memref_slice %arg14[%dma_wait3A_104, %dma_wait3A_105] : memref<10240x128xf32, #tpu.memory_space<vmem_shared>> -> memref<10240x128xf32, #tpu.memory_space<vmem_shared>>
        tpu.wait_indirect_dma semaphore(%arg21 : memref<!tpu.dma_semaphore, #tpu.memory_space<semaphore_mem>>) src(%arg10 : memref<50x128xf32, #tpu.memory_space<vmem>>) dst(%dma_wait3A_106 : memref<10240x128xf32, #tpu.memory_space<vmem_shared>>)
        %add3A_107 = arith.constant 5 : i32
        %add3A_108 = arith.addi %add3A_88, %add3A_107 : i32
        %lt3A_109 = arith.constant 40 : i32
        %lt3A_110 = arith.cmpi slt, %add3A_108, %lt3A_109 : i32
        %convert_element_type3A_111 = arith.extui %lt3A_110 : i1 to i32
        %cond3A_112 = arith.constant 0 : i32
        %cond3A_113 = arith.cmpi ne, %convert_element_type3A_111, %cond3A_112 : i32
        scf.if %cond3A_113 {
          %add3A_201 = arith.constant 5 : i32
          %add3A_202 = arith.addi %add3A_88, %add3A_201 : i32
          %dma_start3A_203 = arith.constant 0 : i32
          %dma_start3A_204 = tpu.memref_slice %arg7[%add3A_202, %dma_start3A_203] : memref<40x50xi32, #tpu.memory_space<vmem>> -> memref<1x50xi32, #tpu.memory_space<vmem>>
          %dma_start3A_205 = tpu.memref_squeeze %dma_start3A_204 : memref<1x50xi32, #tpu.memory_space<vmem>> -> memref<50xi32, #tpu.memory_space<vmem>>
          %dma_start3A_206 = arith.constant 0 : i32
          %dma_start3A_207 = arith.constant 0 : i32
          %dma_start3A_208 = tpu.memref_slice %arg2[%dma_start3A_206, %dma_start3A_207] : memref<10240x128xf32, #tpu.memory_space<hbm>> -> memref<10240x128xf32, #tpu.memory_space<hbm>>
          tpu.enqueue_indirect_dma source(%dma_start3A_208 : memref<10240x128xf32, #tpu.memory_space<hbm>>) target(%arg10 : memref<50x128xf32, #tpu.memory_space<vmem>>) offsets(%dma_start3A_205 : memref<50xi32, #tpu.memory_space<vmem>>) semaphore(%arg16 : memref<!tpu.dma_semaphore, #tpu.memory_space<semaphore_mem>>)
        } else {
        }
        %mul3A_114 = arith.constant 5 : i32
        %mul3A_115 = arith.muli %scan3A_59, %mul3A_114 : i32
        %add3A_116 = arith.constant 2 : i32
        %add3A_117 = arith.addi %mul3A_115, %add3A_116 : i32
        %dma_wait3A_118 = arith.constant 0 : i32
        %dma_wait3A_119 = tpu.memref_slice %arg7[%add3A_117, %dma_wait3A_118] : memref<40x50xi32, #tpu.memory_space<vmem>> -> memref<1x50xi32, #tpu.memory_space<vmem>>
        %dma_wait3A_120 = tpu.memref_squeeze %dma_wait3A_119 : memref<1x50xi32, #tpu.memory_space<vmem>> -> memref<50xi32, #tpu.memory_space<vmem>>
        %dma_wait3A_121 = arith.constant 0 : i32
        %dma_wait3A_122 = arith.constant 0 : i32
        %dma_wait3A_123 = tpu.memref_slice %arg2[%dma_wait3A_121, %dma_wait3A_122] : memref<10240x128xf32, #tpu.memory_space<hbm>> -> memref<10240x128xf32, #tpu.memory_space<hbm>>
        tpu.wait_indirect_dma semaphore(%arg17 : memref<!tpu.dma_semaphore, #tpu.memory_space<semaphore_mem>>) src(%dma_wait3A_123 : memref<10240x128xf32, #tpu.memory_space<hbm>>) dst(%arg11 : memref<50x128xf32, #tpu.memory_space<vmem>>)
        %dma_start3A_124 = arith.constant 0 : i32
        %dma_start3A_125 = tpu.memref_slice %arg8[%add3A_117, %dma_start3A_124] : memref<40x50xi32, #tpu.memory_space<vmem>> -> memref<1x50xi32, #tpu.memory_space<vmem>>
        %dma_start3A_126 = tpu.memref_squeeze %dma_start3A_125 : memref<1x50xi32, #tpu.memory_space<vmem>> -> memref<50xi32, #tpu.memory_space<vmem>>
        %dma_start3A_127 = arith.constant 0 : i32
        %dma_start3A_128 = arith.constant 0 : i32
        %dma_start3A_129 = tpu.memref_slice %arg14[%dma_start3A_127, %dma_start3A_128] : memref<10240x128xf32, #tpu.memory_space<vmem_shared>> -> memref<10240x128xf32, #tpu.memory_space<vmem_shared>>
        tpu.enqueue_indirect_dma source(%arg11 : memref<50x128xf32, #tpu.memory_space<vmem>>) target(%dma_start3A_129 : memref<10240x128xf32, #tpu.memory_space<vmem_shared>>) offsets(%dma_start3A_126 : memref<50xi32, #tpu.memory_space<vmem>>) semaphore(%arg22 : memref<!tpu.dma_semaphore, #tpu.memory_space<semaphore_mem>>) {add = true}
        %dma_wait3A_130 = arith.constant 0 : i32
        %dma_wait3A_131 = tpu.memref_slice %arg8[%add3A_117, %dma_wait3A_130] : memref<40x50xi32, #tpu.memory_space<vmem>> -> memref<1x50xi32, #tpu.memory_space<vmem>>
        %dma_wait3A_132 = tpu.memref_squeeze %dma_wait3A_131 : memref<1x50xi32, #tpu.memory_space<vmem>> -> memref<50xi32, #tpu.memory_space<vmem>>
        %dma_wait3A_133 = arith.constant 0 : i32
        %dma_wait3A_134 = arith.constant 0 : i32
        %dma_wait3A_135 = tpu.memref_slice %arg14[%dma_wait3A_133, %dma_wait3A_134] : memref<10240x128xf32, #tpu.memory_space<vmem_shared>> -> memref<10240x128xf32, #tpu.memory_space<vmem_shared>>
        tpu.wait_indirect_dma semaphore(%arg22 : memref<!tpu.dma_semaphore, #tpu.memory_space<semaphore_mem>>) src(%arg11 : memref<50x128xf32, #tpu.memory_space<vmem>>) dst(%dma_wait3A_135 : memref<10240x128xf32, #tpu.memory_space<vmem_shared>>)
        %add3A_136 = arith.constant 5 : i32
        %add3A_137 = arith.addi %add3A_117, %add3A_136 : i32
        %lt3A_138 = arith.constant 40 : i32
        %lt3A_139 = arith.cmpi slt, %add3A_137, %lt3A_138 : i32
        %convert_element_type3A_140 = arith.extui %lt3A_139 : i1 to i32
        %cond3A_141 = arith.constant 0 : i32
        %cond3A_142 = arith.cmpi ne, %convert_element_type3A_140, %cond3A_141 : i32
        scf.if %cond3A_142 {
          %add3A_201 = arith.constant 5 : i32
          %add3A_202 = arith.addi %add3A_117, %add3A_201 : i32
          %dma_start3A_203 = arith.constant 0 : i32
          %dma_start3A_204 = tpu.memref_slice %arg7[%add3A_202, %dma_start3A_203] : memref<40x50xi32, #tpu.memory_space<vmem>> -> memref<1x50xi32, #tpu.memory_space<vmem>>
          %dma_start3A_205 = tpu.memref_squeeze %dma_start3A_204 : memref<1x50xi32, #tpu.memory_space<vmem>> -> memref<50xi32, #tpu.memory_space<vmem>>
          %dma_start3A_206 = arith.constant 0 : i32
          %dma_start3A_207 = arith.constant 0 : i32
          %dma_start3A_208 = tpu.memref_slice %arg2[%dma_start3A_206, %dma_start3A_207] : memref<10240x128xf32, #tpu.memory_space<hbm>> -> memref<10240x128xf32, #tpu.memory_space<hbm>>
          tpu.enqueue_indirect_dma source(%dma_start3A_208 : memref<10240x128xf32, #tpu.memory_space<hbm>>) target(%arg11 : memref<50x128xf32, #tpu.memory_space<vmem>>) offsets(%dma_start3A_205 : memref<50xi32, #tpu.memory_space<vmem>>) semaphore(%arg17 : memref<!tpu.dma_semaphore, #tpu.memory_space<semaphore_mem>>)
        } else {
        }
        %mul3A_143 = arith.constant 5 : i32
        %mul3A_144 = arith.muli %scan3A_59, %mul3A_143 : i32
        %add3A_145 = arith.constant 3 : i32
        %add3A_146 = arith.addi %mul3A_144, %add3A_145 : i32
        %dma_wait3A_147 = arith.constant 0 : i32
        %dma_wait3A_148 = tpu.memref_slice %arg7[%add3A_146, %dma_wait3A_147] : memref<40x50xi32, #tpu.memory_space<vmem>> -> memref<1x50xi32, #tpu.memory_space<vmem>>
        %dma_wait3A_149 = tpu.memref_squeeze %dma_wait3A_148 : memref<1x50xi32, #tpu.memory_space<vmem>> -> memref<50xi32, #tpu.memory_space<vmem>>
        %dma_wait3A_150 = arith.constant 0 : i32
        %dma_wait3A_151 = arith.constant 0 : i32
        %dma_wait3A_152 = tpu.memref_slice %arg2[%dma_wait3A_150, %dma_wait3A_151] : memref<10240x128xf32, #tpu.memory_space<hbm>> -> memref<10240x128xf32, #tpu.memory_space<hbm>>
        tpu.wait_indirect_dma semaphore(%arg18 : memref<!tpu.dma_semaphore, #tpu.memory_space<semaphore_mem>>) src(%dma_wait3A_152 : memref<10240x128xf32, #tpu.memory_space<hbm>>) dst(%arg12 : memref<50x128xf32, #tpu.memory_space<vmem>>)
        %dma_start3A_153 = arith.constant 0 : i32
        %dma_start3A_154 = tpu.memref_slice %arg8[%add3A_146, %dma_start3A_153] : memref<40x50xi32, #tpu.memory_space<vmem>> -> memref<1x50xi32, #tpu.memory_space<vmem>>
        %dma_start3A_155 = tpu.memref_squeeze %dma_start3A_154 : memref<1x50xi32, #tpu.memory_space<vmem>> -> memref<50xi32, #tpu.memory_space<vmem>>
        %dma_start3A_156 = arith.constant 0 : i32
        %dma_start3A_157 = arith.constant 0 : i32
        %dma_start3A_158 = tpu.memref_slice %arg14[%dma_start3A_156, %dma_start3A_157] : memref<10240x128xf32, #tpu.memory_space<vmem_shared>> -> memref<10240x128xf32, #tpu.memory_space<vmem_shared>>
        tpu.enqueue_indirect_dma source(%arg12 : memref<50x128xf32, #tpu.memory_space<vmem>>) target(%dma_start3A_158 : memref<10240x128xf32, #tpu.memory_space<vmem_shared>>) offsets(%dma_start3A_155 : memref<50xi32, #tpu.memory_space<vmem>>) semaphore(%arg23 : memref<!tpu.dma_semaphore, #tpu.memory_space<semaphore_mem>>) {add = true}
        %dma_wait3A_159 = arith.constant 0 : i32
        %dma_wait3A_160 = tpu.memref_slice %arg8[%add3A_146, %dma_wait3A_159] : memref<40x50xi32, #tpu.memory_space<vmem>> -> memref<1x50xi32, #tpu.memory_space<vmem>>
        %dma_wait3A_161 = tpu.memref_squeeze %dma_wait3A_160 : memref<1x50xi32, #tpu.memory_space<vmem>> -> memref<50xi32, #tpu.memory_space<vmem>>
        %dma_wait3A_162 = arith.constant 0 : i32
        %dma_wait3A_163 = arith.constant 0 : i32
        %dma_wait3A_164 = tpu.memref_slice %arg14[%dma_wait3A_162, %dma_wait3A_163] : memref<10240x128xf32, #tpu.memory_space<vmem_shared>> -> memref<10240x128xf32, #tpu.memory_space<vmem_shared>>
        tpu.wait_indirect_dma semaphore(%arg23 : memref<!tpu.dma_semaphore, #tpu.memory_space<semaphore_mem>>) src(%arg12 : memref<50x128xf32, #tpu.memory_space<vmem>>) dst(%dma_wait3A_164 : memref<10240x128xf32, #tpu.memory_space<vmem_shared>>)
        %add3A_165 = arith.constant 5 : i32
        %add3A_166 = arith.addi %add3A_146, %add3A_165 : i32
        %lt3A_167 = arith.constant 40 : i32
        %lt3A_168 = arith.cmpi slt, %add3A_166, %lt3A_167 : i32
        %convert_element_type3A_169 = arith.extui %lt3A_168 : i1 to i32
        %cond3A_170 = arith.constant 0 : i32
        %cond3A_171 = arith.cmpi ne, %convert_element_type3A_169, %cond3A_170 : i32
        scf.if %cond3A_171 {
          %add3A_201 = arith.constant 5 : i32
          %add3A_202 = arith.addi %add3A_146, %add3A_201 : i32
          %dma_start3A_203 = arith.constant 0 : i32
          %dma_start3A_204 = tpu.memref_slice %arg7[%add3A_202, %dma_start3A_203] : memref<40x50xi32, #tpu.memory_space<vmem>> -> memref<1x50xi32, #tpu.memory_space<vmem>>
          %dma_start3A_205 = tpu.memref_squeeze %dma_start3A_204 : memref<1x50xi32, #tpu.memory_space<vmem>> -> memref<50xi32, #tpu.memory_space<vmem>>
          %dma_start3A_206 = arith.constant 0 : i32
          %dma_start3A_207 = arith.constant 0 : i32
          %dma_start3A_208 = tpu.memref_slice %arg2[%dma_start3A_206, %dma_start3A_207] : memref<10240x128xf32, #tpu.memory_space<hbm>> -> memref<10240x128xf32, #tpu.memory_space<hbm>>
          tpu.enqueue_indirect_dma source(%dma_start3A_208 : memref<10240x128xf32, #tpu.memory_space<hbm>>) target(%arg12 : memref<50x128xf32, #tpu.memory_space<vmem>>) offsets(%dma_start3A_205 : memref<50xi32, #tpu.memory_space<vmem>>) semaphore(%arg18 : memref<!tpu.dma_semaphore, #tpu.memory_space<semaphore_mem>>)
        } else {
        }
        %mul3A_172 = arith.constant 5 : i32
        %mul3A_173 = arith.muli %scan3A_59, %mul3A_172 : i32
        %add3A_174 = arith.constant 4 : i32
        %add3A_175 = arith.addi %mul3A_173, %add3A_174 : i32
        %dma_wait3A_176 = arith.constant 0 : i32
        %dma_wait3A_177 = tpu.memref_slice %arg7[%add3A_175, %dma_wait3A_176] : memref<40x50xi32, #tpu.memory_space<vmem>> -> memref<1x50xi32, #tpu.memory_space<vmem>>
        %dma_wait3A_178 = tpu.memref_squeeze %dma_wait3A_177 : memref<1x50xi32, #tpu.memory_space<vmem>> -> memref<50xi32, #tpu.memory_space<vmem>>
        %dma_wait3A_179 = arith.constant 0 : i32
        %dma_wait3A_180 = arith.constant 0 : i32
        %dma_wait3A_181 = tpu.memref_slice %arg2[%dma_wait3A_179, %dma_wait3A_180] : memref<10240x128xf32, #tpu.memory_space<hbm>> -> memref<10240x128xf32, #tpu.memory_space<hbm>>
        tpu.wait_indirect_dma semaphore(%arg19 : memref<!tpu.dma_semaphore, #tpu.memory_space<semaphore_mem>>) src(%dma_wait3A_181 : memref<10240x128xf32, #tpu.memory_space<hbm>>) dst(%arg13 : memref<50x128xf32, #tpu.memory_space<vmem>>)
        %dma_start3A_182 = arith.constant 0 : i32
        %dma_start3A_183 = tpu.memref_slice %arg8[%add3A_175, %dma_start3A_182] : memref<40x50xi32, #tpu.memory_space<vmem>> -> memref<1x50xi32, #tpu.memory_space<vmem>>
        %dma_start3A_184 = tpu.memref_squeeze %dma_start3A_183 : memref<1x50xi32, #tpu.memory_space<vmem>> -> memref<50xi32, #tpu.memory_space<vmem>>
        %dma_start3A_185 = arith.constant 0 : i32
        %dma_start3A_186 = arith.constant 0 : i32
        %dma_start3A_187 = tpu.memref_slice %arg14[%dma_start3A_185, %dma_start3A_186] : memref<10240x128xf32, #tpu.memory_space<vmem_shared>> -> memref<10240x128xf32, #tpu.memory_space<vmem_shared>>
        tpu.enqueue_indirect_dma source(%arg13 : memref<50x128xf32, #tpu.memory_space<vmem>>) target(%dma_start3A_187 : memref<10240x128xf32, #tpu.memory_space<vmem_shared>>) offsets(%dma_start3A_184 : memref<50xi32, #tpu.memory_space<vmem>>) semaphore(%arg24 : memref<!tpu.dma_semaphore, #tpu.memory_space<semaphore_mem>>) {add = true}
        %dma_wait3A_188 = arith.constant 0 : i32
        %dma_wait3A_189 = tpu.memref_slice %arg8[%add3A_175, %dma_wait3A_188] : memref<40x50xi32, #tpu.memory_space<vmem>> -> memref<1x50xi32, #tpu.memory_space<vmem>>
        %dma_wait3A_190 = tpu.memref_squeeze %dma_wait3A_189 : memref<1x50xi32, #tpu.memory_space<vmem>> -> memref<50xi32, #tpu.memory_space<vmem>>
        %dma_wait3A_191 = arith.constant 0 : i32
        %dma_wait3A_192 = arith.constant 0 : i32
        %dma_wait3A_193 = tpu.memref_slice %arg14[%dma_wait3A_191, %dma_wait3A_192] : memref<10240x128xf32, #tpu.memory_space<vmem_shared>> -> memref<10240x128xf32, #tpu.memory_space<vmem_shared>>
        tpu.wait_indirect_dma semaphore(%arg24 : memref<!tpu.dma_semaphore, #tpu.memory_space<semaphore_mem>>) src(%arg13 : memref<50x128xf32, #tpu.memory_space<vmem>>) dst(%dma_wait3A_193 : memref<10240x128xf32, #tpu.memory_space<vmem_shared>>)
        %add3A_194 = arith.constant 5 : i32
        %add3A_195 = arith.addi %add3A_175, %add3A_194 : i32
        %lt3A_196 = arith.constant 40 : i32
        %lt3A_197 = arith.cmpi slt, %add3A_195, %lt3A_196 : i32
        %convert_element_type3A_198 = arith.extui %lt3A_197 : i1 to i32
        %cond3A_199 = arith.constant 0 : i32
        %cond3A_200 = arith.cmpi ne, %convert_element_type3A_198, %cond3A_199 : i32
        scf.if %cond3A_200 {
          %add3A_201 = arith.constant 5 : i32
          %add3A_202 = arith.addi %add3A_175, %add3A_201 : i32
          %dma_start3A_203 = arith.constant 0 : i32
          %dma_start3A_204 = tpu.memref_slice %arg7[%add3A_202, %dma_start3A_203] : memref<40x50xi32, #tpu.memory_space<vmem>> -> memref<1x50xi32, #tpu.memory_space<vmem>>
          %dma_start3A_205 = tpu.memref_squeeze %dma_start3A_204 : memref<1x50xi32, #tpu.memory_space<vmem>> -> memref<50xi32, #tpu.memory_space<vmem>>
          %dma_start3A_206 = arith.constant 0 : i32
          %dma_start3A_207 = arith.constant 0 : i32
          %dma_start3A_208 = tpu.memref_slice %arg2[%dma_start3A_206, %dma_start3A_207] : memref<10240x128xf32, #tpu.memory_space<hbm>> -> memref<10240x128xf32, #tpu.memory_space<hbm>>
          tpu.enqueue_indirect_dma source(%dma_start3A_208 : memref<10240x128xf32, #tpu.memory_space<hbm>>) target(%arg13 : memref<50x128xf32, #tpu.memory_space<vmem>>) offsets(%dma_start3A_205 : memref<50xi32, #tpu.memory_space<vmem>>) semaphore(%arg19 : memref<!tpu.dma_semaphore, #tpu.memory_space<semaphore_mem>>)
        } else {
        }
      }
      %scan3A_58 = arith.constant 8 : i32
    }
    %scan3A_7 = arith.constant 5 : i32
    %barrier3A_8 = arith.constant 0 : index
    tpu.barrier barrier_id(%barrier3A_8)
    %mul3A_9 = arith.constant 640 : i32
    %mul3A_10 = arith.muli %arg1, %mul3A_9 : i32
    %mul3A_11 = arith.constant 640 : i32
    %mul3A_12 = arith.muli %arg1, %mul3A_11 : i32
    "tpu.region"() ({
      %run_scoped3A = tpu.sem_alloc : memref<!tpu.dma_semaphore, #tpu.memory_space<semaphore_mem>>
      %dma_start3A = arith.constant 0 : i32
      %dma_start3A_13 = tpu.memref_slice %arg6[%arg0, %mul3A_12, %dma_start3A] : memref<2x10240x128xf32, #tpu.memory_space<hbm>> -> memref<1x640x128xf32, #tpu.memory_space<hbm>>
      %dma_start3A_14 = tpu.memref_squeeze %dma_start3A_13 : memref<1x640x128xf32, #tpu.memory_space<hbm>> -> memref<640x128xf32, #tpu.memory_space<hbm>>
      %dma_start3A_15 = arith.constant 0 : i32
      %dma_start3A_16 = tpu.memref_slice %arg14[%mul3A_10, %dma_start3A_15] : memref<10240x128xf32, #tpu.memory_space<vmem_shared>> -> memref<640x128xf32, #tpu.memory_space<vmem_shared>>
      tpu.enqueue_dma source(%dma_start3A_16 : memref<640x128xf32, #tpu.memory_space<vmem_shared>>) target(%dma_start3A_14 : memref<640x128xf32, #tpu.memory_space<hbm>>) target_semaphore(%run_scoped3A : memref<!tpu.dma_semaphore, #tpu.memory_space<semaphore_mem>>)
      %dma_wait3A = arith.constant 0 : i32
      %dma_wait3A_17 = tpu.memref_slice %arg6[%arg0, %mul3A_12, %dma_wait3A] : memref<2x10240x128xf32, #tpu.memory_space<hbm>> -> memref<1x640x128xf32, #tpu.memory_space<hbm>>
      %dma_wait3A_18 = tpu.memref_squeeze %dma_wait3A_17 : memref<1x640x128xf32, #tpu.memory_space<hbm>> -> memref<640x128xf32, #tpu.memory_space<hbm>>
      %dma_wait3A_19 = arith.constant 0 : i32
      %dma_wait3A_20 = tpu.memref_slice %arg14[%mul3A_10, %dma_wait3A_19] : memref<10240x128xf32, #tpu.memory_space<vmem_shared>> -> memref<640x128xf32, #tpu.memory_space<vmem_shared>>
      tpu.wait_dma2 semaphore(%run_scoped3A : memref<!tpu.dma_semaphore, #tpu.memory_space<semaphore_mem>>) src(%dma_wait3A_20 : memref<640x128xf32, #tpu.memory_space<vmem_shared>>) dst(%dma_wait3A_18 : memref<640x128xf32, #tpu.memory_space<hbm>>)
      tpu.yield
    }) : () -> ()
    return
  }
}

#map = affine_map<(d0, d1) -> (0, 0)>
#map1 = affine_map<(d0, d1) -> (0, 0, 0)>
module attributes {stable_mosaic.version = 14 : i64} {
  func.func @_sc_scatter(%arg0: i32, %arg1: i32, %arg2: memref<10240x128xf32, #tpu.memory_space<hbm>>, %arg3: memref<6400x50xi32, #tpu.memory_space<hbm>>, %arg4: memref<6400x50xi32, #tpu.memory_space<hbm>>, %arg5: memref<640x128xf32, #tpu.memory_space<hbm>>, %arg6: memref<2x10240x128xf32, #tpu.memory_space<hbm>>, %arg7: memref<40x50xi32, #tpu.memory_space<vmem>>, %arg8: memref<40x50xi32, #tpu.memory_space<vmem>>, %arg9: memref<50x128xf32, #tpu.memory_space<vmem>>, %arg10: memref<50x128xf32, #tpu.memory_space<vmem>>, %arg11: memref<50x128xf32, #tpu.memory_space<vmem>>, %arg12: memref<50x128xf32, #tpu.memory_space<vmem>>, %arg13: memref<50x128xf32, #tpu.memory_space<vmem>>, %arg14: memref<10240x128xf32, #tpu.memory_space<vmem_shared>>, %arg15: memref<!tpu.dma_semaphore, #tpu.memory_space<semaphore_mem>>, %arg16: memref<!tpu.dma_semaphore, #tpu.memory_space<semaphore_mem>>, %arg17: memref<!tpu.dma_semaphore, #tpu.memory_space<semaphore_mem>>, %arg18: memref<!tpu.dma_semaphore, #tpu.memory_space<semaphore_mem>>, %arg19: memref<!tpu.dma_semaphore, #tpu.memory_space<semaphore_mem>>, %arg20: memref<!tpu.dma_semaphore, #tpu.memory_space<semaphore_mem>>, %arg21: memref<!tpu.dma_semaphore, #tpu.memory_space<semaphore_mem>>, %arg22: memref<!tpu.dma_semaphore, #tpu.memory_space<semaphore_mem>>, %arg23: memref<!tpu.dma_semaphore, #tpu.memory_space<semaphore_mem>>, %arg24: memref<!tpu.dma_semaphore, #tpu.memory_space<semaphore_mem>>) attributes {dimension_semantics = [#tpu.dimension_semantics<core_parallel>, #tpu.dimension_semantics<subcore_parallel>], iteration_bounds = array<i64: 2, 16>, scalar_prefetch = 0 : i64, scratch_operands = 18 : i64, tpu.core_type = #tpu.core_type<sc_vector_subcore>, window_params = [{transform_indices = #map}, {transform_indices = #map}, {transform_indices = #map}, {transform_indices = #map}, {transform_indices = #map1}]} {
    %mul3A = arith.constant 2 : i32
    %mul3A_0 = arith.muli %arg1, %mul3A : i32
    %add3A = arith.addi %mul3A_0, %arg0 : i32
    %mul3A_1 = arith.constant 640 : i32
    %mul3A_2 = arith.muli %arg1, %mul3A_1 : i32
    "tpu.region"() ({
      %run_scoped3A = tpu.sem_alloc : memref<!tpu.dma_semaphore, #tpu.memory_space<semaphore_mem>>
      %dma_start3A = arith.constant 0 : i32
      %dma_start3A_13 = tpu.memref_slice %arg14[%mul3A_2, %dma_start3A] : memref<10240x128xf32, #tpu.memory_space<vmem_shared>> -> memref<640x128xf32, #tpu.memory_space<vmem_shared>>
      tpu.enqueue_dma source(%arg5 : memref<640x128xf32, #tpu.memory_space<hbm>>) target(%dma_start3A_13 : memref<640x128xf32, #tpu.memory_space<vmem_shared>>) target_semaphore(%run_scoped3A : memref<!tpu.dma_semaphore, #tpu.memory_space<semaphore_mem>>)
      %dma_wait3A = arith.constant 0 : i32
      %dma_wait3A_14 = tpu.memref_slice %arg14[%mul3A_2, %dma_wait3A] : memref<10240x128xf32, #tpu.memory_space<vmem_shared>> -> memref<640x128xf32, #tpu.memory_space<vmem_shared>>
      tpu.wait_dma2 semaphore(%run_scoped3A : memref<!tpu.dma_semaphore, #tpu.memory_space<semaphore_mem>>) src(%arg5 : memref<640x128xf32, #tpu.memory_space<hbm>>) dst(%dma_wait3A_14 : memref<640x128xf32, #tpu.memory_space<vmem_shared>>)
      tpu.yield
    }) : () -> ()
    %barrier3A = arith.constant 0 : index
    tpu.barrier barrier_id(%barrier3A)
    %scan3A = arith.constant 0 : i32
    %scan3A_3 = arith.constant 0 : i32
    %scan3A_4 = arith.constant 5 : i32
    %scan3A_5 = arith.addi %scan3A_3, %scan3A_4 : i32
    %scan3A_6 = arith.constant 1 : i32
    scf.for %scan3A_13 = %scan3A_3 to %scan3A_5 step %scan3A_6  : i32 {
      %mul3A_14 = arith.constant 200 : i32
      %mul3A_15 = arith.muli %add3A, %mul3A_14 : i32
      %mul3A_16 = arith.constant 40 : i32
      %mul3A_17 = arith.muli %scan3A_13, %mul3A_16 : i32
      %add3A_18 = arith.addi %mul3A_15, %mul3A_17 : i32
      "tpu.region"() ({
        %run_scoped3A = tpu.sem_alloc : memref<!tpu.dma_semaphore, #tpu.memory_space<semaphore_mem>>
        %dma_start3A_59 = arith.constant 0 : i32
        %dma_start3A_60 = tpu.memref_slice %arg3[%add3A_18, %dma_start3A_59] : memref<6400x50xi32, #tpu.memory_space<hbm>> -> memref<40x50xi32, #tpu.memory_space<hbm>>
        %dma_start3A_61 = arith.constant 0 : i32
        %dma_start3A_62 = tpu.memref_slice %arg3[%add3A_18, %dma_start3A_61] : memref<6400x50xi32, #tpu.memory_space<hbm>> -> memref<40x50xi32, #tpu.memory_space<hbm>>
        tpu.enqueue_dma source(%dma_start3A_62 : memref<40x50xi32, #tpu.memory_space<hbm>>) target(%arg7 : memref<40x50xi32, #tpu.memory_space<vmem>>) target_semaphore(%run_scoped3A : memref<!tpu.dma_semaphore, #tpu.memory_space<semaphore_mem>>)
        %dma_wait3A = arith.constant 0 : i32
        %dma_wait3A_63 = tpu.memref_slice %arg3[%add3A_18, %dma_wait3A] : memref<6400x50xi32, #tpu.memory_space<hbm>> -> memref<40x50xi32, #tpu.memory_space<hbm>>
        %dma_wait3A_64 = arith.constant 0 : i32
        %dma_wait3A_65 = tpu.memref_slice %arg3[%add3A_18, %dma_wait3A_64] : memref<6400x50xi32, #tpu.memory_space<hbm>> -> memref<40x50xi32, #tpu.memory_space<hbm>>
        tpu.wait_dma2 semaphore(%run_scoped3A : memref<!tpu.dma_semaphore, #tpu.memory_space<semaphore_mem>>) src(%dma_wait3A_65 : memref<40x50xi32, #tpu.memory_space<hbm>>) dst(%arg7 : memref<40x50xi32, #tpu.memory_space<vmem>>)
        tpu.yield
      }) : () -> ()
      "tpu.region"() ({
        %run_scoped3A = tpu.sem_alloc : memref<!tpu.dma_semaphore, #tpu.memory_space<semaphore_mem>>
        %dma_start3A_59 = arith.constant 0 : i32
        %dma_start3A_60 = tpu.memref_slice %arg4[%add3A_18, %dma_start3A_59] : memref<6400x50xi32, #tpu.memory_space<hbm>> -> memref<40x50xi32, #tpu.memory_space<hbm>>
        %dma_start3A_61 = arith.constant 0 : i32
        %dma_start3A_62 = tpu.memref_slice %arg4[%add3A_18, %dma_start3A_61] : memref<6400x50xi32, #tpu.memory_space<hbm>> -> memref<40x50xi32, #tpu.memory_space<hbm>>
        tpu.enqueue_dma source(%dma_start3A_62 : memref<40x50xi32, #tpu.memory_space<hbm>>) target(%arg8 : memref<40x50xi32, #tpu.memory_space<vmem>>) target_semaphore(%run_scoped3A : memref<!tpu.dma_semaphore, #tpu.memory_space<semaphore_mem>>)
        %dma_wait3A = arith.constant 0 : i32
        %dma_wait3A_63 = tpu.memref_slice %arg4[%add3A_18, %dma_wait3A] : memref<6400x50xi32, #tpu.memory_space<hbm>> -> memref<40x50xi32, #tpu.memory_space<hbm>>
        %dma_wait3A_64 = arith.constant 0 : i32
        %dma_wait3A_65 = tpu.memref_slice %arg4[%add3A_18, %dma_wait3A_64] : memref<6400x50xi32, #tpu.memory_space<hbm>> -> memref<40x50xi32, #tpu.memory_space<hbm>>
        tpu.wait_dma2 semaphore(%run_scoped3A : memref<!tpu.dma_semaphore, #tpu.memory_space<semaphore_mem>>) src(%dma_wait3A_65 : memref<40x50xi32, #tpu.memory_space<hbm>>) dst(%arg8 : memref<40x50xi32, #tpu.memory_space<vmem>>)
        tpu.yield
      }) : () -> ()
      %dma_start3A = arith.constant 0 : i32
      %dma_start3A_19 = arith.constant 0 : i32
      %dma_start3A_20 = tpu.memref_slice %arg7[%dma_start3A, %dma_start3A_19] : memref<40x50xi32, #tpu.memory_space<vmem>> -> memref<1x50xi32, #tpu.memory_space<vmem>>
      %dma_start3A_21 = tpu.memref_squeeze %dma_start3A_20 : memref<1x50xi32, #tpu.memory_space<vmem>> -> memref<50xi32, #tpu.memory_space<vmem>>
      %dma_start3A_22 = arith.constant 0 : i32
      %dma_start3A_23 = arith.constant 0 : i32
      %dma_start3A_24 = tpu.memref_slice %arg2[%dma_start3A_22, %dma_start3A_23] : memref<10240x128xf32, #tpu.memory_space<hbm>> -> memref<10240x128xf32, #tpu.memory_space<hbm>>
      tpu.enqueue_indirect_dma source(%dma_start3A_24 : memref<10240x128xf32, #tpu.memory_space<hbm>>) target(%arg9 : memref<50x128xf32, #tpu.memory_space<vmem>>) offsets(%dma_start3A_21 : memref<50xi32, #tpu.memory_space<vmem>>) semaphore(%arg15 : memref<!tpu.dma_semaphore, #tpu.memory_space<semaphore_mem>>)
      %dma_start3A_25 = arith.constant 1 : i32
      %dma_start3A_26 = arith.constant 0 : i32
      %dma_start3A_27 = tpu.memref_slice %arg7[%dma_start3A_25, %dma_start3A_26] : memref<40x50xi32, #tpu.memory_space<vmem>> -> memref<1x50xi32, #tpu.memory_space<vmem>>
      %dma_start3A_28 = tpu.memref_squeeze %dma_start3A_27 : memref<1x50xi32, #tpu.memory_space<vmem>> -> memref<50xi32, #tpu.memory_space<vmem>>
      %dma_start3A_29 = arith.constant 0 : i32
      %dma_start3A_30 = arith.constant 0 : i32
      %dma_start3A_31 = tpu.memref_slice %arg2[%dma_start3A_29, %dma_start3A_30] : memref<10240x128xf32, #tpu.memory_space<hbm>> -> memref<10240x128xf32, #tpu.memory_space<hbm>>
      tpu.enqueue_indirect_dma source(%dma_start3A_31 : memref<10240x128xf32, #tpu.memory_space<hbm>>) target(%arg10 : memref<50x128xf32, #tpu.memory_space<vmem>>) offsets(%dma_start3A_28 : memref<50xi32, #tpu.memory_space<vmem>>) semaphore(%arg16 : memref<!tpu.dma_semaphore, #tpu.memory_space<semaphore_mem>>)
      %dma_start3A_32 = arith.constant 2 : i32
      %dma_start3A_33 = arith.constant 0 : i32
      %dma_start3A_34 = tpu.memref_slice %arg7[%dma_start3A_32, %dma_start3A_33] : memref<40x50xi32, #tpu.memory_space<vmem>> -> memref<1x50xi32, #tpu.memory_space<vmem>>
      %dma_start3A_35 = tpu.memref_squeeze %dma_start3A_34 : memref<1x50xi32, #tpu.memory_space<vmem>> -> memref<50xi32, #tpu.memory_space<vmem>>
      %dma_start3A_36 = arith.constant 0 : i32
      %dma_start3A_37 = arith.constant 0 : i32
      %dma_start3A_38 = tpu.memref_slice %arg2[%dma_start3A_36, %dma_start3A_37] : memref<10240x128xf32, #tpu.memory_space<hbm>> -> memref<10240x128xf32, #tpu.memory_space<hbm>>
      tpu.enqueue_indirect_dma source(%dma_start3A_38 : memref<10240x128xf32, #tpu.memory_space<hbm>>) target(%arg11 : memref<50x128xf32, #tpu.memory_space<vmem>>) offsets(%dma_start3A_35 : memref<50xi32, #tpu.memory_space<vmem>>) semaphore(%arg17 : memref<!tpu.dma_semaphore, #tpu.memory_space<semaphore_mem>>)
      %dma_start3A_39 = arith.constant 3 : i32
      %dma_start3A_40 = arith.constant 0 : i32
      %dma_start3A_41 = tpu.memref_slice %arg7[%dma_start3A_39, %dma_start3A_40] : memref<40x50xi32, #tpu.memory_space<vmem>> -> memref<1x50xi32, #tpu.memory_space<vmem>>
      %dma_start3A_42 = tpu.memref_squeeze %dma_start3A_41 : memref<1x50xi32, #tpu.memory_space<vmem>> -> memref<50xi32, #tpu.memory_space<vmem>>
      %dma_start3A_43 = arith.constant 0 : i32
      %dma_start3A_44 = arith.constant 0 : i32
      %dma_start3A_45 = tpu.memref_slice %arg2[%dma_start3A_43, %dma_start3A_44] : memref<10240x128xf32, #tpu.memory_space<hbm>> -> memref<10240x128xf32, #tpu.memory_space<hbm>>
      tpu.enqueue_indirect_dma source(%dma_start3A_45 : memref<10240x128xf32, #tpu.memory_space<hbm>>) target(%arg12 : memref<50x128xf32, #tpu.memory_space<vmem>>) offsets(%dma_start3A_42 : memref<50xi32, #tpu.memory_space<vmem>>) semaphore(%arg18 : memref<!tpu.dma_semaphore, #tpu.memory_space<semaphore_mem>>)
      %dma_start3A_46 = arith.constant 4 : i32
      %dma_start3A_47 = arith.constant 0 : i32
      %dma_start3A_48 = tpu.memref_slice %arg7[%dma_start3A_46, %dma_start3A_47] : memref<40x50xi32, #tpu.memory_space<vmem>> -> memref<1x50xi32, #tpu.memory_space<vmem>>
      %dma_start3A_49 = tpu.memref_squeeze %dma_start3A_48 : memref<1x50xi32, #tpu.memory_space<vmem>> -> memref<50xi32, #tpu.memory_space<vmem>>
      %dma_start3A_50 = arith.constant 0 : i32
      %dma_start3A_51 = arith.constant 0 : i32
      %dma_start3A_52 = tpu.memref_slice %arg2[%dma_start3A_50, %dma_start3A_51] : memref<10240x128xf32, #tpu.memory_space<hbm>> -> memref<10240x128xf32, #tpu.memory_space<hbm>>
      tpu.enqueue_indirect_dma source(%dma_start3A_52 : memref<10240x128xf32, #tpu.memory_space<hbm>>) target(%arg13 : memref<50x128xf32, #tpu.memory_space<vmem>>) offsets(%dma_start3A_49 : memref<50xi32, #tpu.memory_space<vmem>>) semaphore(%arg19 : memref<!tpu.dma_semaphore, #tpu.memory_space<semaphore_mem>>)
      %scan3A_53 = arith.constant 0 : i32
      %scan3A_54 = arith.constant 0 : i32
      %scan3A_55 = arith.constant 8 : i32
      %scan3A_56 = arith.addi %scan3A_54, %scan3A_55 : i32
      %scan3A_57 = arith.constant 1 : i32
      scf.for %scan3A_59 = %scan3A_54 to %scan3A_56 step %scan3A_57  : i32 {
        %mul3A_60 = arith.constant 5 : i32
        %mul3A_61 = arith.muli %scan3A_59, %mul3A_60 : i32
        %add3A_62 = arith.constant 0 : i32
        %add3A_63 = arith.addi %mul3A_61, %add3A_62 : i32
        %dma_wait3A = arith.constant 0 : i32
        %dma_wait3A_64 = tpu.memref_slice %arg7[%add3A_63, %dma_wait3A] : memref<40x50xi32, #tpu.memory_space<vmem>> -> memref<1x50xi32, #tpu.memory_space<vmem>>
        %dma_wait3A_65 = tpu.memref_squeeze %dma_wait3A_64 : memref<1x50xi32, #tpu.memory_space<vmem>> -> memref<50xi32, #tpu.memory_space<vmem>>
        %dma_wait3A_66 = arith.constant 0 : i32
        %dma_wait3A_67 = arith.constant 0 : i32
        %dma_wait3A_68 = tpu.memref_slice %arg2[%dma_wait3A_66, %dma_wait3A_67] : memref<10240x128xf32, #tpu.memory_space<hbm>> -> memref<10240x128xf32, #tpu.memory_space<hbm>>
        tpu.wait_indirect_dma semaphore(%arg15 : memref<!tpu.dma_semaphore, #tpu.memory_space<semaphore_mem>>) src(%dma_wait3A_68 : memref<10240x128xf32, #tpu.memory_space<hbm>>) dst(%arg9 : memref<50x128xf32, #tpu.memory_space<vmem>>)
        %dma_start3A_69 = arith.constant 0 : i32
        %dma_start3A_70 = tpu.memref_slice %arg8[%add3A_63, %dma_start3A_69] : memref<40x50xi32, #tpu.memory_space<vmem>> -> memref<1x50xi32, #tpu.memory_space<vmem>>
        %dma_start3A_71 = tpu.memref_squeeze %dma_start3A_70 : memref<1x50xi32, #tpu.memory_space<vmem>> -> memref<50xi32, #tpu.memory_space<vmem>>
        %dma_start3A_72 = arith.constant 0 : i32
        %dma_start3A_73 = arith.constant 0 : i32
        %dma_start3A_74 = tpu.memref_slice %arg14[%dma_start3A_72, %dma_start3A_73] : memref<10240x128xf32, #tpu.memory_space<vmem_shared>> -> memref<10240x128xf32, #tpu.memory_space<vmem_shared>>
        tpu.enqueue_indirect_dma source(%arg9 : memref<50x128xf32, #tpu.memory_space<vmem>>) target(%dma_start3A_74 : memref<10240x128xf32, #tpu.memory_space<vmem_shared>>) offsets(%dma_start3A_71 : memref<50xi32, #tpu.memory_space<vmem>>) semaphore(%arg20 : memref<!tpu.dma_semaphore, #tpu.memory_space<semaphore_mem>>) {add = true}
        %dma_wait3A_75 = arith.constant 0 : i32
        %dma_wait3A_76 = tpu.memref_slice %arg8[%add3A_63, %dma_wait3A_75] : memref<40x50xi32, #tpu.memory_space<vmem>> -> memref<1x50xi32, #tpu.memory_space<vmem>>
        %dma_wait3A_77 = tpu.memref_squeeze %dma_wait3A_76 : memref<1x50xi32, #tpu.memory_space<vmem>> -> memref<50xi32, #tpu.memory_space<vmem>>
        %dma_wait3A_78 = arith.constant 0 : i32
        %dma_wait3A_79 = arith.constant 0 : i32
        %dma_wait3A_80 = tpu.memref_slice %arg14[%dma_wait3A_78, %dma_wait3A_79] : memref<10240x128xf32, #tpu.memory_space<vmem_shared>> -> memref<10240x128xf32, #tpu.memory_space<vmem_shared>>
        tpu.wait_indirect_dma semaphore(%arg20 : memref<!tpu.dma_semaphore, #tpu.memory_space<semaphore_mem>>) src(%arg9 : memref<50x128xf32, #tpu.memory_space<vmem>>) dst(%dma_wait3A_80 : memref<10240x128xf32, #tpu.memory_space<vmem_shared>>)
        %add3A_81 = arith.constant 5 : i32
        %add3A_82 = arith.addi %add3A_63, %add3A_81 : i32
        %lt3A = arith.constant 40 : i32
        %lt3A_83 = arith.cmpi slt, %add3A_82, %lt3A : i32
        %convert_element_type3A = arith.extui %lt3A_83 : i1 to i32
        %cond3A = arith.constant 0 : i32
        %cond3A_84 = arith.cmpi ne, %convert_element_type3A, %cond3A : i32
        scf.if %cond3A_84 {
          %add3A_201 = arith.constant 5 : i32
          %add3A_202 = arith.addi %add3A_63, %add3A_201 : i32
          %dma_start3A_203 = arith.constant 0 : i32
          %dma_start3A_204 = tpu.memref_slice %arg7[%add3A_202, %dma_start3A_203] : memref<40x50xi32, #tpu.memory_space<vmem>> -> memref<1x50xi32, #tpu.memory_space<vmem>>
          %dma_start3A_205 = tpu.memref_squeeze %dma_start3A_204 : memref<1x50xi32, #tpu.memory_space<vmem>> -> memref<50xi32, #tpu.memory_space<vmem>>
          %dma_start3A_206 = arith.constant 0 : i32
          %dma_start3A_207 = arith.constant 0 : i32
          %dma_start3A_208 = tpu.memref_slice %arg2[%dma_start3A_206, %dma_start3A_207] : memref<10240x128xf32, #tpu.memory_space<hbm>> -> memref<10240x128xf32, #tpu.memory_space<hbm>>
          tpu.enqueue_indirect_dma source(%dma_start3A_208 : memref<10240x128xf32, #tpu.memory_space<hbm>>) target(%arg9 : memref<50x128xf32, #tpu.memory_space<vmem>>) offsets(%dma_start3A_205 : memref<50xi32, #tpu.memory_space<vmem>>) semaphore(%arg15 : memref<!tpu.dma_semaphore, #tpu.memory_space<semaphore_mem>>)
        } else {
        }
        %mul3A_85 = arith.constant 5 : i32
        %mul3A_86 = arith.muli %scan3A_59, %mul3A_85 : i32
        %add3A_87 = arith.constant 1 : i32
        %add3A_88 = arith.addi %mul3A_86, %add3A_87 : i32
        %dma_wait3A_89 = arith.constant 0 : i32
        %dma_wait3A_90 = tpu.memref_slice %arg7[%add3A_88, %dma_wait3A_89] : memref<40x50xi32, #tpu.memory_space<vmem>> -> memref<1x50xi32, #tpu.memory_space<vmem>>
        %dma_wait3A_91 = tpu.memref_squeeze %dma_wait3A_90 : memref<1x50xi32, #tpu.memory_space<vmem>> -> memref<50xi32, #tpu.memory_space<vmem>>
        %dma_wait3A_92 = arith.constant 0 : i32
        %dma_wait3A_93 = arith.constant 0 : i32
        %dma_wait3A_94 = tpu.memref_slice %arg2[%dma_wait3A_92, %dma_wait3A_93] : memref<10240x128xf32, #tpu.memory_space<hbm>> -> memref<10240x128xf32, #tpu.memory_space<hbm>>
        tpu.wait_indirect_dma semaphore(%arg16 : memref<!tpu.dma_semaphore, #tpu.memory_space<semaphore_mem>>) src(%dma_wait3A_94 : memref<10240x128xf32, #tpu.memory_space<hbm>>) dst(%arg10 : memref<50x128xf32, #tpu.memory_space<vmem>>)
        %dma_start3A_95 = arith.constant 0 : i32
        %dma_start3A_96 = tpu.memref_slice %arg8[%add3A_88, %dma_start3A_95] : memref<40x50xi32, #tpu.memory_space<vmem>> -> memref<1x50xi32, #tpu.memory_space<vmem>>
        %dma_start3A_97 = tpu.memref_squeeze %dma_start3A_96 : memref<1x50xi32, #tpu.memory_space<vmem>> -> memref<50xi32, #tpu.memory_space<vmem>>
        %dma_start3A_98 = arith.constant 0 : i32
        %dma_start3A_99 = arith.constant 0 : i32
        %dma_start3A_100 = tpu.memref_slice %arg14[%dma_start3A_98, %dma_start3A_99] : memref<10240x128xf32, #tpu.memory_space<vmem_shared>> -> memref<10240x128xf32, #tpu.memory_space<vmem_shared>>
        tpu.enqueue_indirect_dma source(%arg10 : memref<50x128xf32, #tpu.memory_space<vmem>>) target(%dma_start3A_100 : memref<10240x128xf32, #tpu.memory_space<vmem_shared>>) offsets(%dma_start3A_97 : memref<50xi32, #tpu.memory_space<vmem>>) semaphore(%arg21 : memref<!tpu.dma_semaphore, #tpu.memory_space<semaphore_mem>>) {add = true}
        %dma_wait3A_101 = arith.constant 0 : i32
        %dma_wait3A_102 = tpu.memref_slice %arg8[%add3A_88, %dma_wait3A_101] : memref<40x50xi32, #tpu.memory_space<vmem>> -> memref<1x50xi32, #tpu.memory_space<vmem>>
        %dma_wait3A_103 = tpu.memref_squeeze %dma_wait3A_102 : memref<1x50xi32, #tpu.memory_space<vmem>> -> memref<50xi32, #tpu.memory_space<vmem>>
        %dma_wait3A_104 = arith.constant 0 : i32
        %dma_wait3A_105 = arith.constant 0 : i32
        %dma_wait3A_106 = tpu.memref_slice %arg14[%dma_wait3A_104, %dma_wait3A_105] : memref<10240x128xf32, #tpu.memory_space<vmem_shared>> -> memref<10240x128xf32, #tpu.memory_space<vmem_shared>>
        tpu.wait_indirect_dma semaphore(%arg21 : memref<!tpu.dma_semaphore, #tpu.memory_space<semaphore_mem>>) src(%arg10 : memref<50x128xf32, #tpu.memory_space<vmem>>) dst(%dma_wait3A_106 : memref<10240x128xf32, #tpu.memory_space<vmem_shared>>)
        %add3A_107 = arith.constant 5 : i32
        %add3A_108 = arith.addi %add3A_88, %add3A_107 : i32
        %lt3A_109 = arith.constant 40 : i32
        %lt3A_110 = arith.cmpi slt, %add3A_108, %lt3A_109 : i32
        %convert_element_type3A_111 = arith.extui %lt3A_110 : i1 to i32
        %cond3A_112 = arith.constant 0 : i32
        %cond3A_113 = arith.cmpi ne, %convert_element_type3A_111, %cond3A_112 : i32
        scf.if %cond3A_113 {
          %add3A_201 = arith.constant 5 : i32
          %add3A_202 = arith.addi %add3A_88, %add3A_201 : i32
          %dma_start3A_203 = arith.constant 0 : i32
          %dma_start3A_204 = tpu.memref_slice %arg7[%add3A_202, %dma_start3A_203] : memref<40x50xi32, #tpu.memory_space<vmem>> -> memref<1x50xi32, #tpu.memory_space<vmem>>
          %dma_start3A_205 = tpu.memref_squeeze %dma_start3A_204 : memref<1x50xi32, #tpu.memory_space<vmem>> -> memref<50xi32, #tpu.memory_space<vmem>>
          %dma_start3A_206 = arith.constant 0 : i32
          %dma_start3A_207 = arith.constant 0 : i32
          %dma_start3A_208 = tpu.memref_slice %arg2[%dma_start3A_206, %dma_start3A_207] : memref<10240x128xf32, #tpu.memory_space<hbm>> -> memref<10240x128xf32, #tpu.memory_space<hbm>>
          tpu.enqueue_indirect_dma source(%dma_start3A_208 : memref<10240x128xf32, #tpu.memory_space<hbm>>) target(%arg10 : memref<50x128xf32, #tpu.memory_space<vmem>>) offsets(%dma_start3A_205 : memref<50xi32, #tpu.memory_space<vmem>>) semaphore(%arg16 : memref<!tpu.dma_semaphore, #tpu.memory_space<semaphore_mem>>)
        } else {
        }
        %mul3A_114 = arith.constant 5 : i32
        %mul3A_115 = arith.muli %scan3A_59, %mul3A_114 : i32
        %add3A_116 = arith.constant 2 : i32
        %add3A_117 = arith.addi %mul3A_115, %add3A_116 : i32
        %dma_wait3A_118 = arith.constant 0 : i32
        %dma_wait3A_119 = tpu.memref_slice %arg7[%add3A_117, %dma_wait3A_118] : memref<40x50xi32, #tpu.memory_space<vmem>> -> memref<1x50xi32, #tpu.memory_space<vmem>>
        %dma_wait3A_120 = tpu.memref_squeeze %dma_wait3A_119 : memref<1x50xi32, #tpu.memory_space<vmem>> -> memref<50xi32, #tpu.memory_space<vmem>>
        %dma_wait3A_121 = arith.constant 0 : i32
        %dma_wait3A_122 = arith.constant 0 : i32
        %dma_wait3A_123 = tpu.memref_slice %arg2[%dma_wait3A_121, %dma_wait3A_122] : memref<10240x128xf32, #tpu.memory_space<hbm>> -> memref<10240x128xf32, #tpu.memory_space<hbm>>
        tpu.wait_indirect_dma semaphore(%arg17 : memref<!tpu.dma_semaphore, #tpu.memory_space<semaphore_mem>>) src(%dma_wait3A_123 : memref<10240x128xf32, #tpu.memory_space<hbm>>) dst(%arg11 : memref<50x128xf32, #tpu.memory_space<vmem>>)
        %dma_start3A_124 = arith.constant 0 : i32
        %dma_start3A_125 = tpu.memref_slice %arg8[%add3A_117, %dma_start3A_124] : memref<40x50xi32, #tpu.memory_space<vmem>> -> memref<1x50xi32, #tpu.memory_space<vmem>>
        %dma_start3A_126 = tpu.memref_squeeze %dma_start3A_125 : memref<1x50xi32, #tpu.memory_space<vmem>> -> memref<50xi32, #tpu.memory_space<vmem>>
        %dma_start3A_127 = arith.constant 0 : i32
        %dma_start3A_128 = arith.constant 0 : i32
        %dma_start3A_129 = tpu.memref_slice %arg14[%dma_start3A_127, %dma_start3A_128] : memref<10240x128xf32, #tpu.memory_space<vmem_shared>> -> memref<10240x128xf32, #tpu.memory_space<vmem_shared>>
        tpu.enqueue_indirect_dma source(%arg11 : memref<50x128xf32, #tpu.memory_space<vmem>>) target(%dma_start3A_129 : memref<10240x128xf32, #tpu.memory_space<vmem_shared>>) offsets(%dma_start3A_126 : memref<50xi32, #tpu.memory_space<vmem>>) semaphore(%arg22 : memref<!tpu.dma_semaphore, #tpu.memory_space<semaphore_mem>>) {add = true}
        %dma_wait3A_130 = arith.constant 0 : i32
        %dma_wait3A_131 = tpu.memref_slice %arg8[%add3A_117, %dma_wait3A_130] : memref<40x50xi32, #tpu.memory_space<vmem>> -> memref<1x50xi32, #tpu.memory_space<vmem>>
        %dma_wait3A_132 = tpu.memref_squeeze %dma_wait3A_131 : memref<1x50xi32, #tpu.memory_space<vmem>> -> memref<50xi32, #tpu.memory_space<vmem>>
        %dma_wait3A_133 = arith.constant 0 : i32
        %dma_wait3A_134 = arith.constant 0 : i32
        %dma_wait3A_135 = tpu.memref_slice %arg14[%dma_wait3A_133, %dma_wait3A_134] : memref<10240x128xf32, #tpu.memory_space<vmem_shared>> -> memref<10240x128xf32, #tpu.memory_space<vmem_shared>>
        tpu.wait_indirect_dma semaphore(%arg22 : memref<!tpu.dma_semaphore, #tpu.memory_space<semaphore_mem>>) src(%arg11 : memref<50x128xf32, #tpu.memory_space<vmem>>) dst(%dma_wait3A_135 : memref<10240x128xf32, #tpu.memory_space<vmem_shared>>)
        %add3A_136 = arith.constant 5 : i32
        %add3A_137 = arith.addi %add3A_117, %add3A_136 : i32
        %lt3A_138 = arith.constant 40 : i32
        %lt3A_139 = arith.cmpi slt, %add3A_137, %lt3A_138 : i32
        %convert_element_type3A_140 = arith.extui %lt3A_139 : i1 to i32
        %cond3A_141 = arith.constant 0 : i32
        %cond3A_142 = arith.cmpi ne, %convert_element_type3A_140, %cond3A_141 : i32
        scf.if %cond3A_142 {
          %add3A_201 = arith.constant 5 : i32
          %add3A_202 = arith.addi %add3A_117, %add3A_201 : i32
          %dma_start3A_203 = arith.constant 0 : i32
          %dma_start3A_204 = tpu.memref_slice %arg7[%add3A_202, %dma_start3A_203] : memref<40x50xi32, #tpu.memory_space<vmem>> -> memref<1x50xi32, #tpu.memory_space<vmem>>
          %dma_start3A_205 = tpu.memref_squeeze %dma_start3A_204 : memref<1x50xi32, #tpu.memory_space<vmem>> -> memref<50xi32, #tpu.memory_space<vmem>>
          %dma_start3A_206 = arith.constant 0 : i32
          %dma_start3A_207 = arith.constant 0 : i32
          %dma_start3A_208 = tpu.memref_slice %arg2[%dma_start3A_206, %dma_start3A_207] : memref<10240x128xf32, #tpu.memory_space<hbm>> -> memref<10240x128xf32, #tpu.memory_space<hbm>>
          tpu.enqueue_indirect_dma source(%dma_start3A_208 : memref<10240x128xf32, #tpu.memory_space<hbm>>) target(%arg11 : memref<50x128xf32, #tpu.memory_space<vmem>>) offsets(%dma_start3A_205 : memref<50xi32, #tpu.memory_space<vmem>>) semaphore(%arg17 : memref<!tpu.dma_semaphore, #tpu.memory_space<semaphore_mem>>)
        } else {
        }
        %mul3A_143 = arith.constant 5 : i32
        %mul3A_144 = arith.muli %scan3A_59, %mul3A_143 : i32
        %add3A_145 = arith.constant 3 : i32
        %add3A_146 = arith.addi %mul3A_144, %add3A_145 : i32
        %dma_wait3A_147 = arith.constant 0 : i32
        %dma_wait3A_148 = tpu.memref_slice %arg7[%add3A_146, %dma_wait3A_147] : memref<40x50xi32, #tpu.memory_space<vmem>> -> memref<1x50xi32, #tpu.memory_space<vmem>>
        %dma_wait3A_149 = tpu.memref_squeeze %dma_wait3A_148 : memref<1x50xi32, #tpu.memory_space<vmem>> -> memref<50xi32, #tpu.memory_space<vmem>>
        %dma_wait3A_150 = arith.constant 0 : i32
        %dma_wait3A_151 = arith.constant 0 : i32
        %dma_wait3A_152 = tpu.memref_slice %arg2[%dma_wait3A_150, %dma_wait3A_151] : memref<10240x128xf32, #tpu.memory_space<hbm>> -> memref<10240x128xf32, #tpu.memory_space<hbm>>
        tpu.wait_indirect_dma semaphore(%arg18 : memref<!tpu.dma_semaphore, #tpu.memory_space<semaphore_mem>>) src(%dma_wait3A_152 : memref<10240x128xf32, #tpu.memory_space<hbm>>) dst(%arg12 : memref<50x128xf32, #tpu.memory_space<vmem>>)
        %dma_start3A_153 = arith.constant 0 : i32
        %dma_start3A_154 = tpu.memref_slice %arg8[%add3A_146, %dma_start3A_153] : memref<40x50xi32, #tpu.memory_space<vmem>> -> memref<1x50xi32, #tpu.memory_space<vmem>>
        %dma_start3A_155 = tpu.memref_squeeze %dma_start3A_154 : memref<1x50xi32, #tpu.memory_space<vmem>> -> memref<50xi32, #tpu.memory_space<vmem>>
        %dma_start3A_156 = arith.constant 0 : i32
        %dma_start3A_157 = arith.constant 0 : i32
        %dma_start3A_158 = tpu.memref_slice %arg14[%dma_start3A_156, %dma_start3A_157] : memref<10240x128xf32, #tpu.memory_space<vmem_shared>> -> memref<10240x128xf32, #tpu.memory_space<vmem_shared>>
        tpu.enqueue_indirect_dma source(%arg12 : memref<50x128xf32, #tpu.memory_space<vmem>>) target(%dma_start3A_158 : memref<10240x128xf32, #tpu.memory_space<vmem_shared>>) offsets(%dma_start3A_155 : memref<50xi32, #tpu.memory_space<vmem>>) semaphore(%arg23 : memref<!tpu.dma_semaphore, #tpu.memory_space<semaphore_mem>>) {add = true}
        %dma_wait3A_159 = arith.constant 0 : i32
        %dma_wait3A_160 = tpu.memref_slice %arg8[%add3A_146, %dma_wait3A_159] : memref<40x50xi32, #tpu.memory_space<vmem>> -> memref<1x50xi32, #tpu.memory_space<vmem>>
        %dma_wait3A_161 = tpu.memref_squeeze %dma_wait3A_160 : memref<1x50xi32, #tpu.memory_space<vmem>> -> memref<50xi32, #tpu.memory_space<vmem>>
        %dma_wait3A_162 = arith.constant 0 : i32
        %dma_wait3A_163 = arith.constant 0 : i32
        %dma_wait3A_164 = tpu.memref_slice %arg14[%dma_wait3A_162, %dma_wait3A_163] : memref<10240x128xf32, #tpu.memory_space<vmem_shared>> -> memref<10240x128xf32, #tpu.memory_space<vmem_shared>>
        tpu.wait_indirect_dma semaphore(%arg23 : memref<!tpu.dma_semaphore, #tpu.memory_space<semaphore_mem>>) src(%arg12 : memref<50x128xf32, #tpu.memory_space<vmem>>) dst(%dma_wait3A_164 : memref<10240x128xf32, #tpu.memory_space<vmem_shared>>)
        %add3A_165 = arith.constant 5 : i32
        %add3A_166 = arith.addi %add3A_146, %add3A_165 : i32
        %lt3A_167 = arith.constant 40 : i32
        %lt3A_168 = arith.cmpi slt, %add3A_166, %lt3A_167 : i32
        %convert_element_type3A_169 = arith.extui %lt3A_168 : i1 to i32
        %cond3A_170 = arith.constant 0 : i32
        %cond3A_171 = arith.cmpi ne, %convert_element_type3A_169, %cond3A_170 : i32
        scf.if %cond3A_171 {
          %add3A_201 = arith.constant 5 : i32
          %add3A_202 = arith.addi %add3A_146, %add3A_201 : i32
          %dma_start3A_203 = arith.constant 0 : i32
          %dma_start3A_204 = tpu.memref_slice %arg7[%add3A_202, %dma_start3A_203] : memref<40x50xi32, #tpu.memory_space<vmem>> -> memref<1x50xi32, #tpu.memory_space<vmem>>
          %dma_start3A_205 = tpu.memref_squeeze %dma_start3A_204 : memref<1x50xi32, #tpu.memory_space<vmem>> -> memref<50xi32, #tpu.memory_space<vmem>>
          %dma_start3A_206 = arith.constant 0 : i32
          %dma_start3A_207 = arith.constant 0 : i32
          %dma_start3A_208 = tpu.memref_slice %arg2[%dma_start3A_206, %dma_start3A_207] : memref<10240x128xf32, #tpu.memory_space<hbm>> -> memref<10240x128xf32, #tpu.memory_space<hbm>>
          tpu.enqueue_indirect_dma source(%dma_start3A_208 : memref<10240x128xf32, #tpu.memory_space<hbm>>) target(%arg12 : memref<50x128xf32, #tpu.memory_space<vmem>>) offsets(%dma_start3A_205 : memref<50xi32, #tpu.memory_space<vmem>>) semaphore(%arg18 : memref<!tpu.dma_semaphore, #tpu.memory_space<semaphore_mem>>)
        } else {
        }
        %mul3A_172 = arith.constant 5 : i32
        %mul3A_173 = arith.muli %scan3A_59, %mul3A_172 : i32
        %add3A_174 = arith.constant 4 : i32
        %add3A_175 = arith.addi %mul3A_173, %add3A_174 : i32
        %dma_wait3A_176 = arith.constant 0 : i32
        %dma_wait3A_177 = tpu.memref_slice %arg7[%add3A_175, %dma_wait3A_176] : memref<40x50xi32, #tpu.memory_space<vmem>> -> memref<1x50xi32, #tpu.memory_space<vmem>>
        %dma_wait3A_178 = tpu.memref_squeeze %dma_wait3A_177 : memref<1x50xi32, #tpu.memory_space<vmem>> -> memref<50xi32, #tpu.memory_space<vmem>>
        %dma_wait3A_179 = arith.constant 0 : i32
        %dma_wait3A_180 = arith.constant 0 : i32
        %dma_wait3A_181 = tpu.memref_slice %arg2[%dma_wait3A_179, %dma_wait3A_180] : memref<10240x128xf32, #tpu.memory_space<hbm>> -> memref<10240x128xf32, #tpu.memory_space<hbm>>
        tpu.wait_indirect_dma semaphore(%arg19 : memref<!tpu.dma_semaphore, #tpu.memory_space<semaphore_mem>>) src(%dma_wait3A_181 : memref<10240x128xf32, #tpu.memory_space<hbm>>) dst(%arg13 : memref<50x128xf32, #tpu.memory_space<vmem>>)
        %dma_start3A_182 = arith.constant 0 : i32
        %dma_start3A_183 = tpu.memref_slice %arg8[%add3A_175, %dma_start3A_182] : memref<40x50xi32, #tpu.memory_space<vmem>> -> memref<1x50xi32, #tpu.memory_space<vmem>>
        %dma_start3A_184 = tpu.memref_squeeze %dma_start3A_183 : memref<1x50xi32, #tpu.memory_space<vmem>> -> memref<50xi32, #tpu.memory_space<vmem>>
        %dma_start3A_185 = arith.constant 0 : i32
        %dma_start3A_186 = arith.constant 0 : i32
        %dma_start3A_187 = tpu.memref_slice %arg14[%dma_start3A_185, %dma_start3A_186] : memref<10240x128xf32, #tpu.memory_space<vmem_shared>> -> memref<10240x128xf32, #tpu.memory_space<vmem_shared>>
        tpu.enqueue_indirect_dma source(%arg13 : memref<50x128xf32, #tpu.memory_space<vmem>>) target(%dma_start3A_187 : memref<10240x128xf32, #tpu.memory_space<vmem_shared>>) offsets(%dma_start3A_184 : memref<50xi32, #tpu.memory_space<vmem>>) semaphore(%arg24 : memref<!tpu.dma_semaphore, #tpu.memory_space<semaphore_mem>>) {add = true}
        %dma_wait3A_188 = arith.constant 0 : i32
        %dma_wait3A_189 = tpu.memref_slice %arg8[%add3A_175, %dma_wait3A_188] : memref<40x50xi32, #tpu.memory_space<vmem>> -> memref<1x50xi32, #tpu.memory_space<vmem>>
        %dma_wait3A_190 = tpu.memref_squeeze %dma_wait3A_189 : memref<1x50xi32, #tpu.memory_space<vmem>> -> memref<50xi32, #tpu.memory_space<vmem>>
        %dma_wait3A_191 = arith.constant 0 : i32
        %dma_wait3A_192 = arith.constant 0 : i32
        %dma_wait3A_193 = tpu.memref_slice %arg14[%dma_wait3A_191, %dma_wait3A_192] : memref<10240x128xf32, #tpu.memory_space<vmem_shared>> -> memref<10240x128xf32, #tpu.memory_space<vmem_shared>>
        tpu.wait_indirect_dma semaphore(%arg24 : memref<!tpu.dma_semaphore, #tpu.memory_space<semaphore_mem>>) src(%arg13 : memref<50x128xf32, #tpu.memory_space<vmem>>) dst(%dma_wait3A_193 : memref<10240x128xf32, #tpu.memory_space<vmem_shared>>)
        %add3A_194 = arith.constant 5 : i32
        %add3A_195 = arith.addi %add3A_175, %add3A_194 : i32
        %lt3A_196 = arith.constant 40 : i32
        %lt3A_197 = arith.cmpi slt, %add3A_195, %lt3A_196 : i32
        %convert_element_type3A_198 = arith.extui %lt3A_197 : i1 to i32
        %cond3A_199 = arith.constant 0 : i32
        %cond3A_200 = arith.cmpi ne, %convert_element_type3A_198, %cond3A_199 : i32
        scf.if %cond3A_200 {
          %add3A_201 = arith.constant 5 : i32
          %add3A_202 = arith.addi %add3A_175, %add3A_201 : i32
          %dma_start3A_203 = arith.constant 0 : i32
          %dma_start3A_204 = tpu.memref_slice %arg7[%add3A_202, %dma_start3A_203] : memref<40x50xi32, #tpu.memory_space<vmem>> -> memref<1x50xi32, #tpu.memory_space<vmem>>
          %dma_start3A_205 = tpu.memref_squeeze %dma_start3A_204 : memref<1x50xi32, #tpu.memory_space<vmem>> -> memref<50xi32, #tpu.memory_space<vmem>>
          %dma_start3A_206 = arith.constant 0 : i32
          %dma_start3A_207 = arith.constant 0 : i32
          %dma_start3A_208 = tpu.memref_slice %arg2[%dma_start3A_206, %dma_start3A_207] : memref<10240x128xf32, #tpu.memory_space<hbm>> -> memref<10240x128xf32, #tpu.memory_space<hbm>>
          tpu.enqueue_indirect_dma source(%dma_start3A_208 : memref<10240x128xf32, #tpu.memory_space<hbm>>) target(%arg13 : memref<50x128xf32, #tpu.memory_space<vmem>>) offsets(%dma_start3A_205 : memref<50xi32, #tpu.memory_space<vmem>>) semaphore(%arg19 : memref<!tpu.dma_semaphore, #tpu.memory_space<semaphore_mem>>)
        } else {
        }
      }
      %scan3A_58 = arith.constant 8 : i32
    }
    %scan3A_7 = arith.constant 5 : i32
    %barrier3A_8 = arith.constant 0 : index
    tpu.barrier barrier_id(%barrier3A_8)
    %mul3A_9 = arith.constant 640 : i32
    %mul3A_10 = arith.muli %arg1, %mul3A_9 : i32
    %mul3A_11 = arith.constant 640 : i32
    %mul3A_12 = arith.muli %arg1, %mul3A_11 : i32
    "tpu.region"() ({
      %run_scoped3A = tpu.sem_alloc : memref<!tpu.dma_semaphore, #tpu.memory_space<semaphore_mem>>
      %dma_start3A = arith.constant 0 : i32
      %dma_start3A_13 = tpu.memref_slice %arg6[%arg0, %mul3A_12, %dma_start3A] : memref<2x10240x128xf32, #tpu.memory_space<hbm>> -> memref<1x640x128xf32, #tpu.memory_space<hbm>>
      %dma_start3A_14 = tpu.memref_squeeze %dma_start3A_13 : memref<1x640x128xf32, #tpu.memory_space<hbm>> -> memref<640x128xf32, #tpu.memory_space<hbm>>
      %dma_start3A_15 = arith.constant 0 : i32
      %dma_start3A_16 = tpu.memref_slice %arg14[%mul3A_10, %dma_start3A_15] : memref<10240x128xf32, #tpu.memory_space<vmem_shared>> -> memref<640x128xf32, #tpu.memory_space<vmem_shared>>
      tpu.enqueue_dma source(%dma_start3A_16 : memref<640x128xf32, #tpu.memory_space<vmem_shared>>) target(%dma_start3A_14 : memref<640x128xf32, #tpu.memory_space<hbm>>) target_semaphore(%run_scoped3A : memref<!tpu.dma_semaphore, #tpu.memory_space<semaphore_mem>>)
      %dma_wait3A = arith.constant 0 : i32
      %dma_wait3A_17 = tpu.memref_slice %arg6[%arg0, %mul3A_12, %dma_wait3A] : memref<2x10240x128xf32, #tpu.memory_space<hbm>> -> memref<1x640x128xf32, #tpu.memory_space<hbm>>
      %dma_wait3A_18 = tpu.memref_squeeze %dma_wait3A_17 : memref<1x640x128xf32, #tpu.memory_space<hbm>> -> memref<640x128xf32, #tpu.memory_space<hbm>>
      %dma_wait3A_19 = arith.constant 0 : i32
      %dma_wait3A_20 = tpu.memref_slice %arg14[%mul3A_10, %dma_wait3A_19] : memref<10240x128xf32, #tpu.memory_space<vmem_shared>> -> memref<640x128xf32, #tpu.memory_space<vmem_shared>>
      tpu.wait_dma2 semaphore(%run_scoped3A : memref<!tpu.dma_semaphore, #tpu.memory_space<semaphore_mem>>) src(%dma_wait3A_20 : memref<640x128xf32, #tpu.memory_space<vmem_shared>>) dst(%dma_wait3A_18 : memref<640x128xf32, #tpu.memory_space<hbm>>)
      tpu.yield
    }) : () -> ()
    return
  }
}

module attributes {stable_mosaic.version = 14 : i64} {
  func.func @_prep_body(%arg0: i32, %arg1: memref<32x1024xf32, #tpu.memory_space<vmem>>, %arg2: memref<1024x128xf32, #tpu.memory_space<vmem>>, %arg3: memref<128x128xf32, #tpu.memory_space<vmem>>, %arg4: memref<1024x1xf32, #tpu.memory_space<vmem>>, %arg5: memref<1024x128xf32, #tpu.memory_space<vmem>>) attributes {dimension_semantics = [#tpu.dimension_semantics<arbitrary>], iteration_bounds = array<i64: 10>, scalar_prefetch = 0 : i64, scratch_operands = 0 : i64, tpu.core_type = #tpu.core_type<tc>, window_params = [{transform_indices = @transform_0, window_bounds = array<i64: 32, 1024>}, {transform_indices = @transform_1, window_bounds = array<i64: 1024, 128>}, {pipeline_mode = #tpu.pipeline_mode<synchronous>, transform_indices = @transform_2, window_bounds = array<i64: 128, 128>}, {transform_indices = @transform_3, window_bounds = array<i64: 1024, 1>}, {transform_indices = @transform_4, window_bounds = array<i64: 1024, 128>}]} {
    %get3A = arith.constant 0 : index
    %get3A_0 = arith.constant 0 : index
    %get3A_1 = vector.load %arg1[%get3A, %get3A_0] : memref<32x1024xf32, #tpu.memory_space<vmem>>, vector<32x1024xf32>
    %reduce_sum3A = arith.constant dense<0.000000e+00> : vector<1024xf32>
    %reduce_sum3A_2 = vector.multi_reduction <add>, %get3A_1, %reduce_sum3A [0] : vector<32x1024xf32> to vector<1024xf32>
    %add3A = arith.constant 1.000000e+00 : f32
    %add3A_3 = vector.broadcast %add3A : f32 to vector<1024xf32>
    %add3A_4 = arith.addf %reduce_sum3A_2, %add3A_3 : vector<1024xf32>
    %rsqrt3A = math.rsqrt %add3A_4 : vector<1024xf32>
    %get3A_5 = arith.constant 0 : index
    %get3A_6 = arith.constant 0 : index
    %get3A_7 = vector.load %arg2[%get3A_5, %get3A_6] : memref<1024x128xf32, #tpu.memory_space<vmem>>, vector<1024x128xf32>
    %get3A_8 = arith.constant 0 : index
    %get3A_9 = arith.constant 0 : index
    %get3A_10 = vector.load %arg3[%get3A_8, %get3A_9] : memref<128x128xf32, #tpu.memory_space<vmem>>, vector<128x128xf32>
    %dot_general3A = arith.constant dense<0.000000e+00> : vector<1024x128xf32>
    %dot_general3A_11 = tpu.matmul %get3A_7, %get3A_10, %dot_general3A {dimension_numbers = #tpu.dot_dimension_numbers<[1], [1], [0], [0], [0, 0, 1, 0], [], []>, transpose_lhs_hint = false} : vector<1024x128xf32>, vector<128x128xf32>, vector<1024x128xf32> -> vector<1024x128xf32>
    %broadcast_in_dim3A = vector.shape_cast %rsqrt3A : vector<1024xf32> to vector<1024x1xf32>
    %swap3A = arith.constant 0 : index
    %swap3A_12 = arith.constant 0 : index
    %swap3A_13 = vector.load %arg4[%swap3A, %swap3A_12] : memref<1024x1xf32, #tpu.memory_space<vmem>>, vector<1024x1xf32>
    tpu.vector_store %arg4[%swap3A, %swap3A_12], %broadcast_in_dim3A {strides = array<i32>} : memref<1024x1xf32, #tpu.memory_space<vmem>>, vector<1024x1xf32>,
    %broadcast_in_dim3A_14 = vector.shape_cast %rsqrt3A : vector<1024xf32> to vector<1024x1xf32>
    %mul3A = vector.broadcast %broadcast_in_dim3A_14 : vector<1024x1xf32> to vector<1024x128xf32>
    %mul3A_15 = arith.mulf %dot_general3A_11, %mul3A : vector<1024x128xf32>
    %swap3A_16 = arith.constant 0 : index
    %swap3A_17 = arith.constant 0 : index
    %swap3A_18 = vector.load %arg5[%swap3A_16, %swap3A_17] : memref<1024x128xf32, #tpu.memory_space<vmem>>, vector<1024x128xf32>
    tpu.vector_store %arg5[%swap3A_16, %swap3A_17], %mul3A_15 {strides = array<i32>} : memref<1024x128xf32, #tpu.memory_space<vmem>>, vector<1024x128xf32>,
    return
  }
  func.func @transform_0(%arg0: i32) -> (i32, i32) {
    %c0_i32 = arith.constant 0 : i32
    %c0_i32_0 = arith.constant 0 : i32
    return %c0_i32, %arg0 : i32, i32
  }
  func.func @transform_1(%arg0: i32) -> (i32, i32) {
    %c0_i32 = arith.constant 0 : i32
    %c0_i32_0 = arith.constant 0 : i32
    return %arg0, %c0_i32 : i32, i32
  }
  func.func @transform_2(%arg0: i32) -> (i32, i32) {
    %c0_i32 = arith.constant 0 : i32
    %c0_i32_0 = arith.constant 0 : i32
    %c0_i32_1 = arith.constant 0 : i32
    return %c0_i32, %c0_i32_0 : i32, i32
  }
  func.func @transform_3(%arg0: i32) -> (i32, i32) {
    %c0_i32 = arith.constant 0 : i32
    %c0_i32_0 = arith.constant 0 : i32
    return %arg0, %c0_i32 : i32, i32
  }
  func.func @transform_4(%arg0: i32) -> (i32, i32) {
    %c0_i32 = arith.constant 0 : i32
    %c0_i32_0 = arith.constant 0 : i32
    return %arg0, %c0_i32 : i32, i32
  }
}

module attributes {stable_mosaic.version = 14 : i64} {
  func.func @_mid_body(%arg0: i32, %arg1: memref<1024x128xf32, #tpu.memory_space<vmem>>, %arg2: memref<1024x128xf32, #tpu.memory_space<vmem>>, %arg3: memref<1024x128xf32, #tpu.memory_space<vmem>>, %arg4: memref<1024x1xf32, #tpu.memory_space<vmem>>, %arg5: memref<1024x128xf32, #tpu.memory_space<vmem>>, %arg6: memref<1x128xf32, #tpu.memory_space<vmem>>, %arg7: memref<1x128xf32, #tpu.memory_space<vmem>>, %arg8: memref<1x128xf32, #tpu.memory_space<vmem>>, %arg9: memref<128x128xf32, #tpu.memory_space<vmem>>, %arg10: memref<1024x128xf32, #tpu.memory_space<vmem>>, %arg11: memref<1024x128xf32, #tpu.memory_space<vmem>>) attributes {dimension_semantics = [#tpu.dimension_semantics<arbitrary>], iteration_bounds = array<i64: 10>, scalar_prefetch = 0 : i64, scratch_operands = 0 : i64, tpu.core_type = #tpu.core_type<tc>, window_params = [{transform_indices = @transform_0, window_bounds = array<i64: 1024, 128>}, {transform_indices = @transform_1, window_bounds = array<i64: 1024, 128>}, {transform_indices = @transform_2, window_bounds = array<i64: 1024, 128>}, {transform_indices = @transform_3, window_bounds = array<i64: 1024, 1>}, {transform_indices = @transform_4, window_bounds = array<i64: 1024, 128>}, {pipeline_mode = #tpu.pipeline_mode<synchronous>, transform_indices = @transform_5, window_bounds = array<i64: 1, 128>}, {pipeline_mode = #tpu.pipeline_mode<synchronous>, transform_indices = @transform_6, window_bounds = array<i64: 1, 128>}, {pipeline_mode = #tpu.pipeline_mode<synchronous>, transform_indices = @transform_7, window_bounds = array<i64: 1, 128>}, {pipeline_mode = #tpu.pipeline_mode<synchronous>, transform_indices = @transform_8, window_bounds = array<i64: 128, 128>}, {transform_indices = @transform_9, window_bounds = array<i64: 1024, 128>}, {transform_indices = @transform_10, window_bounds = array<i64: 1024, 128>}]} {
    %get3A = arith.constant 0 : index
    %get3A_0 = arith.constant 0 : index
    %get3A_1 = vector.load %arg4[%get3A, %get3A_0] : memref<1024x1xf32, #tpu.memory_space<vmem>>, vector<1024x1xf32>
    %get3A_2 = arith.constant 0 : index
    %get3A_3 = arith.constant 0 : index
    %get3A_4 = vector.load %arg1[%get3A_2, %get3A_3] : memref<1024x128xf32, #tpu.memory_space<vmem>>, vector<1024x128xf32>
    %get3A_5 = arith.constant 0 : index
    %get3A_6 = arith.constant 0 : index
    %get3A_7 = vector.load %arg2[%get3A_5, %get3A_6] : memref<1024x128xf32, #tpu.memory_space<vmem>>, vector<1024x128xf32>
    %add3A = arith.addf %get3A_4, %get3A_7 : vector<1024x128xf32>
    %get3A_8 = arith.constant 0 : index
    %get3A_9 = arith.constant 0 : index
    %get3A_10 = vector.load %arg3[%get3A_8, %get3A_9] : memref<1024x128xf32, #tpu.memory_space<vmem>>, vector<1024x128xf32>
    %add3A_11 = arith.addf %add3A, %get3A_10 : vector<1024x128xf32>
    %mul3A = vector.broadcast %get3A_1 : vector<1024x1xf32> to vector<1024x128xf32>
    %mul3A_12 = arith.mulf %add3A_11, %mul3A : vector<1024x128xf32>
    %get3A_13 = arith.constant 0 : index
    %get3A_14 = arith.constant 0 : index
    %get3A_15 = vector.load %arg6[%get3A_13, %get3A_14] : memref<1x128xf32, #tpu.memory_space<vmem>>, vector<1x128xf32>
    %add3A_16 = vector.broadcast %get3A_15 : vector<1x128xf32> to vector<1024x128xf32>
    %add3A_17 = arith.addf %mul3A_12, %add3A_16 : vector<1024x128xf32>
    %get3A_18 = arith.constant 0 : index
    %get3A_19 = arith.constant 0 : index
    %get3A_20 = vector.load %arg7[%get3A_18, %get3A_19] : memref<1x128xf32, #tpu.memory_space<vmem>>, vector<1x128xf32>
    %get3A_21 = arith.constant 0 : index
    %get3A_22 = arith.constant 0 : index
    %get3A_23 = vector.load %arg8[%get3A_21, %get3A_22] : memref<1x128xf32, #tpu.memory_space<vmem>>, vector<1x128xf32>
    %reduce_sum3A = arith.constant dense<0.000000e+00> : vector<1024xf32>
    %reduce_sum3A_24 = vector.multi_reduction <add>, %add3A_17, %reduce_sum3A [1] : vector<1024x128xf32> to vector<1024xf32>
    %broadcast_in_dim3A = vector.shape_cast %reduce_sum3A_24 : vector<1024xf32> to vector<1024x1xf32>
    %div3A = arith.constant 1.280000e+02 : f32
    %div3A_25 = vector.broadcast %div3A : f32 to vector<1024x1xf32>
    %div3A_26 = arith.divf %broadcast_in_dim3A, %div3A_25 : vector<1024x1xf32>
    %sub3A = vector.broadcast %div3A_26 : vector<1024x1xf32> to vector<1024x128xf32>
    %sub3A_27 = arith.subf %add3A_17, %sub3A : vector<1024x128xf32>
    %integer_pow3A = arith.mulf %sub3A_27, %sub3A_27 : vector<1024x128xf32>
    %reduce_sum3A_28 = arith.constant dense<0.000000e+00> : vector<1024xf32>
    %reduce_sum3A_29 = vector.multi_reduction <add>, %integer_pow3A, %reduce_sum3A_28 [1] : vector<1024x128xf32> to vector<1024xf32>
    %broadcast_in_dim3A_30 = vector.shape_cast %reduce_sum3A_29 : vector<1024xf32> to vector<1024x1xf32>
    %div3A_31 = arith.constant 1.280000e+02 : f32
    %div3A_32 = vector.broadcast %div3A_31 : f32 to vector<1024x1xf32>
    %div3A_33 = arith.divf %broadcast_in_dim3A_30, %div3A_32 : vector<1024x1xf32>
    %sub3A_34 = vector.broadcast %div3A_26 : vector<1024x1xf32> to vector<1024x128xf32>
    %sub3A_35 = arith.subf %add3A_17, %sub3A_34 : vector<1024x128xf32>
    %add3A_36 = arith.constant 9.99999974E-6 : f32
    %add3A_37 = vector.broadcast %add3A_36 : f32 to vector<1024x1xf32>
    %add3A_38 = arith.addf %div3A_33, %add3A_37 : vector<1024x1xf32>
    %rsqrt3A = math.rsqrt %add3A_38 : vector<1024x1xf32>
    %mul3A_39 = vector.broadcast %rsqrt3A : vector<1024x1xf32> to vector<1024x128xf32>
    %mul3A_40 = arith.mulf %sub3A_35, %mul3A_39 : vector<1024x128xf32>
    %mul3A_41 = vector.broadcast %get3A_20 : vector<1x128xf32> to vector<1024x128xf32>
    %mul3A_42 = arith.mulf %mul3A_40, %mul3A_41 : vector<1024x128xf32>
    %add3A_43 = vector.broadcast %get3A_23 : vector<1x128xf32> to vector<1024x128xf32>
    %add3A_44 = arith.addf %mul3A_42, %add3A_43 : vector<1024x128xf32>
    %max3A = arith.constant 0.000000e+00 : f32
    %max3A_45 = vector.broadcast %max3A : f32 to vector<1024x128xf32>
    %max3A_46 = arith.maximumf %add3A_44, %max3A_45 : vector<1024x128xf32>
    %get3A_47 = arith.constant 0 : index
    %get3A_48 = arith.constant 0 : index
    %get3A_49 = vector.load %arg5[%get3A_47, %get3A_48] : memref<1024x128xf32, #tpu.memory_space<vmem>>, vector<1024x128xf32>
    %add3A_50 = arith.addf %max3A_46, %get3A_49 : vector<1024x128xf32>
    %swap3A = arith.constant 0 : index
    %swap3A_51 = arith.constant 0 : index
    %swap3A_52 = vector.load %arg10[%swap3A, %swap3A_51] : memref<1024x128xf32, #tpu.memory_space<vmem>>, vector<1024x128xf32>
    tpu.vector_store %arg10[%swap3A, %swap3A_51], %add3A_50 {strides = array<i32>} : memref<1024x128xf32, #tpu.memory_space<vmem>>, vector<1024x128xf32>,
    %get3A_53 = arith.constant 0 : index
    %get3A_54 = arith.constant 0 : index
    %get3A_55 = vector.load %arg9[%get3A_53, %get3A_54] : memref<128x128xf32, #tpu.memory_space<vmem>>, vector<128x128xf32>
    %dot_general3A = arith.constant dense<0.000000e+00> : vector<1024x128xf32>
    %dot_general3A_56 = tpu.matmul %add3A_50, %get3A_55, %dot_general3A {dimension_numbers = #tpu.dot_dimension_numbers<[1], [1], [0], [0], [0, 0, 1, 0], [], []>, transpose_lhs_hint = false} : vector<1024x128xf32>, vector<128x128xf32>, vector<1024x128xf32> -> vector<1024x128xf32>
    %mul3A_57 = vector.broadcast %get3A_1 : vector<1024x1xf32> to vector<1024x128xf32>
    %mul3A_58 = arith.mulf %dot_general3A_56, %mul3A_57 : vector<1024x128xf32>
    %swap3A_59 = arith.constant 0 : index
    %swap3A_60 = arith.constant 0 : index
    %swap3A_61 = vector.load %arg11[%swap3A_59, %swap3A_60] : memref<1024x128xf32, #tpu.memory_space<vmem>>, vector<1024x128xf32>
    tpu.vector_store %arg11[%swap3A_59, %swap3A_60], %mul3A_58 {strides = array<i32>} : memref<1024x128xf32, #tpu.memory_space<vmem>>, vector<1024x128xf32>,
    return
  }
  func.func @transform_0(%arg0: i32) -> (i32, i32) {
    %c0_i32 = arith.constant 0 : i32
    %c0_i32_0 = arith.constant 0 : i32
    return %arg0, %c0_i32 : i32, i32
  }
  func.func @transform_1(%arg0: i32) -> (i32, i32) {
    %c0_i32 = arith.constant 0 : i32
    %c0_i32_0 = arith.constant 0 : i32
    return %arg0, %c0_i32 : i32, i32
  }
  func.func @transform_2(%arg0: i32) -> (i32, i32) {
    %c0_i32 = arith.constant 0 : i32
    %c0_i32_0 = arith.constant 0 : i32
    return %arg0, %c0_i32 : i32, i32
  }
  func.func @transform_3(%arg0: i32) -> (i32, i32) {
    %c0_i32 = arith.constant 0 : i32
    %c0_i32_0 = arith.constant 0 : i32
    return %arg0, %c0_i32 : i32, i32
  }
  func.func @transform_4(%arg0: i32) -> (i32, i32) {
    %c0_i32 = arith.constant 0 : i32
    %c0_i32_0 = arith.constant 0 : i32
    return %arg0, %c0_i32 : i32, i32
  }
  func.func @transform_5(%arg0: i32) -> (i32, i32) {
    %c0_i32 = arith.constant 0 : i32
    %c0_i32_0 = arith.constant 0 : i32
    %c0_i32_1 = arith.constant 0 : i32
    return %c0_i32, %c0_i32_0 : i32, i32
  }
  func.func @transform_6(%arg0: i32) -> (i32, i32) {
    %c0_i32 = arith.constant 0 : i32
    %c0_i32_0 = arith.constant 0 : i32
    %c0_i32_1 = arith.constant 0 : i32
    return %c0_i32, %c0_i32_0 : i32, i32
  }
  func.func @transform_7(%arg0: i32) -> (i32, i32) {
    %c0_i32 = arith.constant 0 : i32
    %c0_i32_0 = arith.constant 0 : i32
    %c0_i32_1 = arith.constant 0 : i32
    return %c0_i32, %c0_i32_0 : i32, i32
  }
  func.func @transform_8(%arg0: i32) -> (i32, i32) {
    %c0_i32 = arith.constant 0 : i32
    %c0_i32_0 = arith.constant 0 : i32
    %c0_i32_1 = arith.constant 0 : i32
    return %c0_i32, %c0_i32_0 : i32, i32
  }
  func.func @transform_9(%arg0: i32) -> (i32, i32) {
    %c0_i32 = arith.constant 0 : i32
    %c0_i32_0 = arith.constant 0 : i32
    return %arg0, %c0_i32 : i32, i32
  }
  func.func @transform_10(%arg0: i32) -> (i32, i32) {
    %c0_i32 = arith.constant 0 : i32
    %c0_i32_0 = arith.constant 0 : i32
    return %arg0, %c0_i32 : i32, i32
  }
}

module attributes {stable_mosaic.version = 14 : i64} {
  func.func @_mid_body(%arg0: i32, %arg1: memref<1024x128xf32, #tpu.memory_space<vmem>>, %arg2: memref<1024x128xf32, #tpu.memory_space<vmem>>, %arg3: memref<1024x128xf32, #tpu.memory_space<vmem>>, %arg4: memref<1024x1xf32, #tpu.memory_space<vmem>>, %arg5: memref<1024x128xf32, #tpu.memory_space<vmem>>, %arg6: memref<1x128xf32, #tpu.memory_space<vmem>>, %arg7: memref<1x128xf32, #tpu.memory_space<vmem>>, %arg8: memref<1x128xf32, #tpu.memory_space<vmem>>, %arg9: memref<128x128xf32, #tpu.memory_space<vmem>>, %arg10: memref<1024x128xf32, #tpu.memory_space<vmem>>, %arg11: memref<1024x128xf32, #tpu.memory_space<vmem>>) attributes {dimension_semantics = [#tpu.dimension_semantics<arbitrary>], iteration_bounds = array<i64: 10>, scalar_prefetch = 0 : i64, scratch_operands = 0 : i64, tpu.core_type = #tpu.core_type<tc>, window_params = [{transform_indices = @transform_0, window_bounds = array<i64: 1024, 128>}, {transform_indices = @transform_1, window_bounds = array<i64: 1024, 128>}, {transform_indices = @transform_2, window_bounds = array<i64: 1024, 128>}, {transform_indices = @transform_3, window_bounds = array<i64: 1024, 1>}, {transform_indices = @transform_4, window_bounds = array<i64: 1024, 128>}, {pipeline_mode = #tpu.pipeline_mode<synchronous>, transform_indices = @transform_5, window_bounds = array<i64: 1, 128>}, {pipeline_mode = #tpu.pipeline_mode<synchronous>, transform_indices = @transform_6, window_bounds = array<i64: 1, 128>}, {pipeline_mode = #tpu.pipeline_mode<synchronous>, transform_indices = @transform_7, window_bounds = array<i64: 1, 128>}, {pipeline_mode = #tpu.pipeline_mode<synchronous>, transform_indices = @transform_8, window_bounds = array<i64: 128, 128>}, {transform_indices = @transform_9, window_bounds = array<i64: 1024, 128>}, {transform_indices = @transform_10, window_bounds = array<i64: 1024, 128>}]} {
    %get3A = arith.constant 0 : index
    %get3A_0 = arith.constant 0 : index
    %get3A_1 = vector.load %arg4[%get3A, %get3A_0] : memref<1024x1xf32, #tpu.memory_space<vmem>>, vector<1024x1xf32>
    %get3A_2 = arith.constant 0 : index
    %get3A_3 = arith.constant 0 : index
    %get3A_4 = vector.load %arg1[%get3A_2, %get3A_3] : memref<1024x128xf32, #tpu.memory_space<vmem>>, vector<1024x128xf32>
    %get3A_5 = arith.constant 0 : index
    %get3A_6 = arith.constant 0 : index
    %get3A_7 = vector.load %arg2[%get3A_5, %get3A_6] : memref<1024x128xf32, #tpu.memory_space<vmem>>, vector<1024x128xf32>
    %add3A = arith.addf %get3A_4, %get3A_7 : vector<1024x128xf32>
    %get3A_8 = arith.constant 0 : index
    %get3A_9 = arith.constant 0 : index
    %get3A_10 = vector.load %arg3[%get3A_8, %get3A_9] : memref<1024x128xf32, #tpu.memory_space<vmem>>, vector<1024x128xf32>
    %add3A_11 = arith.addf %add3A, %get3A_10 : vector<1024x128xf32>
    %mul3A = vector.broadcast %get3A_1 : vector<1024x1xf32> to vector<1024x128xf32>
    %mul3A_12 = arith.mulf %add3A_11, %mul3A : vector<1024x128xf32>
    %get3A_13 = arith.constant 0 : index
    %get3A_14 = arith.constant 0 : index
    %get3A_15 = vector.load %arg6[%get3A_13, %get3A_14] : memref<1x128xf32, #tpu.memory_space<vmem>>, vector<1x128xf32>
    %add3A_16 = vector.broadcast %get3A_15 : vector<1x128xf32> to vector<1024x128xf32>
    %add3A_17 = arith.addf %mul3A_12, %add3A_16 : vector<1024x128xf32>
    %get3A_18 = arith.constant 0 : index
    %get3A_19 = arith.constant 0 : index
    %get3A_20 = vector.load %arg7[%get3A_18, %get3A_19] : memref<1x128xf32, #tpu.memory_space<vmem>>, vector<1x128xf32>
    %get3A_21 = arith.constant 0 : index
    %get3A_22 = arith.constant 0 : index
    %get3A_23 = vector.load %arg8[%get3A_21, %get3A_22] : memref<1x128xf32, #tpu.memory_space<vmem>>, vector<1x128xf32>
    %reduce_sum3A = arith.constant dense<0.000000e+00> : vector<1024xf32>
    %reduce_sum3A_24 = vector.multi_reduction <add>, %add3A_17, %reduce_sum3A [1] : vector<1024x128xf32> to vector<1024xf32>
    %broadcast_in_dim3A = vector.shape_cast %reduce_sum3A_24 : vector<1024xf32> to vector<1024x1xf32>
    %div3A = arith.constant 1.280000e+02 : f32
    %div3A_25 = vector.broadcast %div3A : f32 to vector<1024x1xf32>
    %div3A_26 = arith.divf %broadcast_in_dim3A, %div3A_25 : vector<1024x1xf32>
    %sub3A = vector.broadcast %div3A_26 : vector<1024x1xf32> to vector<1024x128xf32>
    %sub3A_27 = arith.subf %add3A_17, %sub3A : vector<1024x128xf32>
    %integer_pow3A = arith.mulf %sub3A_27, %sub3A_27 : vector<1024x128xf32>
    %reduce_sum3A_28 = arith.constant dense<0.000000e+00> : vector<1024xf32>
    %reduce_sum3A_29 = vector.multi_reduction <add>, %integer_pow3A, %reduce_sum3A_28 [1] : vector<1024x128xf32> to vector<1024xf32>
    %broadcast_in_dim3A_30 = vector.shape_cast %reduce_sum3A_29 : vector<1024xf32> to vector<1024x1xf32>
    %div3A_31 = arith.constant 1.280000e+02 : f32
    %div3A_32 = vector.broadcast %div3A_31 : f32 to vector<1024x1xf32>
    %div3A_33 = arith.divf %broadcast_in_dim3A_30, %div3A_32 : vector<1024x1xf32>
    %sub3A_34 = vector.broadcast %div3A_26 : vector<1024x1xf32> to vector<1024x128xf32>
    %sub3A_35 = arith.subf %add3A_17, %sub3A_34 : vector<1024x128xf32>
    %add3A_36 = arith.constant 9.99999974E-6 : f32
    %add3A_37 = vector.broadcast %add3A_36 : f32 to vector<1024x1xf32>
    %add3A_38 = arith.addf %div3A_33, %add3A_37 : vector<1024x1xf32>
    %rsqrt3A = math.rsqrt %add3A_38 : vector<1024x1xf32>
    %mul3A_39 = vector.broadcast %rsqrt3A : vector<1024x1xf32> to vector<1024x128xf32>
    %mul3A_40 = arith.mulf %sub3A_35, %mul3A_39 : vector<1024x128xf32>
    %mul3A_41 = vector.broadcast %get3A_20 : vector<1x128xf32> to vector<1024x128xf32>
    %mul3A_42 = arith.mulf %mul3A_40, %mul3A_41 : vector<1024x128xf32>
    %add3A_43 = vector.broadcast %get3A_23 : vector<1x128xf32> to vector<1024x128xf32>
    %add3A_44 = arith.addf %mul3A_42, %add3A_43 : vector<1024x128xf32>
    %max3A = arith.constant 0.000000e+00 : f32
    %max3A_45 = vector.broadcast %max3A : f32 to vector<1024x128xf32>
    %max3A_46 = arith.maximumf %add3A_44, %max3A_45 : vector<1024x128xf32>
    %get3A_47 = arith.constant 0 : index
    %get3A_48 = arith.constant 0 : index
    %get3A_49 = vector.load %arg5[%get3A_47, %get3A_48] : memref<1024x128xf32, #tpu.memory_space<vmem>>, vector<1024x128xf32>
    %add3A_50 = arith.addf %max3A_46, %get3A_49 : vector<1024x128xf32>
    %swap3A = arith.constant 0 : index
    %swap3A_51 = arith.constant 0 : index
    %swap3A_52 = vector.load %arg10[%swap3A, %swap3A_51] : memref<1024x128xf32, #tpu.memory_space<vmem>>, vector<1024x128xf32>
    tpu.vector_store %arg10[%swap3A, %swap3A_51], %add3A_50 {strides = array<i32>} : memref<1024x128xf32, #tpu.memory_space<vmem>>, vector<1024x128xf32>,
    %get3A_53 = arith.constant 0 : index
    %get3A_54 = arith.constant 0 : index
    %get3A_55 = vector.load %arg9[%get3A_53, %get3A_54] : memref<128x128xf32, #tpu.memory_space<vmem>>, vector<128x128xf32>
    %dot_general3A = arith.constant dense<0.000000e+00> : vector<1024x128xf32>
    %dot_general3A_56 = tpu.matmul %add3A_50, %get3A_55, %dot_general3A {dimension_numbers = #tpu.dot_dimension_numbers<[1], [1], [0], [0], [0, 0, 1, 0], [], []>, transpose_lhs_hint = false} : vector<1024x128xf32>, vector<128x128xf32>, vector<1024x128xf32> -> vector<1024x128xf32>
    %mul3A_57 = vector.broadcast %get3A_1 : vector<1024x1xf32> to vector<1024x128xf32>
    %mul3A_58 = arith.mulf %dot_general3A_56, %mul3A_57 : vector<1024x128xf32>
    %swap3A_59 = arith.constant 0 : index
    %swap3A_60 = arith.constant 0 : index
    %swap3A_61 = vector.load %arg11[%swap3A_59, %swap3A_60] : memref<1024x128xf32, #tpu.memory_space<vmem>>, vector<1024x128xf32>
    tpu.vector_store %arg11[%swap3A_59, %swap3A_60], %mul3A_58 {strides = array<i32>} : memref<1024x128xf32, #tpu.memory_space<vmem>>, vector<1024x128xf32>,
    return
  }
  func.func @transform_0(%arg0: i32) -> (i32, i32) {
    %c0_i32 = arith.constant 0 : i32
    %c0_i32_0 = arith.constant 0 : i32
    return %arg0, %c0_i32 : i32, i32
  }
  func.func @transform_1(%arg0: i32) -> (i32, i32) {
    %c0_i32 = arith.constant 0 : i32
    %c0_i32_0 = arith.constant 0 : i32
    return %arg0, %c0_i32 : i32, i32
  }
  func.func @transform_2(%arg0: i32) -> (i32, i32) {
    %c0_i32 = arith.constant 0 : i32
    %c0_i32_0 = arith.constant 0 : i32
    return %arg0, %c0_i32 : i32, i32
  }
  func.func @transform_3(%arg0: i32) -> (i32, i32) {
    %c0_i32 = arith.constant 0 : i32
    %c0_i32_0 = arith.constant 0 : i32
    return %arg0, %c0_i32 : i32, i32
  }
  func.func @transform_4(%arg0: i32) -> (i32, i32) {
    %c0_i32 = arith.constant 0 : i32
    %c0_i32_0 = arith.constant 0 : i32
    return %arg0, %c0_i32 : i32, i32
  }
  func.func @transform_5(%arg0: i32) -> (i32, i32) {
    %c0_i32 = arith.constant 0 : i32
    %c0_i32_0 = arith.constant 0 : i32
    %c0_i32_1 = arith.constant 0 : i32
    return %c0_i32, %c0_i32_0 : i32, i32
  }
  func.func @transform_6(%arg0: i32) -> (i32, i32) {
    %c0_i32 = arith.constant 0 : i32
    %c0_i32_0 = arith.constant 0 : i32
    %c0_i32_1 = arith.constant 0 : i32
    return %c0_i32, %c0_i32_0 : i32, i32
  }
  func.func @transform_7(%arg0: i32) -> (i32, i32) {
    %c0_i32 = arith.constant 0 : i32
    %c0_i32_0 = arith.constant 0 : i32
    %c0_i32_1 = arith.constant 0 : i32
    return %c0_i32, %c0_i32_0 : i32, i32
  }
  func.func @transform_8(%arg0: i32) -> (i32, i32) {
    %c0_i32 = arith.constant 0 : i32
    %c0_i32_0 = arith.constant 0 : i32
    %c0_i32_1 = arith.constant 0 : i32
    return %c0_i32, %c0_i32_0 : i32, i32
  }
  func.func @transform_9(%arg0: i32) -> (i32, i32) {
    %c0_i32 = arith.constant 0 : i32
    %c0_i32_0 = arith.constant 0 : i32
    return %arg0, %c0_i32 : i32, i32
  }
  func.func @transform_10(%arg0: i32) -> (i32, i32) {
    %c0_i32 = arith.constant 0 : i32
    %c0_i32_0 = arith.constant 0 : i32
    return %arg0, %c0_i32 : i32, i32
  }
}

module attributes {stable_mosaic.version = 14 : i64} {
  func.func @_final_body(%arg0: i32, %arg1: memref<1024x128xf32, #tpu.memory_space<vmem>>, %arg2: memref<1024x128xf32, #tpu.memory_space<vmem>>, %arg3: memref<1024x128xf32, #tpu.memory_space<vmem>>, %arg4: memref<1024x1xf32, #tpu.memory_space<vmem>>, %arg5: memref<1x128xf32, #tpu.memory_space<vmem>>, %arg6: memref<1x128xf32, #tpu.memory_space<vmem>>, %arg7: memref<1x128xf32, #tpu.memory_space<vmem>>, %arg8: memref<1024x128xf32, #tpu.memory_space<vmem>>) attributes {dimension_semantics = [#tpu.dimension_semantics<arbitrary>], iteration_bounds = array<i64: 10>, scalar_prefetch = 0 : i64, scratch_operands = 0 : i64, tpu.core_type = #tpu.core_type<tc>, window_params = [{transform_indices = @transform_0, window_bounds = array<i64: 1024, 128>}, {transform_indices = @transform_1, window_bounds = array<i64: 1024, 128>}, {transform_indices = @transform_2, window_bounds = array<i64: 1024, 128>}, {transform_indices = @transform_3, window_bounds = array<i64: 1024, 1>}, {pipeline_mode = #tpu.pipeline_mode<synchronous>, transform_indices = @transform_4, window_bounds = array<i64: 1, 128>}, {pipeline_mode = #tpu.pipeline_mode<synchronous>, transform_indices = @transform_5, window_bounds = array<i64: 1, 128>}, {pipeline_mode = #tpu.pipeline_mode<synchronous>, transform_indices = @transform_6, window_bounds = array<i64: 1, 128>}, {transform_indices = @transform_7, window_bounds = array<i64: 1024, 128>}]} {
    %get3A = arith.constant 0 : index
    %get3A_0 = arith.constant 0 : index
    %get3A_1 = vector.load %arg1[%get3A, %get3A_0] : memref<1024x128xf32, #tpu.memory_space<vmem>>, vector<1024x128xf32>
    %get3A_2 = arith.constant 0 : index
    %get3A_3 = arith.constant 0 : index
    %get3A_4 = vector.load %arg2[%get3A_2, %get3A_3] : memref<1024x128xf32, #tpu.memory_space<vmem>>, vector<1024x128xf32>
    %add3A = arith.addf %get3A_1, %get3A_4 : vector<1024x128xf32>
    %get3A_5 = arith.constant 0 : index
    %get3A_6 = arith.constant 0 : index
    %get3A_7 = vector.load %arg3[%get3A_5, %get3A_6] : memref<1024x128xf32, #tpu.memory_space<vmem>>, vector<1024x128xf32>
    %add3A_8 = arith.addf %add3A, %get3A_7 : vector<1024x128xf32>
    %get3A_9 = arith.constant 0 : index
    %get3A_10 = arith.constant 0 : index
    %get3A_11 = vector.load %arg4[%get3A_9, %get3A_10] : memref<1024x1xf32, #tpu.memory_space<vmem>>, vector<1024x1xf32>
    %mul3A = vector.broadcast %get3A_11 : vector<1024x1xf32> to vector<1024x128xf32>
    %mul3A_12 = arith.mulf %add3A_8, %mul3A : vector<1024x128xf32>
    %get3A_13 = arith.constant 0 : index
    %get3A_14 = arith.constant 0 : index
    %get3A_15 = vector.load %arg5[%get3A_13, %get3A_14] : memref<1x128xf32, #tpu.memory_space<vmem>>, vector<1x128xf32>
    %add3A_16 = vector.broadcast %get3A_15 : vector<1x128xf32> to vector<1024x128xf32>
    %add3A_17 = arith.addf %mul3A_12, %add3A_16 : vector<1024x128xf32>
    %get3A_18 = arith.constant 0 : index
    %get3A_19 = arith.constant 0 : index
    %get3A_20 = vector.load %arg6[%get3A_18, %get3A_19] : memref<1x128xf32, #tpu.memory_space<vmem>>, vector<1x128xf32>
    %get3A_21 = arith.constant 0 : index
    %get3A_22 = arith.constant 0 : index
    %get3A_23 = vector.load %arg7[%get3A_21, %get3A_22] : memref<1x128xf32, #tpu.memory_space<vmem>>, vector<1x128xf32>
    %reduce_sum3A = arith.constant dense<0.000000e+00> : vector<1024xf32>
    %reduce_sum3A_24 = vector.multi_reduction <add>, %add3A_17, %reduce_sum3A [1] : vector<1024x128xf32> to vector<1024xf32>
    %broadcast_in_dim3A = vector.shape_cast %reduce_sum3A_24 : vector<1024xf32> to vector<1024x1xf32>
    %div3A = arith.constant 1.280000e+02 : f32
    %div3A_25 = vector.broadcast %div3A : f32 to vector<1024x1xf32>
    %div3A_26 = arith.divf %broadcast_in_dim3A, %div3A_25 : vector<1024x1xf32>
    %sub3A = vector.broadcast %div3A_26 : vector<1024x1xf32> to vector<1024x128xf32>
    %sub3A_27 = arith.subf %add3A_17, %sub3A : vector<1024x128xf32>
    %integer_pow3A = arith.mulf %sub3A_27, %sub3A_27 : vector<1024x128xf32>
    %reduce_sum3A_28 = arith.constant dense<0.000000e+00> : vector<1024xf32>
    %reduce_sum3A_29 = vector.multi_reduction <add>, %integer_pow3A, %reduce_sum3A_28 [1] : vector<1024x128xf32> to vector<1024xf32>
    %broadcast_in_dim3A_30 = vector.shape_cast %reduce_sum3A_29 : vector<1024xf32> to vector<1024x1xf32>
    %div3A_31 = arith.constant 1.280000e+02 : f32
    %div3A_32 = vector.broadcast %div3A_31 : f32 to vector<1024x1xf32>
    %div3A_33 = arith.divf %broadcast_in_dim3A_30, %div3A_32 : vector<1024x1xf32>
    %sub3A_34 = vector.broadcast %div3A_26 : vector<1024x1xf32> to vector<1024x128xf32>
    %sub3A_35 = arith.subf %add3A_17, %sub3A_34 : vector<1024x128xf32>
    %add3A_36 = arith.constant 9.99999974E-6 : f32
    %add3A_37 = vector.broadcast %add3A_36 : f32 to vector<1024x1xf32>
    %add3A_38 = arith.addf %div3A_33, %add3A_37 : vector<1024x1xf32>
    %rsqrt3A = math.rsqrt %add3A_38 : vector<1024x1xf32>
    %mul3A_39 = vector.broadcast %rsqrt3A : vector<1024x1xf32> to vector<1024x128xf32>
    %mul3A_40 = arith.mulf %sub3A_35, %mul3A_39 : vector<1024x128xf32>
    %mul3A_41 = vector.broadcast %get3A_20 : vector<1x128xf32> to vector<1024x128xf32>
    %mul3A_42 = arith.mulf %mul3A_40, %mul3A_41 : vector<1024x128xf32>
    %add3A_43 = vector.broadcast %get3A_23 : vector<1x128xf32> to vector<1024x128xf32>
    %add3A_44 = arith.addf %mul3A_42, %add3A_43 : vector<1024x128xf32>
    %swap3A = arith.constant 0 : index
    %swap3A_45 = arith.constant 0 : index
    %swap3A_46 = vector.load %arg8[%swap3A, %swap3A_45] : memref<1024x128xf32, #tpu.memory_space<vmem>>, vector<1024x128xf32>
    tpu.vector_store %arg8[%swap3A, %swap3A_45], %add3A_44 {strides = array<i32>} : memref<1024x128xf32, #tpu.memory_space<vmem>>, vector<1024x128xf32>,
    return
  }
  func.func @transform_0(%arg0: i32) -> (i32, i32) {
    %c0_i32 = arith.constant 0 : i32
    %c0_i32_0 = arith.constant 0 : i32
    return %arg0, %c0_i32 : i32, i32
  }
  func.func @transform_1(%arg0: i32) -> (i32, i32) {
    %c0_i32 = arith.constant 0 : i32
    %c0_i32_0 = arith.constant 0 : i32
    return %arg0, %c0_i32 : i32, i32
  }
  func.func @transform_2(%arg0: i32) -> (i32, i32) {
    %c0_i32 = arith.constant 0 : i32
    %c0_i32_0 = arith.constant 0 : i32
    return %arg0, %c0_i32 : i32, i32
  }
  func.func @transform_3(%arg0: i32) -> (i32, i32) {
    %c0_i32 = arith.constant 0 : i32
    %c0_i32_0 = arith.constant 0 : i32
    return %arg0, %c0_i32 : i32, i32
  }
  func.func @transform_4(%arg0: i32) -> (i32, i32) {
    %c0_i32 = arith.constant 0 : i32
    %c0_i32_0 = arith.constant 0 : i32
    %c0_i32_1 = arith.constant 0 : i32
    return %c0_i32, %c0_i32_0 : i32, i32
  }
  func.func @transform_5(%arg0: i32) -> (i32, i32) {
    %c0_i32 = arith.constant 0 : i32
    %c0_i32_0 = arith.constant 0 : i32
    %c0_i32_1 = arith.constant 0 : i32
    return %c0_i32, %c0_i32_0 : i32, i32
  }
  func.func @transform_6(%arg0: i32) -> (i32, i32) {
    %c0_i32 = arith.constant 0 : i32
    %c0_i32_0 = arith.constant 0 : i32
    %c0_i32_1 = arith.constant 0 : i32
    return %c0_i32, %c0_i32_0 : i32, i32
  }
  func.func @transform_7(%arg0: i32) -> (i32, i32) {
    %c0_i32 = arith.constant 0 : i32
    %c0_i32_0 = arith.constant 0 : i32
    return %arg0, %c0_i32 : i32, i32
  }
}

</mosaic_0001>

<sc_bundles>
// kernel: kernel.10.cloned.1.call-start
scs
__scs_entry_jumppad:
0x0: {  	(pc) =	sbr.rel $0x88, $3  }
0x1: {  	(tag) =	ssettag $0x0;
	lr =	simm.s32 $0x1  }
0x2: {  	[smem:$0x3F93] =	sst lr;
	_ =	strace $0xD0000000  }
0x3: {  	_ = 	snop  }
0x4: {  	_ = 	snop  }
0x5: {  	_ = 	snop  }
0x6: {  	_ = 	snop  }
0x7: {  	_ = 	snop  }
__scs_overlays_trampoline_lowered:
0x8: {  	[smem:$0x3FA2] =	sst s0  }
0x9: {  	[smem:$0x3FA3] =	sst s1  }
0xa: {  	[smem:$0x3FA4] =	sst s2  }
0xb: {  	[smem:$0x3FA5] =	sst s3  }
0xc: {  	[smem:$0x3FA6] =	sst s4  }
0xd: {  	[smem:$0x3FA7] =	sst s5  }
0xe: {  	[smem:$0x3FA8] =	sst s6  }
0xf: {  	[smem:$0x3FA9] =	sst s7  }
0x10: {  	[smem:$0x3FAA] =	sst s8  }
0x11: {  	[smem:$0x3FAB] =	sst s9;
	s0 =	simm.s32 @!p0 $0x0  }
0x12: {  	s1 =	sld [smem:$0x3F91];
	s0 =	simm.s32 @p0 $0x1  }
0x13: {  	[smem:$0x3FAC] =	sst s0;
	s0 =	simm.s32 @!p1 $0x0  }
0x14: {  	s2 =	sld [smem:$0x3F90];
	s0 =	simm.s32 @p1 $0x1  }
0x15: {  	[smem:$0x3FAD] =	sst s0;
	s0 =	simm.s32 @!p2 $0x0  }
0x16: {  	s3 =	sld [smem:$0x3FDB];
	s0 =	simm.s32 @p2 $0x1  }
0x17: {  	s4 =	simm.s32 $0x1BF5;
	[smem:$0x3FAF] =	sst s0  }
0x18: {  	s0 =	sld [smem:$0x3F92];
	_ =	swait.ge [sflag:s4], $0x0  }
0x19: {  	s7 =	sld [smem:$0x3F93]  }
0x1a: {  	s8 =	sadd.s32 $0xFFFFE003, lr  }
0x1b: {  	s9 =	sadd.s32 $0xFFFFFEF7, lr;
	s5 =	simm.s32 $0xFFFFFFFF;
	p2 =	slt.u32 s8, $0xFFFFF086  }
0x1c: {  	p1 =	slt.u32 s9, $0xF7A;
	s5 =	simm.s32 @!p2 $0x0  }
0x1d: {  	s5 =	simm.s32 @p1 $0x1;
	p0 =	seq.s32 s7, s2  }
0x1e: {  	s7 =	smul.u32 @!p0 $0xF7A, s2;
	p2 =	seq.s32 @!p0 s5, $0x0  }
0x1f: {  	s9 =	smul.u32 $0xF7A, s1;
	s8 =	simm.s32 @!p0 $0x1BF5;
	p2 =	por !p2, p0  }
0x20: {  	[sflag:s8] =	ssyncset.s32 @!p0 $0xFFFFF086;
	s6 =	sadd.s32 @!p0 s3, s7;
	s7 =	simm.s32 @!p0 $0x108  }
0x21: {  	s3 =	sadd.s32 s3, s9;
	s6 =	sadd.s32 @!p0 $0x88, s6;
	s7 =	simm.s32 @p2 $0x1082  }
0x22: {  	[simem:s7], [sflag:s8] =	dma.local @!p0 [hbm:s6], $0xF7A  }
0x23: {  	s9 =	sor.u32 $0xD0000000, s2;
	s6 =	simm.s32 $0x108;
	_ =	swait.ge @!p0 [sflag:s8], $0x0  }
0x24: {  	s3 =	sadd.s32 $0x88, s3;
	s6 =	simm.s32 @!p1 $0x1082;
	[sflag:s4] =	ssyncset.s32 $0xFFFFF086  }
0x25: {  	[simem:s6], [sflag:s4] =	dma.local [hbm:s3], $0xF7A  }
0x26: {  	[smem:$0x3F93] =	sst s1;
	(tag) =	ssettag s2;
	_ =	strace s9  }
0x27: {  	s1 =	sld [smem:$0x3FA3]  }
0x28: {  	s2 =	sld [smem:$0x3FA4]  }
0x29: {  	s4 =	sld [smem:$0x3FA6]  }
0x2a: {  	p0 =	seq.s32 s5, $0x0;
	s5 =	sld [smem:$0x3FA7]  }
0x2b: {  	s6 =	sld [smem:$0x3FA8]  }
0x2c: {  	s7 =	sld [smem:$0x3FA9]  }
0x2d: {  	s3 =	simm.s32 $0x108;
	s8 =	sld [smem:$0x3FAA]  }
0x2e: {  	s3 =	simm.s32 @!p0 $0x1082;
	s9 =	sld [smem:$0x3FAB]  }
0x2f: {  	lr =	sadd.s32 s0, s3;
	s0 =	sld [smem:$0x3FA2]  }
0x30: {  	s3 =	sld [smem:$0x3FA5]  }
0x31: {  	[smem:$0x3FAE] =	sst s10  }
0x32: {  	s10 =	sld [smem:$0x3FAC];
	_ =	sdelay $0x3  }
0x33: {  	p0 =	seq.s32 s10, $0x1;
	s10 =	sld [smem:$0x3FAE];
	_ =	sdelay $0x3  }
0x34: {  	[smem:$0x3FAE] =	sst s10  }
0x35: {  	s10 =	sld [smem:$0x3FAD];
	_ =	sdelay $0x3  }
0x36: {  	p1 =	seq.s32 s10, $0x1;
	s10 =	sld [smem:$0x3FAE];
	_ =	sdelay $0x3  }
0x37: {  	[smem:$0x3FAE] =	sst s10  }
0x38: {  	s10 =	sld [smem:$0x3FAF]  }
0x39: {  	_ = 	snop;
	(pc) =	sbr.ind lr, $3  }
0x3a: {  	_ = 	snop  }
0x3b: {  	_ = 	snop  }
0x3c: {  	p2 =	seq.s32 s10, $0x1;
	s10 =	sld [smem:$0x3FAE]  }
0x3d: {  	_ =	shalt  }
0x3e: {  	_ =	shalt  }
0x3f: {  	_ =	shalt  }
0x40: {  	_ =	shalt  }
0x41: {  	_ =	shalt  }
0x42: {  	_ =	shalt  }
0x43: {  	_ =	shalt  }
0x44: {  	_ =	shalt  }
0x45: {  	_ =	shalt  }
0x46: {  	_ =	shalt  }
0x47: {  	_ =	shalt  }
0x48: {  	_ =	shalt  }
0x49: {  	_ =	shalt  }
0x4a: {  	_ =	shalt  }
0x4b: {  	_ =	shalt  }
0x4c: {  	_ =	shalt  }
0x4d: {  	_ =	shalt  }
0x4e: {  	_ =	shalt  }
0x4f: {  	_ =	shalt  }
0x50: {  	_ =	shalt  }
0x51: {  	_ =	shalt  }
0x52: {  	_ =	shalt  }
0x53: {  	_ =	shalt  }
0x54: {  	_ =	shalt  }
0x55: {  	_ =	shalt  }
0x56: {  	_ =	shalt  }
0x57: {  	_ =	shalt  }
0x58: {  	_ =	shalt  }
0x59: {  	_ =	shalt  }
0x5a: {  	_ =	shalt  }
0x5b: {  	_ =	shalt  }
0x5c: {  	_ =	shalt  }
0x5d: {  	_ =	shalt  }
0x5e: {  	_ =	shalt  }
0x5f: {  	_ =	shalt  }
0x60: {  	_ =	shalt  }
0x61: {  	_ =	shalt  }
0x62: {  	_ =	shalt  }
0x63: {  	_ =	shalt  }
0x64: {  	_ =	shalt  }
0x65: {  	_ =	shalt  }
0x66: {  	_ =	shalt  }
0x67: {  	_ =	shalt  }
0x68: {  	_ =	shalt  }
0x69: {  	_ =	shalt  }
0x6a: {  	_ =	shalt  }
0x6b: {  	_ =	shalt  }
0x6c: {  	_ =	shalt  }
0x6d: {  	_ =	shalt  }
0x6e: {  	_ =	shalt  }
0x6f: {  	_ =	shalt  }
0x70: {  	_ =	shalt  }
0x71: {  	_ =	shalt  }
0x72: {  	_ =	shalt  }
0x73: {  	_ =	shalt  }
0x74: {  	_ =	shalt  }
0x75: {  	_ =	shalt  }
0x76: {  	_ =	shalt  }
0x77: {  	_ =	shalt  }
0x78: {  	_ =	shalt  }
0x79: {  	_ =	shalt  }
0x7a: {  	_ =	shalt  }
0x7b: {  	_ =	shalt  }
0x7c: {  	_ =	shalt  }
0x7d: {  	_ =	shalt  }
0x7e: {  	_ =	shalt  }
0x7f: {  	_ =	shalt  }
0x80: {  	_ =	shalt  }
0x81: {  	_ =	shalt  }
0x82: {  	_ =	shalt  }
0x83: {  	_ =	shalt  }
0x84: {  	_ =	shalt  }
0x85: {  	_ =	shalt  }
0x86: {  	_ =	shalt  }
0x87: {  	_ =	shalt  }
.Lfunc_end0:
.L_simem_size_0:
called_computation_lowered:
.L_overlay_start_0:
0x88: {  	s2 =	sld [smem:$0x3FD9]  }
0x89: {  	s3 =	sld [smem:$0x3FFE];
	_ =	sdelay $0x1  }
0x8a: {  	s1 =	srdreg.scid  }
0x8b: {  	s0 =	sand.u32 $0x1, s1  }
0x8c: {  	s16 =	sshll.u32 s0, $0xA;
	s2 =	sadd.s32 s3, s2  }
0x8d: {  	s2 =	sadd.s32 s2, s16  }
0x8e: {  	[smem:$0x3FBA] =	sst s2  }
0x8f: {  	_ = 	snop  }
0x90: {  	(tm) =	ssettm $0x1  }
0x91: {  	s17 =	sld [smem:$0x3FFB];
	_ =	sdelay $0x3  }
0x92: {  	_ =	strace s17  }
0x93: {  	s2 =	sld [smem:$0x3FFC];
	_ =	sdelay $0x3  }
0x94: {  	_ =	strace s2  }
0x95: {  	s2 =	sld [smem:$0x3FFD];
	_ =	sdelay $0x3  }
0x96: {  	_ =	strace s2  }
0x97: {  	_ =	strace $0x8FFFFFFF  }
0x98: {  	s18 =	sld [smem:$0x3FDB];
	_ =	sdelay $0x1  }
0x99: {  	s19 =	simm.s32 $_scs_section_size  }
0x9a: {  	s4 =	simm.s32 $_size__tile_overlayer_lowered;
	s5 =	simm.s32 $_tile_overlayer_lowered  }
0x9b: {  	s22 =	simm.s32 $0x1BFF;
	s21 =	sshll.u32 s5, $0x1;
	s2 =	sadd.s32 s19, s18  }
0x9c: {  	s6 =	simm.s32 $0x0;
	s20 =	sshll.u32 s4, $0x1;
	s4 =	sadd.s32 s21, s2  }
0x9d: {  	[timem:s6], [sflag:s22] =	dma.local [hbm:s4], s20  }
0x9e: {  	_ =	swait.ge [sflag:s22], s20  }
0x9f: {  	s3 =	ssub.s32 $0x0, s20;
	[sflag:s22] =	ssyncset.done $0x0  }
0xa0: {  	[sflag:s22] =	ssyncadd.s32 s3;
	_ =	sdelay $0x1  }
0xa1: {  	s23 =	simm.s32 $0x1B8B  }
0xa2: {  	_ =	swait.ge [sflag:s23], $0x1  }
0xa3: {  	[sflag:s23] =	ssyncset.done $0x0  }
0xa4: {  	s25 =	simm.s32 $0x1B8E;
	s24 =	sld [smem:$0x3FFE];
	[sflag:s23] =	ssyncadd.s32 $0xFFFFFFFF  }
0xa5: {  	s26 =	simm.s32 $execute0_lowered;
	[smem:$0x3FD2] =	sst s25  }
0xa6: {  	s4 =	sshll.u32 s26, $0x1;
	_ =	strace $0x80000046;
	[dreg:$0x1] =	wrdreg $0xFFFFFFFF  }
0xa7: {  	s28 =	simm.s32 $_size_execute0_lowered;
	s2 =	sadd.s32 s2, s4;
	[dreg:$0x0] =	wrdreg $0x0  }
0xa8: {  	s4 =	sshll.u32 s28, $0x1;
	[dreg:$0x2] =	wrdreg s2  }
0xa9: {  	[dreg:$0x3] =	wrdreg s4  }
0xaa: {  	[dreg:$0x4] =	wrdreg $0xC0  }
0xab: {  	_ =	task [dreg:s6], $0x5FFFF  }
0xac: {  	[dreg:$0x1] =	wrdreg $0xFFFFFFFF  }
0xad: {  	[dreg:$0x0] =	wrdreg $0x60  }
0xae: {  	[dreg:$0x2] =	wrdreg s24  }
0xaf: {  	[dreg:$0x3] =	wrdreg $0x9  }
0xb0: {  	_ =	task.clear_ibuf [dreg:s6], $0x4FFFF;
	_ =	strace $0x90000046  }
0xb1: {  	s29 =	simm.s32 $0x9;
	_ =	strace $0x80000048  }
0xb2: {  	_ =	swait.ge [sflag:s29], $0x1  }
0xb3: {  	[sflag:s29] =	ssyncadd.s32 $0xFFFFFFFF  }
0xb4: {  	_ =	strace $0x90000048  }
0xb5: {  	_ =	sfence  }
0xb6: {  	s30 =	sld [smem:$0x0];
	_ =	sdelay $0x2  }
0xb7: {  	s31 =	sshll.u32 s1, $0xD;
	s1 =	sshrl.u32 s1, $0x2  }
0xb8: {  	s3 =	sand.u32 $0x4000, s31;
	s1 =	sadd.s32 s1, s30  }
0xb9: {  	s0 =	sor.u32 s3, s0;
	s1 =	sshll.u32 s1, $0x11  }
0xba: {  	s0 =	sor.u32 s1, s0  }
0xbb: {  	s0 =	sadd.s32 $0x8F2B, s0  }
0xbc: {  	[sflag:s0] =	ssyncadd.remote.s32 $0x1  }
0xbd: {  	_ =	sfence.sel $0xFFFF  }
0xbe: {  	[dreg:$0x0] =	wrdreg $0xFFFFFFFF;
	(pc) =	sbr.abs _section_cstart, $3  }
0xbf: {  	[dreg:$0x1] =	wrdreg $0xFFFFFFFF  }
0xc0: {  	_ =	task.clear_ibuf [dreg:s6], $0x2FFFF;
	_ =	strace $0x9FFFFFFF  }
0xc1: {  	(tm) =	ssettm $0x7FFFFFFF  }
tec
execute0_lowered:
.L_overlay_start_1:
0x0: {  	(tag) =	ssettag $0x1  }
0x1: {  	s1 =	srdreg.scid;
	s0 =	stileid.u32  }
0x2: {  	s4 =	rddreg [dreg:$0x0];
	s3 =	sand.u32 $0x1, s1;
	s30 =	sshll.u32 s0, $0x1  }
0x3: {  	s2 =	simm.s32 $0x0;
	s8 =	simm.s32 $0x0;
	s5 =	sor.u32 s3, s30  }
0x4: {  	s1 =	rddreg [dreg:$0x1];
	s3 =	ssub.s32 $0x2, s3;
	s6 =	smul.u32 $0x4E2, s5  }
0x5: {  	[smem:$0x7FF] =	sst s2;
	s5 =	smul.u32 $0x500, s5;
	s7 =	sshrl.u32 s3, $0x1  }
0x6: {  	_ =	strace $0x80000047;
	s31 =	ssub.s32 s3, s7;
	s7 =	simm.s32 $0x2780  }
0x7: {  	s6 =	sadd.s32 s6, s4;
	s4 =	sadd.s32 s5, s4;
	s5 =	smax.u32 s31, $0x1  }
0x8: {  	v0 =	vimm.f32 $0.0e+00;
	v1 =	vimm.f32 $1.000000000e+00;
	s3 =	sadd.s32 $0x4400, s6;
	s4 =	sadd.s32 $0xE200, s4;
	s6 =	simm.s32 $0x1  }
.LBB2_1:
0x9: {  	[tilespmem:s2], [sflag:$0x1] =	stream.linear.gather [hbm4b:s3+s2], $0x2710, $0x38;
	[tilespmem:$0x4F80] =	vst v63  }
0xa: {  	_ =	swait.ge [sflag:s6], $0x2710  }
0xb: {  	[sflag:s6] =	ssyncset.done $0x0  }
0xc: {  	s11 =	simm.s32 $0x27A0;
	[sflag:s6] =	ssyncadd.s32 $0xFFFFD8F0  }
0xd: {  	[tilespmem:s11+$0xFFFFFFE0] =	vst v0  }
0xe: {  	[tilespmem:s11+$0x10] =	vst v0  }
0xf: {  	s9 =	simm.s32 $0xFFFFFFFC;
	s12 =	simm.s32 $0x0;
	[tilespmem:s11+$0x0] =	vst v0  }
.LBB2_2:
0x10: {  	s12 =	sadd.s32 $0x4, s12  }
0x11: {  	[tilespmem:s11+$0xFFFFFFF0] =	vst v0;
	s11 =	sadd.s32 $0x40, s11;
	s10 =	simm.s32 $0x20;
	p0 =	slt.u32 s12, $0x27C  }
.Ltmp0:
0x12: {  	[tilespmem:s11+$0xFFFFFFE0] =	vst v0;
	(pc) =	sbr.rel @p0 .LBB2_2-.Ltmp0, $3  }
0x13: {  	_ =	sdelay $0x1  }
0x14: {  	[tilespmem:s11+$0x10] =	vst v0  }
0x15: {  	[tilespmem:s11+$0x0] =	vst v0  }
0x16: {  	[tilespmem:s11+$0xFFFFFFF0] =	vst v0  }
.LBB2_4:
0x17: {  	v2 =	vld [tilespmem:s10+$0xFFFFFFE0];
	_ =	sdelay $0x7  }
0x18: {  	[tilespmem:v2+s7+$0x0] =	vst.idx.add.f32.msk $0xffff, v1  }
0x19: {  	v2 =	vld [tilespmem:s10+$0xFFFFFFF0];
	_ =	sdelay $0x7  }
0x1a: {  	[tilespmem:v2+s7+$0x0] =	vst.idx.add.f32.msk $0xffff, v1  }
0x1b: {  	v2 =	vld [tilespmem:s10+$0x0];
	_ =	sdelay $0x7  }
0x1c: {  	[tilespmem:v2+s7+$0x0] =	vst.idx.add.f32.msk $0xffff, v1  }
0x1d: {  	v2 =	vld [tilespmem:s10+$0x10];
	_ =	sdelay $0x1  }
0x1e: {  	s9 =	sadd.s32 $0x4, s9  }
0x1f: {  	p0 =	slt.u32 s9, $0x26C  }
.Ltmp1:
0x20: {  	_ = 	snop;
	(pc) =	sbr.rel @p0 .LBB2_4-.Ltmp1, $2  }
0x21: {  	_ =	sdelay $0x2  }
0x22: {  	s10 =	sadd.s32 $0x40, s10;
	[tilespmem:v2+s7+$0x0] =	vst.idx.add.f32.msk $0xffff, v1  }
0x23: {  	v2 =	vld [tilespmem:$0x2700];
	_ =	sdelay $0x5  }
0x24: {  	s8 =	sadd.s32 $0x1, s8  }
0x25: {  	p0 =	sne.s32 s8, s5  }
.Ltmp2:
0x26: {  	[tilespmem:v2+s7+$0x0] =	vst.idx.add.f32.msk $0xffff, v1;
	(pc) =	sbr.rel @p0 .LBB2_1-.Ltmp2, $4  }
0x27: {  	[hbm4b:s4+s2] =	stream.linear.scatter [tilespmem:s7], [sflag:$0x1], $0x2800, $0x38;
	[tilespmem:$0x4F80] =	vst v63  }
0x28: {  	_ =	swait.ge [sflag:s6], $0x2800  }
0x29: {  	[sflag:s6] =	ssyncset.done $0x0  }
0x2a: {  	[sflag:s6] =	ssyncadd.s32 $0xFFFFD800  }
0x2b: {  	_ =	sfence.sel $0x180000  }
0x2c: {  	[bflag:$0x0] =	sbarrier.arrive $0xFFFF  }
0x2d: {  	p0 =	sne.s32 s0, $0x0;
	_ =	strace $0x90000047  }
0x2e: {  	s0 =	sadd.s32 @!p0 $0x100000, s1;
	[bflag:$0x2] =	sbarrier.arrive $0xFFFF  }
0x2f: {  	[sflag:s0] =	ssyncadd.tile.s32 @!p0 $0x1;
	_ =	shalt  }
.Lfunc_end2:
_tile_overlayer_lowered:
.L_overlay_start_2:
0x30: {  	(tag) =	ssettag $0x2  }
0x31: {  	s0 =	rddreg [dreg:$0x0];
	s2 =	stileid.u32  }
0x32: {  	s1 =	rddreg [dreg:$0x1];
	p0 =	sne.s32 s2, $0x0  }
0x33: {  	s3 =	rddreg [dreg:$0x2];
	[bflag:$0x3] =	sbarrier.arrive $0xFFFF;
	s2 =	simm.s32 @!p0 $0x1C01  }
0x34: {  	[timem:s3], [sflag:s2] =	dma.local @!p0 [hbm:s0], s1  }
0x35: {  	s0 =	simm.s32 @!p0 $0x1  }
0x36: {  	_ =	swait.ge @!p0 [sflag:s0], s1  }
0x37: {  	s1 =	ssub.s32 @!p0 $0x0, s1;
	[sflag:s0] =	ssyncset.done @!p0 $0x0  }
0x38: {  	[sflag:s0] =	ssyncadd.s32 @!p0 s1  }
0x39: {  	[bflag:$0x3] =	sbarrier.arrive $0xFFFF  }
0x3a: {  	_ =	shalt  }

// kernel: kernel.13.cloned.1.call-start
scs
__scs_entry_jumppad:
0x0: {  	(pc) =	sbr.rel $0x88, $3  }
0x1: {  	(tag) =	ssettag $0x0;
	lr =	simm.s32 $0x1  }
0x2: {  	[smem:$0x3F93] =	sst lr;
	_ =	strace $0xD0000000  }
0x3: {  	_ = 	snop  }
0x4: {  	_ = 	snop  }
0x5: {  	_ = 	snop  }
0x6: {  	_ = 	snop  }
0x7: {  	_ = 	snop  }
__scs_overlays_trampoline_lowered:
0x8: {  	[smem:$0x3FA2] =	sst s0  }
0x9: {  	[smem:$0x3FA3] =	sst s1  }
0xa: {  	[smem:$0x3FA4] =	sst s2  }
0xb: {  	[smem:$0x3FA5] =	sst s3  }
0xc: {  	[smem:$0x3FA6] =	sst s4  }
0xd: {  	[smem:$0x3FA7] =	sst s5  }
0xe: {  	[smem:$0x3FA8] =	sst s6  }
0xf: {  	[smem:$0x3FA9] =	sst s7  }
0x10: {  	[smem:$0x3FAA] =	sst s8  }
0x11: {  	[smem:$0x3FAB] =	sst s9;
	s0 =	simm.s32 @!p0 $0x0  }
0x12: {  	s1 =	sld [smem:$0x3F91];
	s0 =	simm.s32 @p0 $0x1  }
0x13: {  	[smem:$0x3FAC] =	sst s0;
	s0 =	simm.s32 @!p1 $0x0  }
0x14: {  	s2 =	sld [smem:$0x3F90];
	s0 =	simm.s32 @p1 $0x1  }
0x15: {  	[smem:$0x3FAD] =	sst s0;
	s0 =	simm.s32 @!p2 $0x0  }
0x16: {  	s3 =	sld [smem:$0x3FDB];
	s0 =	simm.s32 @p2 $0x1  }
0x17: {  	s4 =	simm.s32 $0x1BF5;
	[smem:$0x3FAF] =	sst s0  }
0x18: {  	s0 =	sld [smem:$0x3F92];
	_ =	swait.ge [sflag:s4], $0x0  }
0x19: {  	s7 =	sld [smem:$0x3F93]  }
0x1a: {  	s8 =	sadd.s32 $0xFFFFE003, lr  }
0x1b: {  	s9 =	sadd.s32 $0xFFFFFEF7, lr;
	s5 =	simm.s32 $0xFFFFFFFF;
	p2 =	slt.u32 s8, $0xFFFFF086  }
0x1c: {  	p1 =	slt.u32 s9, $0xF7A;
	s5 =	simm.s32 @!p2 $0x0  }
0x1d: {  	s5 =	simm.s32 @p1 $0x1;
	p0 =	seq.s32 s7, s2  }
0x1e: {  	s7 =	smul.u32 @!p0 $0xF7A, s2;
	p2 =	seq.s32 @!p0 s5, $0x0  }
0x1f: {  	s9 =	smul.u32 $0xF7A, s1;
	s8 =	simm.s32 @!p0 $0x1BF5;
	p2 =	por !p2, p0  }
0x20: {  	[sflag:s8] =	ssyncset.s32 @!p0 $0xFFFFF086;
	s6 =	sadd.s32 @!p0 s3, s7;
	s7 =	simm.s32 @!p0 $0x108  }
0x21: {  	s3 =	sadd.s32 s3, s9;
	s6 =	sadd.s32 @!p0 $0x88, s6;
	s7 =	simm.s32 @p2 $0x1082  }
0x22: {  	[simem:s7], [sflag:s8] =	dma.local @!p0 [hbm:s6], $0xF7A  }
0x23: {  	s9 =	sor.u32 $0xD0000000, s2;
	s6 =	simm.s32 $0x108;
	_ =	swait.ge @!p0 [sflag:s8], $0x0  }
0x24: {  	s3 =	sadd.s32 $0x88, s3;
	s6 =	simm.s32 @!p1 $0x1082;
	[sflag:s4] =	ssyncset.s32 $0xFFFFF086  }
0x25: {  	[simem:s6], [sflag:s4] =	dma.local [hbm:s3], $0xF7A  }
0x26: {  	[smem:$0x3F93] =	sst s1;
	(tag) =	ssettag s2;
	_ =	strace s9  }
0x27: {  	s1 =	sld [smem:$0x3FA3]  }
0x28: {  	s2 =	sld [smem:$0x3FA4]  }
0x29: {  	s4 =	sld [smem:$0x3FA6]  }
0x2a: {  	p0 =	seq.s32 s5, $0x0;
	s5 =	sld [smem:$0x3FA7]  }
0x2b: {  	s6 =	sld [smem:$0x3FA8]  }
0x2c: {  	s7 =	sld [smem:$0x3FA9]  }
0x2d: {  	s3 =	simm.s32 $0x108;
	s8 =	sld [smem:$0x3FAA]  }
0x2e: {  	s3 =	simm.s32 @!p0 $0x1082;
	s9 =	sld [smem:$0x3FAB]  }
0x2f: {  	lr =	sadd.s32 s0, s3;
	s0 =	sld [smem:$0x3FA2]  }
0x30: {  	s3 =	sld [smem:$0x3FA5]  }
0x31: {  	[smem:$0x3FAE] =	sst s10  }
0x32: {  	s10 =	sld [smem:$0x3FAC];
	_ =	sdelay $0x3  }
0x33: {  	p0 =	seq.s32 s10, $0x1;
	s10 =	sld [smem:$0x3FAE];
	_ =	sdelay $0x3  }
0x34: {  	[smem:$0x3FAE] =	sst s10  }
0x35: {  	s10 =	sld [smem:$0x3FAD];
	_ =	sdelay $0x3  }
0x36: {  	p1 =	seq.s32 s10, $0x1;
	s10 =	sld [smem:$0x3FAE];
	_ =	sdelay $0x3  }
0x37: {  	[smem:$0x3FAE] =	sst s10  }
0x38: {  	s10 =	sld [smem:$0x3FAF]  }
0x39: {  	_ = 	snop;
	(pc) =	sbr.ind lr, $3  }
0x3a: {  	_ = 	snop  }
0x3b: {  	_ = 	snop  }
0x3c: {  	p2 =	seq.s32 s10, $0x1;
	s10 =	sld [smem:$0x3FAE]  }
0x3d: {  	_ =	shalt  }
0x3e: {  	_ =	shalt  }
0x3f: {  	_ =	shalt  }
0x40: {  	_ =	shalt  }
0x41: {  	_ =	shalt  }
0x42: {  	_ =	shalt  }
0x43: {  	_ =	shalt  }
0x44: {  	_ =	shalt  }
0x45: {  	_ =	shalt  }
0x46: {  	_ =	shalt  }
0x47: {  	_ =	shalt  }
0x48: {  	_ =	shalt  }
0x49: {  	_ =	shalt  }
0x4a: {  	_ =	shalt  }
0x4b: {  	_ =	shalt  }
0x4c: {  	_ =	shalt  }
0x4d: {  	_ =	shalt  }
0x4e: {  	_ =	shalt  }
0x4f: {  	_ =	shalt  }
0x50: {  	_ =	shalt  }
0x51: {  	_ =	shalt  }
0x52: {  	_ =	shalt  }
0x53: {  	_ =	shalt  }
0x54: {  	_ =	shalt  }
0x55: {  	_ =	shalt  }
0x56: {  	_ =	shalt  }
0x57: {  	_ =	shalt  }
0x58: {  	_ =	shalt  }
0x59: {  	_ =	shalt  }
0x5a: {  	_ =	shalt  }
0x5b: {  	_ =	shalt  }
0x5c: {  	_ =	shalt  }
0x5d: {  	_ =	shalt  }
0x5e: {  	_ =	shalt  }
0x5f: {  	_ =	shalt  }
0x60: {  	_ =	shalt  }
0x61: {  	_ =	shalt  }
0x62: {  	_ =	shalt  }
0x63: {  	_ =	shalt  }
0x64: {  	_ =	shalt  }
0x65: {  	_ =	shalt  }
0x66: {  	_ =	shalt  }
0x67: {  	_ =	shalt  }
0x68: {  	_ =	shalt  }
0x69: {  	_ =	shalt  }
0x6a: {  	_ =	shalt  }
0x6b: {  	_ =	shalt  }
0x6c: {  	_ =	shalt  }
0x6d: {  	_ =	shalt  }
0x6e: {  	_ =	shalt  }
0x6f: {  	_ =	shalt  }
0x70: {  	_ =	shalt  }
0x71: {  	_ =	shalt  }
0x72: {  	_ =	shalt  }
0x73: {  	_ =	shalt  }
0x74: {  	_ =	shalt  }
0x75: {  	_ =	shalt  }
0x76: {  	_ =	shalt  }
0x77: {  	_ =	shalt  }
0x78: {  	_ =	shalt  }
0x79: {  	_ =	shalt  }
0x7a: {  	_ =	shalt  }
0x7b: {  	_ =	shalt  }
0x7c: {  	_ =	shalt  }
0x7d: {  	_ =	shalt  }
0x7e: {  	_ =	shalt  }
0x7f: {  	_ =	shalt  }
0x80: {  	_ =	shalt  }
0x81: {  	_ =	shalt  }
0x82: {  	_ =	shalt  }
0x83: {  	_ =	shalt  }
0x84: {  	_ =	shalt  }
0x85: {  	_ =	shalt  }
0x86: {  	_ =	shalt  }
0x87: {  	_ =	shalt  }
.Lfunc_end0:
.L_simem_size_0:
called_computation.1_lowered:
.L_overlay_start_0:
0x88: {  	s2 =	sld [smem:$0x3FD9]  }
0x89: {  	s3 =	sld [smem:$0x3FFE];
	_ =	sdelay $0x1  }
0x8a: {  	s1 =	srdreg.scid  }
0x8b: {  	s0 =	sand.u32 $0x1, s1  }
0x8c: {  	s17 =	sshll.u32 s0, $0xA;
	s2 =	sadd.s32 s3, s2  }
0x8d: {  	s2 =	sadd.s32 s2, s17  }
0x8e: {  	[smem:$0x3FBA] =	sst s2  }
0x8f: {  	_ = 	snop  }
0x90: {  	s2 =	sld [smem:$0x3FD0];
	(tm) =	ssettm $0x1  }
0x91: {  	s18 =	sld [smem:$0x3FFB];
	_ =	sdelay $0x3  }
0x92: {  	_ =	strace s18  }
0x93: {  	s3 =	sld [smem:$0x3FFC];
	_ =	sdelay $0x3  }
0x94: {  	_ =	strace s3  }
0x95: {  	s3 =	sld [smem:$0x3FFD];
	_ =	sdelay $0x3  }
0x96: {  	_ =	strace s3  }
0x97: {  	_ =	strace $0x8FFFFFFF  }
0x98: {  	s19 =	sld [smem:$0x3FDB];
	_ =	sdelay $0x1  }
0x99: {  	s4 =	simm.s32 $_scs_section_size  }
0x9a: {  	s5 =	simm.s32 $_size__tile_overlayer_lowered;
	s6 =	simm.s32 $_tile_overlayer_lowered  }
0x9b: {  	s22 =	simm.s32 $0x1BFF;
	s21 =	sshll.u32 s6, $0x1;
	s3 =	sadd.s32 s4, s19  }
0x9c: {  	s7 =	simm.s32 $0x0;
	s20 =	sshll.u32 s5, $0x1;
	s5 =	sadd.s32 s21, s3  }
0x9d: {  	[timem:s7], [sflag:s22] =	dma.local [hbm:s5], s20  }
0x9e: {  	_ =	swait.ge [sflag:s22], s20  }
0x9f: {  	s4 =	ssub.s32 $0x0, s20;
	[sflag:s22] =	ssyncset.done $0x0  }
0xa0: {  	[sflag:s22] =	ssyncadd.s32 s4;
	_ =	sdelay $0x1  }
0xa1: {  	s23 =	simm.s32 $0x1B8B  }
0xa2: {  	_ =	swait.ge [sflag:s23], $0x1  }
0xa3: {  	[sflag:s23] =	ssyncset.done $0x0  }
0xa4: {  	s25 =	simm.s32 $0x1B8E;
	s24 =	sld [smem:$0x3FFE];
	[sflag:s23] =	ssyncadd.s32 $0xFFFFFFFF  }
0xa5: {  	s26 =	simm.s32 $execute0_lowered;
	[smem:$0x3FD2] =	sst s25  }
0xa6: {  	s5 =	sshll.u32 s26, $0x1;
	_ =	strace $0x80000049;
	[dreg:$0x1] =	wrdreg $0xFFFFFFFF  }
0xa7: {  	s28 =	simm.s32 $_size_execute0_lowered;
	s3 =	sadd.s32 s3, s5;
	[dreg:$0x0] =	wrdreg $0x0  }
0xa8: {  	s5 =	sshll.u32 s28, $0x1;
	[dreg:$0x2] =	wrdreg s3  }
0xa9: {  	[dreg:$0x3] =	wrdreg s5  }
0xaa: {  	[dreg:$0x4] =	wrdreg $0xC0  }
0xab: {  	_ =	task [dreg:s7], $0x5FFFF  }
0xac: {  	[dreg:$0x1] =	wrdreg $0xFFFFFFFF  }
0xad: {  	[dreg:$0x0] =	wrdreg $0x60  }
0xae: {  	[dreg:$0x2] =	wrdreg s24  }
0xaf: {  	[dreg:$0x3] =	wrdreg s2  }
0xb0: {  	[dreg:$0x4] =	wrdreg $0xB4000  }
0xb1: {  	[dreg:$0x5] =	wrdreg $0x9  }
0xb2: {  	_ =	task.clear_ibuf [dreg:s7], $0x6FFFF;
	_ =	strace $0x90000049  }
0xb3: {  	s29 =	simm.s32 $0x9;
	_ =	strace $0x8000004B  }
0xb4: {  	_ =	swait.ge [sflag:s29], $0x1  }
0xb5: {  	[sflag:s29] =	ssyncadd.s32 $0xFFFFFFFF  }
0xb6: {  	_ =	strace $0x9000004B  }
0xb7: {  	_ =	sfence  }
0xb8: {  	s30 =	sld [smem:$0x0];
	_ =	sdelay $0x2  }
0xb9: {  	s31 =	sshll.u32 s1, $0xD;
	s1 =	sshrl.u32 s1, $0x2  }
0xba: {  	s3 =	sand.u32 $0x4000, s31;
	s1 =	sadd.s32 s1, s30  }
0xbb: {  	s0 =	sor.u32 s3, s0;
	s1 =	sshll.u32 s1, $0x11  }
0xbc: {  	s0 =	sor.u32 s1, s0  }
0xbd: {  	s0 =	sadd.s32 $0x8F2B, s0  }
0xbe: {  	[sflag:s0] =	ssyncadd.remote.s32 $0x1  }
0xbf: {  	_ =	sfence.sel $0xFFFF  }
0xc0: {  	[dreg:$0x0] =	wrdreg $0xFFFFFFFF;
	(pc) =	sbr.abs _section_cstart, $3  }
0xc1: {  	[dreg:$0x1] =	wrdreg $0xFFFFFFFF  }
0xc2: {  	_ =	task.clear_ibuf [dreg:s7], $0x2FFFF;
	_ =	strace $0x9FFFFFFF  }
0xc3: {  	(tm) =	ssettm $0x7FFFFFFF  }
tec
execute0_lowered:
.L_overlay_start_1:
0x0: {  	(tag) =	ssettag $0x1  }
0x1: {  	s0 =	rddreg [dreg:$0x0]  }
0x2: {  	s2 =	rddreg [dreg:$0x2];
	s1 =	srdreg.scid;
	s14 =	simm.s32 $0x0  }
0x3: {  	s9 =	stileid.u32;
	s13 =	simm.s32 $0xB;
	s15 =	simm.s32 $0x32  }
0x4: {  	s16 =	simm.s32 $0x2800;
	s18 =	simm.s32 $0x4400;
	s28 =	simm.s32 $0x2  }
0x5: {  	s29 =	simm.s32 $0x7;
	s30 =	simm.s32 $0x3;
	s31 =	simm.s32 $0x8  }
0x6: {  	s10 =	simm.s32 $0xA;
	s11 =	simm.s32 $0x2580;
	s12 =	simm.s32 $0x2680  }
0x7: {  	s1 =	sand.u32 $0x1, s1;
	[smem:$0x7FF] =	sst s14;
	s4 =	smul.u32 $0x14000, s9  }
0x8: {  	s5 =	sadd.s32 $0x59200, s0;
	s6 =	sadd.s32 $0x18200, s0;
	s7 =	sadd.s32 $0x4400, s0  }
0x9: {  	s8 =	smul.u32 $0x50000, s9;
	s23 =	sshll.u32 s9, $0x1;
	s25 =	sshll.u32 s9, $0x6  }
0xa: {  	s3 =	smul.u32 $0x140000, s1;
	_ =	strace $0x8000004A;
	[dreg:$0x5] =	wrdreg s7  }
0xb: {  	s20 =	ssub.s32 $0x2, s1;
	s1 =	sor.u32 s1, s23;
	s17 =	sor.u32 $0x1C0B, s25  }
0xc: {  	s23 =	simm.s32 $0x200;
	s25 =	simm.s32 $0x1;
	s7 =	simm.s32 $0x5  }
0xd: {  	s21 =	sshrl.u32 s20, $0x1;
	s24 =	sshrl.u32 s8, $0x2;
	s9 =	smul.u32 $0xC8, s1  }
0xe: {  	s8 =	simm.s32 $0x2600;
	s1 =	simm.s32 $0x2780;
	[dreg:$0x6] =	wrdreg s17  }
0xf: {  	s3 =	sadd.s32 s4, s3;
	s22 =	ssub.s32 s20, s21;
	s4 =	sadd.s32 s24, s2  }
0x10: {  	s20 =	simm.s32 $0x6000;
	s24 =	simm.s32 $0x9800;
	s3 =	sshrl.u32 s3, $0x3  }
0x11: {  	s26 =	smax.u32 s22, $0x1;
	s21 =	sshrl.u32 s4, $0x3;
	s22 =	simm.s32 $0x7C00  }
0x12: {  	s4 =	simm.s32 $0x2700;
	s0 =	sadd.s32 s3, s0;
	[dreg:$0x8] =	wrdreg s26  }
0x13: {  	s26 =	simm.s32 $0x6;
	[dreg:$0x9] =	wrdreg s21;
	s0 =	sadd.s32 $0xA9200, s0  }
0x14: {  	s3 =	simm.s32 $0x9;
	[dreg:$0x7] =	wrdreg s0;
	s0 =	simm.s32 $0x4  }
.LBB2_1:
0x15: {  	[dreg:$0x4] =	wrdreg s14  }
0x16: {  	s19 =	rddreg [dreg:$0x5]  }
0x17: {  	[spmem:s21], [sflag:s17] =	dma.local [hbm:s19], $0x2800  }
0x18: {  	_ =	swait.ge [sflag:s13], $0x2800  }
0x19: {  	[sflag:s13] =	ssyncset.done $0x0  }
0x1a: {  	[sflag:s13] =	ssyncadd.s32 $0xFFFFD800  }
0x1b: {  	s14 =	simm.s32 $0x0;
	[bflag:$0x0] =	sbarrier.arrive $0xFFFF  }
.LBB2_2:
0x1c: {  	s17 =	smul.u32 $0x28, s14;
	_ =	sdelay $0x1  }
0x1d: {  	s17 =	sadd.s32 s9, s17  }
0x1e: {  	s19 =	rddreg [dreg:$0x1];
	s17 =	sshll.u32 s17, $0x4  }
0x1f: {  	s21 =	simm.s32 $0x0;
	s19 =	sadd.s32 s19, s17  }
0x20: {  	[tilespmem:s21], [sflag:$0xB] =	stream.linear.gather [hbm4b:s19+s21], $0x1400, $0x38;
	[tilespmem:$0x1F400] =	vst v63  }
0x21: {  	_ =	swait.ge [sflag:s13], $0x1400  }
0x22: {  	[sflag:s13] =	ssyncset.done $0x0  }
0x23: {  	s17 =	sadd.s32 s6, s17;
	s19 =	simm.s32 $0x1400;
	[sflag:s13] =	ssyncadd.s32 $0xFFFFEC00  }
0x24: {  	[tilespmem:s19], [sflag:$0xB] =	stream.linear.gather [hbm4b:s17+s21], $0x1400, $0x38;
	[tilespmem:$0x1F400] =	vst v63  }
0x25: {  	_ =	swait.ge [sflag:s13], $0x1400  }
0x26: {  	[sflag:s13] =	ssyncset.done $0x0  }
0x27: {  	[sflag:s13] =	ssyncadd.s32 $0xFFFFEC00  }
0x28: {  	[tilespmem:s16], [sflag:$0x1] =	stream.indirect.gather [hbm4b:s5+s15], $0x80, s21, s15, $0xb8;
	[tilespmem:$0x1F400] =	vst v63  }
0x29: {  	s19 =	simm.s32 $0x80  }
0x2a: {  	[tilespmem:s18], [sflag:$0x2] =	stream.indirect.gather [hbm4b:s5+s15], $0x80, s19, s15, $0xb8;
	[tilespmem:$0x1F400] =	vst v63  }
0x2b: {  	s21 =	simm.s32 $0x100  }
0x2c: {  	[tilespmem:s20], [sflag:$0x3] =	stream.indirect.gather [hbm4b:s5+s15], $0x80, s21, s15, $0xb8;
	[tilespmem:$0x1F400] =	vst v63  }
0x2d: {  	s19 =	simm.s32 $0x180  }
0x2e: {  	[tilespmem:s22], [sflag:$0x4] =	stream.indirect.gather [hbm4b:s5+s15], $0x80, s19, s15, $0xb8;
	[tilespmem:$0x1F400] =	vst v63  }
0x2f: {  	_ = 	snop  }
0x30: {  	[tilespmem:s24], [sflag:$0x5] =	stream.indirect.gather [hbm4b:s5+s15], $0x80, s23, s15, $0xb8;
	[tilespmem:$0x1F400] =	vst v63  }
0x31: {  	_ =	swait.ge [sflag:s25], $0x1900  }
0x32: {  	[sflag:s25] =	ssyncset.done $0x0  }
0x33: {  	s21 =	simm.s32 $0x1400;
	[sflag:s25] =	ssyncadd.s32 $0xFFFFE700  }
0x34: {  	[spmem:s2] =	stream.indirect.scatter.add.f32 [tilespmem:s16], [sflag:$0x6], $0x80, s21, s15, $0xb8;
	[tilespmem:$0x1F400] =	vst v63  }
0x35: {  	_ =	swait.ge [sflag:s26], $0x1900  }
0x36: {  	[sflag:s26] =	ssyncset.done $0x0  }
0x37: {  	s19 =	simm.s32 $0x280;
	[sflag:s26] =	ssyncadd.s32 $0xFFFFE700  }
0x38: {  	[tilespmem:s16], [sflag:$0x1] =	stream.indirect.gather [hbm4b:s5+s15], $0x80, s19, s15, $0xb8;
	[tilespmem:$0x1F400] =	vst v63  }
0x39: {  	_ =	swait.ge [sflag:s28], $0x1900  }
0x3a: {  	[sflag:s28] =	ssyncset.done $0x0  }
0x3b: {  	s21 =	simm.s32 $0x1480;
	[sflag:s28] =	ssyncadd.s32 $0xFFFFE700  }
0x3c: {  	[spmem:s2] =	stream.indirect.scatter.add.f32 [tilespmem:s18], [sflag:$0x7], $0x80, s21, s15, $0xb8;
	[tilespmem:$0x1F400] =	vst v63  }
0x3d: {  	_ =	swait.ge [sflag:s29], $0x1900  }
0x3e: {  	[sflag:s29] =	ssyncset.done $0x0  }
0x3f: {  	s19 =	simm.s32 $0x300;
	[sflag:s29] =	ssyncadd.s32 $0xFFFFE700  }
0x40: {  	[tilespmem:s18], [sflag:$0x2] =	stream.indirect.gather [hbm4b:s5+s15], $0x80, s19, s15, $0xb8;
	[tilespmem:$0x1F400] =	vst v63  }
0x41: {  	_ =	swait.ge [sflag:s30], $0x1900  }
0x42: {  	[sflag:s30] =	ssyncset.done $0x0  }
0x43: {  	s21 =	simm.s32 $0x1500;
	[sflag:s30] =	ssyncadd.s32 $0xFFFFE700  }
0x44: {  	[spmem:s2] =	stream.indirect.scatter.add.f32 [tilespmem:s20], [sflag:$0x8], $0x80, s21, s15, $0xb8;
	[tilespmem:$0x1F400] =	vst v63  }
0x45: {  	_ =	swait.ge [sflag:s31], $0x1900  }
0x46: {  	[sflag:s31] =	ssyncset.done $0x0  }
0x47: {  	s19 =	simm.s32 $0x380;
	[sflag:s31] =	ssyncadd.s32 $0xFFFFE700  }
0x48: {  	[tilespmem:s20], [sflag:$0x3] =	stream.indirect.gather [hbm4b:s5+s15], $0x80, s19, s15, $0xb8;
	[tilespmem:$0x1F400] =	vst v63  }
0x49: {  	_ =	swait.ge [sflag:s0], $0x1900  }
0x4a: {  	[sflag:s0] =	ssyncset.done $0x0  }
0x4b: {  	s21 =	simm.s32 $0x1580;
	[sflag:s0] =	ssyncadd.s32 $0xFFFFE700  }
0x4c: {  	[spmem:s2] =	stream.indirect.scatter.add.f32 [tilespmem:s22], [sflag:$0x9], $0x80, s21, s15, $0xb8;
	[tilespmem:$0x1F400] =	vst v63  }
0x4d: {  	_ =	swait.ge [sflag:s3], $0x1900  }
0x4e: {  	[sflag:s3] =	ssyncset.done $0x0  }
0x4f: {  	s19 =	simm.s32 $0x400;
	[sflag:s3] =	ssyncadd.s32 $0xFFFFE700  }
0x50: {  	[tilespmem:s22], [sflag:$0x4] =	stream.indirect.gather [hbm4b:s5+s15], $0x80, s19, s15, $0xb8;
	[tilespmem:$0x1F400] =	vst v63  }
0x51: {  	_ =	swait.ge [sflag:s7], $0x1900  }
0x52: {  	[sflag:s7] =	ssyncset.done $0x0  }
0x53: {  	s21 =	simm.s32 $0x1600;
	[sflag:s7] =	ssyncadd.s32 $0xFFFFE700  }
0x54: {  	[spmem:s2] =	stream.indirect.scatter.add.f32 [tilespmem:s24], [sflag:$0xA], $0x80, s21, s15, $0xb8;
	[tilespmem:$0x1F400] =	vst v63  }
0x55: {  	_ =	swait.ge [sflag:s10], $0x1900  }
0x56: {  	[sflag:s10] =	ssyncset.done $0x0  }
0x57: {  	s17 =	simm.s32 $0xA00;
	s19 =	simm.s32 $0x480;
	[sflag:s10] =	ssyncadd.s32 $0xFFFFE700  }
.LBB2_3:
0x58: {  	[tilespmem:s24], [sflag:$0x5] =	stream.indirect.gather [hbm4b:s5+s15], $0x80, s19, s15, $0xb8;
	[tilespmem:$0x1F400] =	vst v63  }
0x59: {  	s19 =	smov.u32 s17  }
0x5a: {  	p0 =	sne.s32 s17, $0x3C00;
	s17 =	sadd.s32 $0xA00, s17;
	_ =	swait.ge [sflag:s25], $0x1900  }
0x5b: {  	s19 =	sshra.s32 s19, $0x2;
	[sflag:s25] =	ssyncset.done $0x0  }
0x5c: {  	s21 =	sadd.s32 $0x1400, s19;
	[sflag:s25] =	ssyncadd.s32 $0xFFFFE700  }
0x5d: {  	[spmem:s2] =	stream.indirect.scatter.add.f32 [tilespmem:s16], [sflag:$0x6], $0x80, s21, s15, $0xb8;
	[tilespmem:$0x1F400] =	vst v63  }
0x5e: {  	_ =	swait.ge [sflag:s26], $0x1900  }
0x5f: {  	[sflag:s26] =	ssyncset.done $0x0  }
0x60: {  	s21 =	sadd.s32 $0x280, s19;
	[sflag:s26] =	ssyncadd.s32 $0xFFFFE700  }
0x61: {  	[tilespmem:s16], [sflag:$0x1] =	stream.indirect.gather [hbm4b:s5+s15], $0x80, s21, s15, $0xb8;
	[tilespmem:$0x1F400] =	vst v63  }
0x62: {  	_ =	swait.ge [sflag:s28], $0x1900  }
0x63: {  	[sflag:s28] =	ssyncset.done $0x0  }
0x64: {  	s21 =	sadd.s32 $0x1480, s19;
	[sflag:s28] =	ssyncadd.s32 $0xFFFFE700  }
0x65: {  	[spmem:s2] =	stream.indirect.scatter.add.f32 [tilespmem:s18], [sflag:$0x7], $0x80, s21, s15, $0xb8;
	[tilespmem:$0x1F400] =	vst v63  }
0x66: {  	_ =	swait.ge [sflag:s29], $0x1900  }
0x67: {  	[sflag:s29] =	ssyncset.done $0x0  }
0x68: {  	s21 =	sadd.s32 $0x300, s19;
	[sflag:s29] =	ssyncadd.s32 $0xFFFFE700  }
0x69: {  	[tilespmem:s18], [sflag:$0x2] =	stream.indirect.gather [hbm4b:s5+s15], $0x80, s21, s15, $0xb8;
	[tilespmem:$0x1F400] =	vst v63  }
0x6a: {  	_ =	swait.ge [sflag:s30], $0x1900  }
0x6b: {  	[sflag:s30] =	ssyncset.done $0x0  }
0x6c: {  	s21 =	sadd.s32 $0x1500, s19;
	[sflag:s30] =	ssyncadd.s32 $0xFFFFE700  }
0x6d: {  	[spmem:s2] =	stream.indirect.scatter.add.f32 [tilespmem:s20], [sflag:$0x8], $0x80, s21, s15, $0xb8;
	[tilespmem:$0x1F400] =	vst v63  }
0x6e: {  	_ =	swait.ge [sflag:s31], $0x1900  }
0x6f: {  	[sflag:s31] =	ssyncset.done $0x0  }
0x70: {  	s21 =	sadd.s32 $0x380, s19;
	[sflag:s31] =	ssyncadd.s32 $0xFFFFE700  }
0x71: {  	[tilespmem:s20], [sflag:$0x3] =	stream.indirect.gather [hbm4b:s5+s15], $0x80, s21, s15, $0xb8;
	[tilespmem:$0x1F400] =	vst v63  }
0x72: {  	_ =	swait.ge [sflag:s0], $0x1900  }
0x73: {  	[sflag:s0] =	ssyncset.done $0x0  }
0x74: {  	s21 =	sadd.s32 $0x1580, s19;
	[sflag:s0] =	ssyncadd.s32 $0xFFFFE700  }
0x75: {  	[spmem:s2] =	stream.indirect.scatter.add.f32 [tilespmem:s22], [sflag:$0x9], $0x80, s21, s15, $0xb8;
	[tilespmem:$0x1F400] =	vst v63  }
0x76: {  	_ =	swait.ge [sflag:s3], $0x1900  }
0x77: {  	[sflag:s3] =	ssyncset.done $0x0  }
0x78: {  	s21 =	sadd.s32 $0x400, s19;
	[sflag:s3] =	ssyncadd.s32 $0xFFFFE700  }
0x79: {  	[tilespmem:s22], [sflag:$0x4] =	stream.indirect.gather [hbm4b:s5+s15], $0x80, s21, s15, $0xb8;
	[tilespmem:$0x1F400] =	vst v63  }
0x7a: {  	_ =	swait.ge [sflag:s7], $0x1900  }
0x7b: {  	[sflag:s7] =	ssyncset.done $0x0  }
.Ltmp0:
0x7c: {  	s21 =	sadd.s32 $0x1600, s19;
	[sflag:s7] =	ssyncadd.s32 $0xFFFFE700;
	(pc) =	sbr.rel @p0 .LBB2_3-.Ltmp0, $4  }
0x7d: {  	[spmem:s2] =	stream.indirect.scatter.add.f32 [tilespmem:s24], [sflag:$0xA], $0x80, s21, s15, $0xb8;
	[tilespmem:$0x1F400] =	vst v63  }
0x7e: {  	_ =	swait.ge [sflag:s10], $0x1900  }
0x7f: {  	[sflag:s10] =	ssyncset.done $0x0  }
0x80: {  	s19 =	sadd.s32 $0x480, s19;
	[sflag:s10] =	ssyncadd.s32 $0xFFFFE700  }
0x81: {  	[tilespmem:s24], [sflag:$0x5] =	stream.indirect.gather [hbm4b:s5+s15], $0x80, s19, s15, $0xb8;
	[tilespmem:$0x1F400] =	vst v63  }
0x82: {  	_ =	swait.ge [sflag:s25], $0x1900  }
0x83: {  	[sflag:s25] =	ssyncset.done $0x0  }
0x84: {  	[sflag:s25] =	ssyncadd.s32 $0xFFFFE700  }
0x85: {  	[spmem:s2] =	stream.indirect.scatter.add.f32 [tilespmem:s16], [sflag:$0x6], $0x80, s11, s15, $0xb8;
	[tilespmem:$0x1F400] =	vst v63  }
0x86: {  	_ =	swait.ge [sflag:s26], $0x1900  }
0x87: {  	[sflag:s26] =	ssyncset.done $0x0  }
0x88: {  	[sflag:s26] =	ssyncadd.s32 $0xFFFFE700  }
0x89: {  	_ =	swait.ge [sflag:s28], $0x1900  }
0x8a: {  	[sflag:s28] =	ssyncset.done $0x0  }
0x8b: {  	[sflag:s28] =	ssyncadd.s32 $0xFFFFE700  }
0x8c: {  	[spmem:s2] =	stream.indirect.scatter.add.f32 [tilespmem:s18], [sflag:$0x7], $0x80, s8, s15, $0xb8;
	[tilespmem:$0x1F400] =	vst v63  }
0x8d: {  	_ =	swait.ge [sflag:s29], $0x1900  }
0x8e: {  	[sflag:s29] =	ssyncset.done $0x0  }
0x8f: {  	[sflag:s29] =	ssyncadd.s32 $0xFFFFE700  }
0x90: {  	_ =	swait.ge [sflag:s30], $0x1900  }
0x91: {  	[sflag:s30] =	ssyncset.done $0x0  }
0x92: {  	[sflag:s30] =	ssyncadd.s32 $0xFFFFE700  }
0x93: {  	[spmem:s2] =	stream.indirect.scatter.add.f32 [tilespmem:s20], [sflag:$0x8], $0x80, s12, s15, $0xb8;
	[tilespmem:$0x1F400] =	vst v63  }
0x94: {  	_ =	swait.ge [sflag:s31], $0x1900  }
0x95: {  	[sflag:s31] =	ssyncset.done $0x0  }
0x96: {  	[sflag:s31] =	ssyncadd.s32 $0xFFFFE700  }
0x97: {  	_ =	swait.ge [sflag:s0], $0x1900  }
0x98: {  	[sflag:s0] =	ssyncset.done $0x0  }
0x99: {  	[sflag:s0] =	ssyncadd.s32 $0xFFFFE700  }
0x9a: {  	[spmem:s2] =	stream.indirect.scatter.add.f32 [tilespmem:s22], [sflag:$0x9], $0x80, s4, s15, $0xb8;
	[tilespmem:$0x1F400] =	vst v63  }
0x9b: {  	_ =	swait.ge [sflag:s3], $0x1900  }
0x9c: {  	[sflag:s3] =	ssyncset.done $0x0  }
0x9d: {  	[sflag:s3] =	ssyncadd.s32 $0xFFFFE700  }
0x9e: {  	s14 =	sadd.s32 $0x1, s14;
	_ =	swait.ge [sflag:s7], $0x1900  }
0x9f: {  	p0 =	sne.s32 s14, $0x5;
	[sflag:s7] =	ssyncset.done $0x0  }
.Ltmp1:
0xa0: {  	[sflag:s7] =	ssyncadd.s32 $0xFFFFE700;
	(pc) =	sbr.rel @p0 .LBB2_2-.Ltmp1, $4  }
0xa1: {  	[spmem:s2] =	stream.indirect.scatter.add.f32 [tilespmem:s24], [sflag:$0xA], $0x80, s1, s15, $0xb8;
	[tilespmem:$0x1F400] =	vst v63  }
0xa2: {  	_ =	swait.ge [sflag:s10], $0x1900  }
0xa3: {  	[sflag:s10] =	ssyncset.done $0x0  }
0xa4: {  	[sflag:s10] =	ssyncadd.s32 $0xFFFFE700  }
0xa5: {  	[bflag:$0x0] =	sbarrier.arrive $0xFFFF  }
0xa6: {  	s17 =	rddreg [dreg:$0x6]  }
0xa7: {  	s14 =	rddreg [dreg:$0x7]  }
0xa8: {  	s21 =	rddreg [dreg:$0x9]  }
0xa9: {  	[hbm:s14], [sflag:s17] =	dma.local [spmem:s21], $0x2800  }
0xaa: {  	_ =	swait.ge [sflag:s13], $0x2800  }
0xab: {  	s19 =	rddreg [dreg:$0x4]  }
0xac: {  	s14 =	sadd.s32 $0x1, s19;
	s19 =	rddreg [dreg:$0x8]  }
0xad: {  	p0 =	sne.s32 s14, s19  }
.Ltmp2:
0xae: {  	_ = 	snop;
	(pc) =	sbr.rel @p0 .LBB2_1-.Ltmp2, $3  }
0xaf: {  	_ =	sdelay $0x1  }
0xb0: {  	[sflag:s13] =	ssyncset.done $0x0  }
0xb1: {  	[sflag:s13] =	ssyncadd.s32 $0xFFFFD800  }
0xb2: {  	_ =	sfence.sel $0x180000  }
0xb3: {  	[bflag:$0x0] =	sbarrier.arrive $0xFFFF  }
0xb4: {  	_ =	strace $0x9000004A  }
0xb5: {  	s0 =	stileid.u32;
	[bflag:$0x2] =	sbarrier.arrive $0xFFFF  }
0xb6: {  	p0 =	sne.s32 s0, $0x0;
	s0 =	rddreg [dreg:$0x3]  }
0xb7: {  	s0 =	sadd.s32 @!p0 $0x100000, s0  }
0xb8: {  	[sflag:s0] =	ssyncadd.tile.s32 @!p0 $0x1;
	_ =	shalt  }
.Lfunc_end2:
_tile_overlayer_lowered:
.L_overlay_start_2:
0xb9: {  	(tag) =	ssettag $0x2  }
0xba: {  	s0 =	rddreg [dreg:$0x0];
	s2 =	stileid.u32  }
0xbb: {  	s1 =	rddreg [dreg:$0x1];
	p0 =	sne.s32 s2, $0x0  }
0xbc: {  	s3 =	rddreg [dreg:$0x2];
	[bflag:$0x3] =	sbarrier.arrive $0xFFFF;
	s2 =	simm.s32 @!p0 $0x1C0B  }
0xbd: {  	[timem:s3], [sflag:s2] =	dma.local @!p0 [hbm:s0], s1  }
0xbe: {  	s0 =	simm.s32 @!p0 $0xB  }
0xbf: {  	_ =	swait.ge @!p0 [sflag:s0], s1  }
0xc0: {  	s1 =	ssub.s32 @!p0 $0x0, s1;
	[sflag:s0] =	ssyncset.done @!p0 $0x0  }
0xc1: {  	[sflag:s0] =	ssyncadd.s32 @!p0 s1  }
0xc2: {  	[bflag:$0x3] =	sbarrier.arrive $0xFFFF  }
0xc3: {  	_ =	shalt  }

// kernel: kernel.16.cloned.1.call-start
scs
__scs_entry_jumppad:
0x0: {  	(pc) =	sbr.rel $0x88, $3  }
0x1: {  	(tag) =	ssettag $0x0;
	lr =	simm.s32 $0x1  }
0x2: {  	[smem:$0x3F93] =	sst lr;
	_ =	strace $0xD0000000  }
0x3: {  	_ = 	snop  }
0x4: {  	_ = 	snop  }
0x5: {  	_ = 	snop  }
0x6: {  	_ = 	snop  }
0x7: {  	_ = 	snop  }
__scs_overlays_trampoline_lowered:
0x8: {  	[smem:$0x3FA2] =	sst s0  }
0x9: {  	[smem:$0x3FA3] =	sst s1  }
0xa: {  	[smem:$0x3FA4] =	sst s2  }
0xb: {  	[smem:$0x3FA5] =	sst s3  }
0xc: {  	[smem:$0x3FA6] =	sst s4  }
0xd: {  	[smem:$0x3FA7] =	sst s5  }
0xe: {  	[smem:$0x3FA8] =	sst s6  }
0xf: {  	[smem:$0x3FA9] =	sst s7  }
0x10: {  	[smem:$0x3FAA] =	sst s8  }
0x11: {  	[smem:$0x3FAB] =	sst s9;
	s0 =	simm.s32 @!p0 $0x0  }
0x12: {  	s1 =	sld [smem:$0x3F91];
	s0 =	simm.s32 @p0 $0x1  }
0x13: {  	[smem:$0x3FAC] =	sst s0;
	s0 =	simm.s32 @!p1 $0x0  }
0x14: {  	s2 =	sld [smem:$0x3F90];
	s0 =	simm.s32 @p1 $0x1  }
0x15: {  	[smem:$0x3FAD] =	sst s0;
	s0 =	simm.s32 @!p2 $0x0  }
0x16: {  	s3 =	sld [smem:$0x3FDB];
	s0 =	simm.s32 @p2 $0x1  }
0x17: {  	s4 =	simm.s32 $0x1BF5;
	[smem:$0x3FAF] =	sst s0  }
0x18: {  	s0 =	sld [smem:$0x3F92];
	_ =	swait.ge [sflag:s4], $0x0  }
0x19: {  	s7 =	sld [smem:$0x3F93]  }
0x1a: {  	s8 =	sadd.s32 $0xFFFFE003, lr  }
0x1b: {  	s9 =	sadd.s32 $0xFFFFFEF7, lr;
	s5 =	simm.s32 $0xFFFFFFFF;
	p2 =	slt.u32 s8, $0xFFFFF086  }
0x1c: {  	p1 =	slt.u32 s9, $0xF7A;
	s5 =	simm.s32 @!p2 $0x0  }
0x1d: {  	s5 =	simm.s32 @p1 $0x1;
	p0 =	seq.s32 s7, s2  }
0x1e: {  	s7 =	smul.u32 @!p0 $0xF7A, s2;
	p2 =	seq.s32 @!p0 s5, $0x0  }
0x1f: {  	s9 =	smul.u32 $0xF7A, s1;
	s8 =	simm.s32 @!p0 $0x1BF5;
	p2 =	por !p2, p0  }
0x20: {  	[sflag:s8] =	ssyncset.s32 @!p0 $0xFFFFF086;
	s6 =	sadd.s32 @!p0 s3, s7;
	s7 =	simm.s32 @!p0 $0x108  }
0x21: {  	s3 =	sadd.s32 s3, s9;
	s6 =	sadd.s32 @!p0 $0x88, s6;
	s7 =	simm.s32 @p2 $0x1082  }
0x22: {  	[simem:s7], [sflag:s8] =	dma.local @!p0 [hbm:s6], $0xF7A  }
0x23: {  	s9 =	sor.u32 $0xD0000000, s2;
	s6 =	simm.s32 $0x108;
	_ =	swait.ge @!p0 [sflag:s8], $0x0  }
0x24: {  	s3 =	sadd.s32 $0x88, s3;
	s6 =	simm.s32 @!p1 $0x1082;
	[sflag:s4] =	ssyncset.s32 $0xFFFFF086  }
0x25: {  	[simem:s6], [sflag:s4] =	dma.local [hbm:s3], $0xF7A  }
0x26: {  	[smem:$0x3F93] =	sst s1;
	(tag) =	ssettag s2;
	_ =	strace s9  }
0x27: {  	s1 =	sld [smem:$0x3FA3]  }
0x28: {  	s2 =	sld [smem:$0x3FA4]  }
0x29: {  	s4 =	sld [smem:$0x3FA6]  }
0x2a: {  	p0 =	seq.s32 s5, $0x0;
	s5 =	sld [smem:$0x3FA7]  }
0x2b: {  	s6 =	sld [smem:$0x3FA8]  }
0x2c: {  	s7 =	sld [smem:$0x3FA9]  }
0x2d: {  	s3 =	simm.s32 $0x108;
	s8 =	sld [smem:$0x3FAA]  }
0x2e: {  	s3 =	simm.s32 @!p0 $0x1082;
	s9 =	sld [smem:$0x3FAB]  }
0x2f: {  	lr =	sadd.s32 s0, s3;
	s0 =	sld [smem:$0x3FA2]  }
0x30: {  	s3 =	sld [smem:$0x3FA5]  }
0x31: {  	[smem:$0x3FAE] =	sst s10  }
0x32: {  	s10 =	sld [smem:$0x3FAC];
	_ =	sdelay $0x3  }
0x33: {  	p0 =	seq.s32 s10, $0x1;
	s10 =	sld [smem:$0x3FAE];
	_ =	sdelay $0x3  }
0x34: {  	[smem:$0x3FAE] =	sst s10  }
0x35: {  	s10 =	sld [smem:$0x3FAD];
	_ =	sdelay $0x3  }
0x36: {  	p1 =	seq.s32 s10, $0x1;
	s10 =	sld [smem:$0x3FAE];
	_ =	sdelay $0x3  }
0x37: {  	[smem:$0x3FAE] =	sst s10  }
0x38: {  	s10 =	sld [smem:$0x3FAF]  }
0x39: {  	_ = 	snop;
	(pc) =	sbr.ind lr, $3  }
0x3a: {  	_ = 	snop  }
0x3b: {  	_ = 	snop  }
0x3c: {  	p2 =	seq.s32 s10, $0x1;
	s10 =	sld [smem:$0x3FAE]  }
0x3d: {  	_ =	shalt  }
0x3e: {  	_ =	shalt  }
0x3f: {  	_ =	shalt  }
0x40: {  	_ =	shalt  }
0x41: {  	_ =	shalt  }
0x42: {  	_ =	shalt  }
0x43: {  	_ =	shalt  }
0x44: {  	_ =	shalt  }
0x45: {  	_ =	shalt  }
0x46: {  	_ =	shalt  }
0x47: {  	_ =	shalt  }
0x48: {  	_ =	shalt  }
0x49: {  	_ =	shalt  }
0x4a: {  	_ =	shalt  }
0x4b: {  	_ =	shalt  }
0x4c: {  	_ =	shalt  }
0x4d: {  	_ =	shalt  }
0x4e: {  	_ =	shalt  }
0x4f: {  	_ =	shalt  }
0x50: {  	_ =	shalt  }
0x51: {  	_ =	shalt  }
0x52: {  	_ =	shalt  }
0x53: {  	_ =	shalt  }
0x54: {  	_ =	shalt  }
0x55: {  	_ =	shalt  }
0x56: {  	_ =	shalt  }
0x57: {  	_ =	shalt  }
0x58: {  	_ =	shalt  }
0x59: {  	_ =	shalt  }
0x5a: {  	_ =	shalt  }
0x5b: {  	_ =	shalt  }
0x5c: {  	_ =	shalt  }
0x5d: {  	_ =	shalt  }
0x5e: {  	_ =	shalt  }
0x5f: {  	_ =	shalt  }
0x60: {  	_ =	shalt  }
0x61: {  	_ =	shalt  }
0x62: {  	_ =	shalt  }
0x63: {  	_ =	shalt  }
0x64: {  	_ =	shalt  }
0x65: {  	_ =	shalt  }
0x66: {  	_ =	shalt  }
0x67: {  	_ =	shalt  }
0x68: {  	_ =	shalt  }
0x69: {  	_ =	shalt  }
0x6a: {  	_ =	shalt  }
0x6b: {  	_ =	shalt  }
0x6c: {  	_ =	shalt  }
0x6d: {  	_ =	shalt  }
0x6e: {  	_ =	shalt  }
0x6f: {  	_ =	shalt  }
0x70: {  	_ =	shalt  }
0x71: {  	_ =	shalt  }
0x72: {  	_ =	shalt  }
0x73: {  	_ =	shalt  }
0x74: {  	_ =	shalt  }
0x75: {  	_ =	shalt  }
0x76: {  	_ =	shalt  }
0x77: {  	_ =	shalt  }
0x78: {  	_ =	shalt  }
0x79: {  	_ =	shalt  }
0x7a: {  	_ =	shalt  }
0x7b: {  	_ =	shalt  }
0x7c: {  	_ =	shalt  }
0x7d: {  	_ =	shalt  }
0x7e: {  	_ =	shalt  }
0x7f: {  	_ =	shalt  }
0x80: {  	_ =	shalt  }
0x81: {  	_ =	shalt  }
0x82: {  	_ =	shalt  }
0x83: {  	_ =	shalt  }
0x84: {  	_ =	shalt  }
0x85: {  	_ =	shalt  }
0x86: {  	_ =	shalt  }
0x87: {  	_ =	shalt  }
.Lfunc_end0:
.L_simem_size_0:
called_computation.2_lowered:
.L_overlay_start_0:
0x88: {  	s2 =	sld [smem:$0x3FD9]  }
0x89: {  	s3 =	sld [smem:$0x3FFE];
	_ =	sdelay $0x1  }
0x8a: {  	s1 =	srdreg.scid  }
0x8b: {  	s0 =	sand.u32 $0x1, s1  }
0x8c: {  	s17 =	sshll.u32 s0, $0xA;
	s2 =	sadd.s32 s3, s2  }
0x8d: {  	s2 =	sadd.s32 s2, s17  }
0x8e: {  	[smem:$0x3FBA] =	sst s2  }
0x8f: {  	_ = 	snop  }
0x90: {  	s2 =	sld [smem:$0x3FD0];
	(tm) =	ssettm $0x1  }
0x91: {  	s18 =	sld [smem:$0x3FFB];
	_ =	sdelay $0x3  }
0x92: {  	_ =	strace s18  }
0x93: {  	s3 =	sld [smem:$0x3FFC];
	_ =	sdelay $0x3  }
0x94: {  	_ =	strace s3  }
0x95: {  	s3 =	sld [smem:$0x3FFD];
	_ =	sdelay $0x3  }
0x96: {  	_ =	strace s3  }
0x97: {  	_ =	strace $0x8FFFFFFF  }
0x98: {  	s19 =	sld [smem:$0x3FDB];
	_ =	sdelay $0x1  }
0x99: {  	s4 =	simm.s32 $_scs_section_size  }
0x9a: {  	s5 =	simm.s32 $_size__tile_overlayer_lowered;
	s6 =	simm.s32 $_tile_overlayer_lowered  }
0x9b: {  	s22 =	simm.s32 $0x1BFF;
	s21 =	sshll.u32 s6, $0x1;
	s3 =	sadd.s32 s4, s19  }
0x9c: {  	s7 =	simm.s32 $0x0;
	s20 =	sshll.u32 s5, $0x1;
	s5 =	sadd.s32 s21, s3  }
0x9d: {  	[timem:s7], [sflag:s22] =	dma.local [hbm:s5], s20  }
0x9e: {  	_ =	swait.ge [sflag:s22], s20  }
0x9f: {  	s4 =	ssub.s32 $0x0, s20;
	[sflag:s22] =	ssyncset.done $0x0  }
0xa0: {  	[sflag:s22] =	ssyncadd.s32 s4;
	_ =	sdelay $0x1  }
0xa1: {  	s23 =	simm.s32 $0x1B8B  }
0xa2: {  	_ =	swait.ge [sflag:s23], $0x1  }
0xa3: {  	[sflag:s23] =	ssyncset.done $0x0  }
0xa4: {  	s25 =	simm.s32 $0x1B8E;
	s24 =	sld [smem:$0x3FFE];
	[sflag:s23] =	ssyncadd.s32 $0xFFFFFFFF  }
0xa5: {  	s26 =	simm.s32 $execute0_lowered;
	[smem:$0x3FD2] =	sst s25  }
0xa6: {  	s5 =	sshll.u32 s26, $0x1;
	_ =	strace $0x8000004C;
	[dreg:$0x1] =	wrdreg $0xFFFFFFFF  }
0xa7: {  	s28 =	simm.s32 $_size_execute0_lowered;
	s3 =	sadd.s32 s3, s5;
	[dreg:$0x0] =	wrdreg $0x0  }
0xa8: {  	s5 =	sshll.u32 s28, $0x1;
	[dreg:$0x2] =	wrdreg s3  }
0xa9: {  	[dreg:$0x3] =	wrdreg s5  }
0xaa: {  	[dreg:$0x4] =	wrdreg $0xC0  }
0xab: {  	_ =	task [dreg:s7], $0x5FFFF  }
0xac: {  	[dreg:$0x1] =	wrdreg $0xFFFFFFFF  }
0xad: {  	[dreg:$0x0] =	wrdreg $0x60  }
0xae: {  	[dreg:$0x2] =	wrdreg s24  }
0xaf: {  	[dreg:$0x3] =	wrdreg s2  }
0xb0: {  	[dreg:$0x4] =	wrdreg $0xB4000  }
0xb1: {  	[dreg:$0x5] =	wrdreg $0x9  }
0xb2: {  	_ =	task.clear_ibuf [dreg:s7], $0x6FFFF;
	_ =	strace $0x9000004C  }
0xb3: {  	s29 =	simm.s32 $0x9;
	_ =	strace $0x8000004E  }
0xb4: {  	_ =	swait.ge [sflag:s29], $0x1  }
0xb5: {  	[sflag:s29] =	ssyncadd.s32 $0xFFFFFFFF  }
0xb6: {  	_ =	strace $0x9000004E  }
0xb7: {  	_ =	sfence  }
0xb8: {  	s30 =	sld [smem:$0x0];
	_ =	sdelay $0x2  }
0xb9: {  	s31 =	sshll.u32 s1, $0xD;
	s1 =	sshrl.u32 s1, $0x2  }
0xba: {  	s3 =	sand.u32 $0x4000, s31;
	s1 =	sadd.s32 s1, s30  }
0xbb: {  	s0 =	sor.u32 s3, s0;
	s1 =	sshll.u32 s1, $0x11  }
0xbc: {  	s0 =	sor.u32 s1, s0  }
0xbd: {  	s0 =	sadd.s32 $0x8F2B, s0  }
0xbe: {  	[sflag:s0] =	ssyncadd.remote.s32 $0x1  }
0xbf: {  	_ =	sfence.sel $0xFFFF  }
0xc0: {  	[dreg:$0x0] =	wrdreg $0xFFFFFFFF;
	(pc) =	sbr.abs _section_cstart, $3  }
0xc1: {  	[dreg:$0x1] =	wrdreg $0xFFFFFFFF  }
0xc2: {  	_ =	task.clear_ibuf [dreg:s7], $0x2FFFF;
	_ =	strace $0x9FFFFFFF  }
0xc3: {  	(tm) =	ssettm $0x7FFFFFFF  }
tec
execute0_lowered:
.L_overlay_start_1:
0x0: {  	(tag) =	ssettag $0x1  }
0x1: {  	s0 =	rddreg [dreg:$0x0]  }
0x2: {  	s2 =	rddreg [dreg:$0x2];
	s1 =	srdreg.scid;
	s14 =	simm.s32 $0x0  }
0x3: {  	s9 =	stileid.u32;
	s13 =	simm.s32 $0xB;
	s15 =	simm.s32 $0x32  }
0x4: {  	s16 =	simm.s32 $0x2800;
	s18 =	simm.s32 $0x4400;
	s28 =	simm.s32 $0x2  }
0x5: {  	s29 =	simm.s32 $0x7;
	s30 =	simm.s32 $0x3;
	s31 =	simm.s32 $0x8  }
0x6: {  	s10 =	simm.s32 $0xA;
	s11 =	simm.s32 $0x2580;
	s12 =	simm.s32 $0x2680  }
0x7: {  	s1 =	sand.u32 $0x1, s1;
	[smem:$0x7FF] =	sst s14;
	s4 =	smul.u32 $0x14000, s9  }
0x8: {  	s5 =	sadd.s32 $0x31200, s0;
	s6 =	sadd.s32 $0x18200, s0;
	s7 =	sadd.s32 $0x4400, s0  }
0x9: {  	s8 =	smul.u32 $0x50000, s9;
	s23 =	sshll.u32 s9, $0x1;
	s25 =	sshll.u32 s9, $0x6  }
0xa: {  	s3 =	smul.u32 $0x140000, s1;
	_ =	strace $0x8000004D;
	[dreg:$0x5] =	wrdreg s7  }
0xb: {  	s20 =	ssub.s32 $0x2, s1;
	s1 =	sor.u32 s1, s23;
	s17 =	sor.u32 $0x1C0B, s25  }
0xc: {  	s23 =	simm.s32 $0x200;
	s25 =	simm.s32 $0x1;
	s7 =	simm.s32 $0x5  }
0xd: {  	s21 =	sshrl.u32 s20, $0x1;
	s24 =	sshrl.u32 s8, $0x2;
	s9 =	smul.u32 $0xC8, s1  }
0xe: {  	s8 =	simm.s32 $0x2600;
	s1 =	simm.s32 $0x2780;
	[dreg:$0x6] =	wrdreg s17  }
0xf: {  	s3 =	sadd.s32 s4, s3;
	s22 =	ssub.s32 s20, s21;
	s4 =	sadd.s32 s24, s2  }
0x10: {  	s20 =	simm.s32 $0x6000;
	s24 =	simm.s32 $0x9800;
	s3 =	sshrl.u32 s3, $0x3  }
0x11: {  	s26 =	smax.u32 s22, $0x1;
	s21 =	sshrl.u32 s4, $0x3;
	s22 =	simm.s32 $0x7C00  }
0x12: {  	s4 =	simm.s32 $0x2700;
	s0 =	sadd.s32 s3, s0;
	[dreg:$0x8] =	wrdreg s26  }
0x13: {  	s26 =	simm.s32 $0x6;
	[dreg:$0x9] =	wrdreg s21;
	s0 =	sadd.s32 $0xA9200, s0  }
0x14: {  	s3 =	simm.s32 $0x9;
	[dreg:$0x7] =	wrdreg s0;
	s0 =	simm.s32 $0x4  }
.LBB2_1:
0x15: {  	[dreg:$0x4] =	wrdreg s14  }
0x16: {  	s19 =	rddreg [dreg:$0x5]  }
0x17: {  	[spmem:s21], [sflag:s17] =	dma.local [hbm:s19], $0x2800  }
0x18: {  	_ =	swait.ge [sflag:s13], $0x2800  }
0x19: {  	[sflag:s13] =	ssyncset.done $0x0  }
0x1a: {  	[sflag:s13] =	ssyncadd.s32 $0xFFFFD800  }
0x1b: {  	s14 =	simm.s32 $0x0;
	[bflag:$0x0] =	sbarrier.arrive $0xFFFF  }
.LBB2_2:
0x1c: {  	s17 =	smul.u32 $0x28, s14;
	_ =	sdelay $0x1  }
0x1d: {  	s17 =	sadd.s32 s9, s17  }
0x1e: {  	s19 =	rddreg [dreg:$0x1];
	s17 =	sshll.u32 s17, $0x4  }
0x1f: {  	s21 =	simm.s32 $0x0;
	s19 =	sadd.s32 s19, s17  }
0x20: {  	[tilespmem:s21], [sflag:$0xB] =	stream.linear.gather [hbm4b:s19+s21], $0x1400, $0x38;
	[tilespmem:$0x1F400] =	vst v63  }
0x21: {  	_ =	swait.ge [sflag:s13], $0x1400  }
0x22: {  	[sflag:s13] =	ssyncset.done $0x0  }
0x23: {  	s17 =	sadd.s32 s6, s17;
	s19 =	simm.s32 $0x1400;
	[sflag:s13] =	ssyncadd.s32 $0xFFFFEC00  }
0x24: {  	[tilespmem:s19], [sflag:$0xB] =	stream.linear.gather [hbm4b:s17+s21], $0x1400, $0x38;
	[tilespmem:$0x1F400] =	vst v63  }
0x25: {  	_ =	swait.ge [sflag:s13], $0x1400  }
0x26: {  	[sflag:s13] =	ssyncset.done $0x0  }
0x27: {  	[sflag:s13] =	ssyncadd.s32 $0xFFFFEC00  }
0x28: {  	[tilespmem:s16], [sflag:$0x1] =	stream.indirect.gather [hbm4b:s5+s15], $0x80, s21, s15, $0xb8;
	[tilespmem:$0x1F400] =	vst v63  }
0x29: {  	s19 =	simm.s32 $0x80  }
0x2a: {  	[tilespmem:s18], [sflag:$0x2] =	stream.indirect.gather [hbm4b:s5+s15], $0x80, s19, s15, $0xb8;
	[tilespmem:$0x1F400] =	vst v63  }
0x2b: {  	s21 =	simm.s32 $0x100  }
0x2c: {  	[tilespmem:s20], [sflag:$0x3] =	stream.indirect.gather [hbm4b:s5+s15], $0x80, s21, s15, $0xb8;
	[tilespmem:$0x1F400] =	vst v63  }
0x2d: {  	s19 =	simm.s32 $0x180  }
0x2e: {  	[tilespmem:s22], [sflag:$0x4] =	stream.indirect.gather [hbm4b:s5+s15], $0x80, s19, s15, $0xb8;
	[tilespmem:$0x1F400] =	vst v63  }
0x2f: {  	_ = 	snop  }
0x30: {  	[tilespmem:s24], [sflag:$0x5] =	stream.indirect.gather [hbm4b:s5+s15], $0x80, s23, s15, $0xb8;
	[tilespmem:$0x1F400] =	vst v63  }
0x31: {  	_ =	swait.ge [sflag:s25], $0x1900  }
0x32: {  	[sflag:s25] =	ssyncset.done $0x0  }
0x33: {  	s21 =	simm.s32 $0x1400;
	[sflag:s25] =	ssyncadd.s32 $0xFFFFE700  }
0x34: {  	[spmem:s2] =	stream.indirect.scatter.add.f32 [tilespmem:s16], [sflag:$0x6], $0x80, s21, s15, $0xb8;
	[tilespmem:$0x1F400] =	vst v63  }
0x35: {  	_ =	swait.ge [sflag:s26], $0x1900  }
0x36: {  	[sflag:s26] =	ssyncset.done $0x0  }
0x37: {  	s19 =	simm.s32 $0x280;
	[sflag:s26] =	ssyncadd.s32 $0xFFFFE700  }
0x38: {  	[tilespmem:s16], [sflag:$0x1] =	stream.indirect.gather [hbm4b:s5+s15], $0x80, s19, s15, $0xb8;
	[tilespmem:$0x1F400] =	vst v63  }
0x39: {  	_ =	swait.ge [sflag:s28], $0x1900  }
0x3a: {  	[sflag:s28] =	ssyncset.done $0x0  }
0x3b: {  	s21 =	simm.s32 $0x1480;
	[sflag:s28] =	ssyncadd.s32 $0xFFFFE700  }
0x3c: {  	[spmem:s2] =	stream.indirect.scatter.add.f32 [tilespmem:s18], [sflag:$0x7], $0x80, s21, s15, $0xb8;
	[tilespmem:$0x1F400] =	vst v63  }
0x3d: {  	_ =	swait.ge [sflag:s29], $0x1900  }
0x3e: {  	[sflag:s29] =	ssyncset.done $0x0  }
0x3f: {  	s19 =	simm.s32 $0x300;
	[sflag:s29] =	ssyncadd.s32 $0xFFFFE700  }
0x40: {  	[tilespmem:s18], [sflag:$0x2] =	stream.indirect.gather [hbm4b:s5+s15], $0x80, s19, s15, $0xb8;
	[tilespmem:$0x1F400] =	vst v63  }
0x41: {  	_ =	swait.ge [sflag:s30], $0x1900  }
0x42: {  	[sflag:s30] =	ssyncset.done $0x0  }
0x43: {  	s21 =	simm.s32 $0x1500;
	[sflag:s30] =	ssyncadd.s32 $0xFFFFE700  }
0x44: {  	[spmem:s2] =	stream.indirect.scatter.add.f32 [tilespmem:s20], [sflag:$0x8], $0x80, s21, s15, $0xb8;
	[tilespmem:$0x1F400] =	vst v63  }
0x45: {  	_ =	swait.ge [sflag:s31], $0x1900  }
0x46: {  	[sflag:s31] =	ssyncset.done $0x0  }
0x47: {  	s19 =	simm.s32 $0x380;
	[sflag:s31] =	ssyncadd.s32 $0xFFFFE700  }
0x48: {  	[tilespmem:s20], [sflag:$0x3] =	stream.indirect.gather [hbm4b:s5+s15], $0x80, s19, s15, $0xb8;
	[tilespmem:$0x1F400] =	vst v63  }
0x49: {  	_ =	swait.ge [sflag:s0], $0x1900  }
0x4a: {  	[sflag:s0] =	ssyncset.done $0x0  }
0x4b: {  	s21 =	simm.s32 $0x1580;
	[sflag:s0] =	ssyncadd.s32 $0xFFFFE700  }
0x4c: {  	[spmem:s2] =	stream.indirect.scatter.add.f32 [tilespmem:s22], [sflag:$0x9], $0x80, s21, s15, $0xb8;
	[tilespmem:$0x1F400] =	vst v63  }
0x4d: {  	_ =	swait.ge [sflag:s3], $0x1900  }
0x4e: {  	[sflag:s3] =	ssyncset.done $0x0  }
0x4f: {  	s19 =	simm.s32 $0x400;
	[sflag:s3] =	ssyncadd.s32 $0xFFFFE700  }
0x50: {  	[tilespmem:s22], [sflag:$0x4] =	stream.indirect.gather [hbm4b:s5+s15], $0x80, s19, s15, $0xb8;
	[tilespmem:$0x1F400] =	vst v63  }
0x51: {  	_ =	swait.ge [sflag:s7], $0x1900  }
0x52: {  	[sflag:s7] =	ssyncset.done $0x0  }
0x53: {  	s21 =	simm.s32 $0x1600;
	[sflag:s7] =	ssyncadd.s32 $0xFFFFE700  }
0x54: {  	[spmem:s2] =	stream.indirect.scatter.add.f32 [tilespmem:s24], [sflag:$0xA], $0x80, s21, s15, $0xb8;
	[tilespmem:$0x1F400] =	vst v63  }
0x55: {  	_ =	swait.ge [sflag:s10], $0x1900  }
0x56: {  	[sflag:s10] =	ssyncset.done $0x0  }
0x57: {  	s17 =	simm.s32 $0xA00;
	s19 =	simm.s32 $0x480;
	[sflag:s10] =	ssyncadd.s32 $0xFFFFE700  }
.LBB2_3:
0x58: {  	[tilespmem:s24], [sflag:$0x5] =	stream.indirect.gather [hbm4b:s5+s15], $0x80, s19, s15, $0xb8;
	[tilespmem:$0x1F400] =	vst v63  }
0x59: {  	s19 =	smov.u32 s17  }
0x5a: {  	p0 =	sne.s32 s17, $0x3C00;
	s17 =	sadd.s32 $0xA00, s17;
	_ =	swait.ge [sflag:s25], $0x1900  }
0x5b: {  	s19 =	sshra.s32 s19, $0x2;
	[sflag:s25] =	ssyncset.done $0x0  }
0x5c: {  	s21 =	sadd.s32 $0x1400, s19;
	[sflag:s25] =	ssyncadd.s32 $0xFFFFE700  }
0x5d: {  	[spmem:s2] =	stream.indirect.scatter.add.f32 [tilespmem:s16], [sflag:$0x6], $0x80, s21, s15, $0xb8;
	[tilespmem:$0x1F400] =	vst v63  }
0x5e: {  	_ =	swait.ge [sflag:s26], $0x1900  }
0x5f: {  	[sflag:s26] =	ssyncset.done $0x0  }
0x60: {  	s21 =	sadd.s32 $0x280, s19;
	[sflag:s26] =	ssyncadd.s32 $0xFFFFE700  }
0x61: {  	[tilespmem:s16], [sflag:$0x1] =	stream.indirect.gather [hbm4b:s5+s15], $0x80, s21, s15, $0xb8;
	[tilespmem:$0x1F400] =	vst v63  }
0x62: {  	_ =	swait.ge [sflag:s28], $0x1900  }
0x63: {  	[sflag:s28] =	ssyncset.done $0x0  }
0x64: {  	s21 =	sadd.s32 $0x1480, s19;
	[sflag:s28] =	ssyncadd.s32 $0xFFFFE700  }
0x65: {  	[spmem:s2] =	stream.indirect.scatter.add.f32 [tilespmem:s18], [sflag:$0x7], $0x80, s21, s15, $0xb8;
	[tilespmem:$0x1F400] =	vst v63  }
0x66: {  	_ =	swait.ge [sflag:s29], $0x1900  }
0x67: {  	[sflag:s29] =	ssyncset.done $0x0  }
0x68: {  	s21 =	sadd.s32 $0x300, s19;
	[sflag:s29] =	ssyncadd.s32 $0xFFFFE700  }
0x69: {  	[tilespmem:s18], [sflag:$0x2] =	stream.indirect.gather [hbm4b:s5+s15], $0x80, s21, s15, $0xb8;
	[tilespmem:$0x1F400] =	vst v63  }
0x6a: {  	_ =	swait.ge [sflag:s30], $0x1900  }
0x6b: {  	[sflag:s30] =	ssyncset.done $0x0  }
0x6c: {  	s21 =	sadd.s32 $0x1500, s19;
	[sflag:s30] =	ssyncadd.s32 $0xFFFFE700  }
0x6d: {  	[spmem:s2] =	stream.indirect.scatter.add.f32 [tilespmem:s20], [sflag:$0x8], $0x80, s21, s15, $0xb8;
	[tilespmem:$0x1F400] =	vst v63  }
0x6e: {  	_ =	swait.ge [sflag:s31], $0x1900  }
0x6f: {  	[sflag:s31] =	ssyncset.done $0x0  }
0x70: {  	s21 =	sadd.s32 $0x380, s19;
	[sflag:s31] =	ssyncadd.s32 $0xFFFFE700  }
0x71: {  	[tilespmem:s20], [sflag:$0x3] =	stream.indirect.gather [hbm4b:s5+s15], $0x80, s21, s15, $0xb8;
	[tilespmem:$0x1F400] =	vst v63  }
0x72: {  	_ =	swait.ge [sflag:s0], $0x1900  }
0x73: {  	[sflag:s0] =	ssyncset.done $0x0  }
0x74: {  	s21 =	sadd.s32 $0x1580, s19;
	[sflag:s0] =	ssyncadd.s32 $0xFFFFE700  }
0x75: {  	[spmem:s2] =	stream.indirect.scatter.add.f32 [tilespmem:s22], [sflag:$0x9], $0x80, s21, s15, $0xb8;
	[tilespmem:$0x1F400] =	vst v63  }
0x76: {  	_ =	swait.ge [sflag:s3], $0x1900  }
0x77: {  	[sflag:s3] =	ssyncset.done $0x0  }
0x78: {  	s21 =	sadd.s32 $0x400, s19;
	[sflag:s3] =	ssyncadd.s32 $0xFFFFE700  }
0x79: {  	[tilespmem:s22], [sflag:$0x4] =	stream.indirect.gather [hbm4b:s5+s15], $0x80, s21, s15, $0xb8;
	[tilespmem:$0x1F400] =	vst v63  }
0x7a: {  	_ =	swait.ge [sflag:s7], $0x1900  }
0x7b: {  	[sflag:s7] =	ssyncset.done $0x0  }
.Ltmp0:
0x7c: {  	s21 =	sadd.s32 $0x1600, s19;
	[sflag:s7] =	ssyncadd.s32 $0xFFFFE700;
	(pc) =	sbr.rel @p0 .LBB2_3-.Ltmp0, $4  }
0x7d: {  	[spmem:s2] =	stream.indirect.scatter.add.f32 [tilespmem:s24], [sflag:$0xA], $0x80, s21, s15, $0xb8;
	[tilespmem:$0x1F400] =	vst v63  }
0x7e: {  	_ =	swait.ge [sflag:s10], $0x1900  }
0x7f: {  	[sflag:s10] =	ssyncset.done $0x0  }
0x80: {  	s19 =	sadd.s32 $0x480, s19;
	[sflag:s10] =	ssyncadd.s32 $0xFFFFE700  }
0x81: {  	[tilespmem:s24], [sflag:$0x5] =	stream.indirect.gather [hbm4b:s5+s15], $0x80, s19, s15, $0xb8;
	[tilespmem:$0x1F400] =	vst v63  }
0x82: {  	_ =	swait.ge [sflag:s25], $0x1900  }
0x83: {  	[sflag:s25] =	ssyncset.done $0x0  }
0x84: {  	[sflag:s25] =	ssyncadd.s32 $0xFFFFE700  }
0x85: {  	[spmem:s2] =	stream.indirect.scatter.add.f32 [tilespmem:s16], [sflag:$0x6], $0x80, s11, s15, $0xb8;
	[tilespmem:$0x1F400] =	vst v63  }
0x86: {  	_ =	swait.ge [sflag:s26], $0x1900  }
0x87: {  	[sflag:s26] =	ssyncset.done $0x0  }
0x88: {  	[sflag:s26] =	ssyncadd.s32 $0xFFFFE700  }
0x89: {  	_ =	swait.ge [sflag:s28], $0x1900  }
0x8a: {  	[sflag:s28] =	ssyncset.done $0x0  }
0x8b: {  	[sflag:s28] =	ssyncadd.s32 $0xFFFFE700  }
0x8c: {  	[spmem:s2] =	stream.indirect.scatter.add.f32 [tilespmem:s18], [sflag:$0x7], $0x80, s8, s15, $0xb8;
	[tilespmem:$0x1F400] =	vst v63  }
0x8d: {  	_ =	swait.ge [sflag:s29], $0x1900  }
0x8e: {  	[sflag:s29] =	ssyncset.done $0x0  }
0x8f: {  	[sflag:s29] =	ssyncadd.s32 $0xFFFFE700  }
0x90: {  	_ =	swait.ge [sflag:s30], $0x1900  }
0x91: {  	[sflag:s30] =	ssyncset.done $0x0  }
0x92: {  	[sflag:s30] =	ssyncadd.s32 $0xFFFFE700  }
0x93: {  	[spmem:s2] =	stream.indirect.scatter.add.f32 [tilespmem:s20], [sflag:$0x8], $0x80, s12, s15, $0xb8;
	[tilespmem:$0x1F400] =	vst v63  }
0x94: {  	_ =	swait.ge [sflag:s31], $0x1900  }
0x95: {  	[sflag:s31] =	ssyncset.done $0x0  }
0x96: {  	[sflag:s31] =	ssyncadd.s32 $0xFFFFE700  }
0x97: {  	_ =	swait.ge [sflag:s0], $0x1900  }
0x98: {  	[sflag:s0] =	ssyncset.done $0x0  }
0x99: {  	[sflag:s0] =	ssyncadd.s32 $0xFFFFE700  }
0x9a: {  	[spmem:s2] =	stream.indirect.scatter.add.f32 [tilespmem:s22], [sflag:$0x9], $0x80, s4, s15, $0xb8;
	[tilespmem:$0x1F400] =	vst v63  }
0x9b: {  	_ =	swait.ge [sflag:s3], $0x1900  }
0x9c: {  	[sflag:s3] =	ssyncset.done $0x0  }
0x9d: {  	[sflag:s3] =	ssyncadd.s32 $0xFFFFE700  }
0x9e: {  	s14 =	sadd.s32 $0x1, s14;
	_ =	swait.ge [sflag:s7], $0x1900  }
0x9f: {  	p0 =	sne.s32 s14, $0x5;
	[sflag:s7] =	ssyncset.done $0x0  }
.Ltmp1:
0xa0: {  	[sflag:s7] =	ssyncadd.s32 $0xFFFFE700;
	(pc) =	sbr.rel @p0 .LBB2_2-.Ltmp1, $4  }
0xa1: {  	[spmem:s2] =	stream.indirect.scatter.add.f32 [tilespmem:s24], [sflag:$0xA], $0x80, s1, s15, $0xb8;
	[tilespmem:$0x1F400] =	vst v63  }
0xa2: {  	_ =	swait.ge [sflag:s10], $0x1900  }
0xa3: {  	[sflag:s10] =	ssyncset.done $0x0  }
0xa4: {  	[sflag:s10] =	ssyncadd.s32 $0xFFFFE700  }
0xa5: {  	[bflag:$0x0] =	sbarrier.arrive $0xFFFF  }
0xa6: {  	s17 =	rddreg [dreg:$0x6]  }
0xa7: {  	s14 =	rddreg [dreg:$0x7]  }
0xa8: {  	s21 =	rddreg [dreg:$0x9]  }
0xa9: {  	[hbm:s14], [sflag:s17] =	dma.local [spmem:s21], $0x2800  }
0xaa: {  	_ =	swait.ge [sflag:s13], $0x2800  }
0xab: {  	s19 =	rddreg [dreg:$0x4]  }
0xac: {  	s14 =	sadd.s32 $0x1, s19;
	s19 =	rddreg [dreg:$0x8]  }
0xad: {  	p0 =	sne.s32 s14, s19  }
.Ltmp2:
0xae: {  	_ = 	snop;
	(pc) =	sbr.rel @p0 .LBB2_1-.Ltmp2, $3  }
0xaf: {  	_ =	sdelay $0x1  }
0xb0: {  	[sflag:s13] =	ssyncset.done $0x0  }
0xb1: {  	[sflag:s13] =	ssyncadd.s32 $0xFFFFD800  }
0xb2: {  	_ =	sfence.sel $0x180000  }
0xb3: {  	[bflag:$0x0] =	sbarrier.arrive $0xFFFF  }
0xb4: {  	_ =	strace $0x9000004D  }
0xb5: {  	s0 =	stileid.u32;
	[bflag:$0x2] =	sbarrier.arrive $0xFFFF  }
0xb6: {  	p0 =	sne.s32 s0, $0x0;
	s0 =	rddreg [dreg:$0x3]  }
0xb7: {  	s0 =	sadd.s32 @!p0 $0x100000, s0  }
0xb8: {  	[sflag:s0] =	ssyncadd.tile.s32 @!p0 $0x1;
	_ =	shalt  }
.Lfunc_end2:
_tile_overlayer_lowered:
.L_overlay_start_2:
0xb9: {  	(tag) =	ssettag $0x2  }
0xba: {  	s0 =	rddreg [dreg:$0x0];
	s2 =	stileid.u32  }
0xbb: {  	s1 =	rddreg [dreg:$0x1];
	p0 =	sne.s32 s2, $0x0  }
0xbc: {  	s3 =	rddreg [dreg:$0x2];
	[bflag:$0x3] =	sbarrier.arrive $0xFFFF;
	s2 =	simm.s32 @!p0 $0x1C0B  }
0xbd: {  	[timem:s3], [sflag:s2] =	dma.local @!p0 [hbm:s0], s1  }
0xbe: {  	s0 =	simm.s32 @!p0 $0xB  }
0xbf: {  	_ =	swait.ge @!p0 [sflag:s0], s1  }
0xc0: {  	s1 =	ssub.s32 @!p0 $0x0, s1;
	[sflag:s0] =	ssyncset.done @!p0 $0x0  }
0xc1: {  	[sflag:s0] =	ssyncadd.s32 @!p0 s1  }
0xc2: {  	[bflag:$0x3] =	sbarrier.arrive $0xFFFF  }
0xc3: {  	_ =	shalt  }

// kernel: kernel.19.cloned.1.call-start
scs
__scs_entry_jumppad:
0x0: {  	(pc) =	sbr.rel $0x88, $3  }
0x1: {  	(tag) =	ssettag $0x0;
	lr =	simm.s32 $0x1  }
0x2: {  	[smem:$0x3F93] =	sst lr;
	_ =	strace $0xD0000000  }
0x3: {  	_ = 	snop  }
0x4: {  	_ = 	snop  }
0x5: {  	_ = 	snop  }
0x6: {  	_ = 	snop  }
0x7: {  	_ = 	snop  }
__scs_overlays_trampoline_lowered:
0x8: {  	[smem:$0x3FA2] =	sst s0  }
0x9: {  	[smem:$0x3FA3] =	sst s1  }
0xa: {  	[smem:$0x3FA4] =	sst s2  }
0xb: {  	[smem:$0x3FA5] =	sst s3  }
0xc: {  	[smem:$0x3FA6] =	sst s4  }
0xd: {  	[smem:$0x3FA7] =	sst s5  }
0xe: {  	[smem:$0x3FA8] =	sst s6  }
0xf: {  	[smem:$0x3FA9] =	sst s7  }
0x10: {  	[smem:$0x3FAA] =	sst s8  }
0x11: {  	[smem:$0x3FAB] =	sst s9;
	s0 =	simm.s32 @!p0 $0x0  }
0x12: {  	s1 =	sld [smem:$0x3F91];
	s0 =	simm.s32 @p0 $0x1  }
0x13: {  	[smem:$0x3FAC] =	sst s0;
	s0 =	simm.s32 @!p1 $0x0  }
0x14: {  	s2 =	sld [smem:$0x3F90];
	s0 =	simm.s32 @p1 $0x1  }
0x15: {  	[smem:$0x3FAD] =	sst s0;
	s0 =	simm.s32 @!p2 $0x0  }
0x16: {  	s3 =	sld [smem:$0x3FDB];
	s0 =	simm.s32 @p2 $0x1  }
0x17: {  	s4 =	simm.s32 $0x1BF5;
	[smem:$0x3FAF] =	sst s0  }
0x18: {  	s0 =	sld [smem:$0x3F92];
	_ =	swait.ge [sflag:s4], $0x0  }
0x19: {  	s7 =	sld [smem:$0x3F93]  }
0x1a: {  	s8 =	sadd.s32 $0xFFFFE003, lr  }
0x1b: {  	s9 =	sadd.s32 $0xFFFFFEF7, lr;
	s5 =	simm.s32 $0xFFFFFFFF;
	p2 =	slt.u32 s8, $0xFFFFF086  }
0x1c: {  	p1 =	slt.u32 s9, $0xF7A;
	s5 =	simm.s32 @!p2 $0x0  }
0x1d: {  	s5 =	simm.s32 @p1 $0x1;
	p0 =	seq.s32 s7, s2  }
0x1e: {  	s7 =	smul.u32 @!p0 $0xF7A, s2;
	p2 =	seq.s32 @!p0 s5, $0x0  }
0x1f: {  	s9 =	smul.u32 $0xF7A, s1;
	s8 =	simm.s32 @!p0 $0x1BF5;
	p2 =	por !p2, p0  }
0x20: {  	[sflag:s8] =	ssyncset.s32 @!p0 $0xFFFFF086;
	s6 =	sadd.s32 @!p0 s3, s7;
	s7 =	simm.s32 @!p0 $0x108  }
0x21: {  	s3 =	sadd.s32 s3, s9;
	s6 =	sadd.s32 @!p0 $0x88, s6;
	s7 =	simm.s32 @p2 $0x1082  }
0x22: {  	[simem:s7], [sflag:s8] =	dma.local @!p0 [hbm:s6], $0xF7A  }
0x23: {  	s9 =	sor.u32 $0xD0000000, s2;
	s6 =	simm.s32 $0x108;
	_ =	swait.ge @!p0 [sflag:s8], $0x0  }
0x24: {  	s3 =	sadd.s32 $0x88, s3;
	s6 =	simm.s32 @!p1 $0x1082;
	[sflag:s4] =	ssyncset.s32 $0xFFFFF086  }
0x25: {  	[simem:s6], [sflag:s4] =	dma.local [hbm:s3], $0xF7A  }
0x26: {  	[smem:$0x3F93] =	sst s1;
	(tag) =	ssettag s2;
	_ =	strace s9  }
0x27: {  	s1 =	sld [smem:$0x3FA3]  }
0x28: {  	s2 =	sld [smem:$0x3FA4]  }
0x29: {  	s4 =	sld [smem:$0x3FA6]  }
0x2a: {  	p0 =	seq.s32 s5, $0x0;
	s5 =	sld [smem:$0x3FA7]  }
0x2b: {  	s6 =	sld [smem:$0x3FA8]  }
0x2c: {  	s7 =	sld [smem:$0x3FA9]  }
0x2d: {  	s3 =	simm.s32 $0x108;
	s8 =	sld [smem:$0x3FAA]  }
0x2e: {  	s3 =	simm.s32 @!p0 $0x1082;
	s9 =	sld [smem:$0x3FAB]  }
0x2f: {  	lr =	sadd.s32 s0, s3;
	s0 =	sld [smem:$0x3FA2]  }
0x30: {  	s3 =	sld [smem:$0x3FA5]  }
0x31: {  	[smem:$0x3FAE] =	sst s10  }
0x32: {  	s10 =	sld [smem:$0x3FAC];
	_ =	sdelay $0x3  }
0x33: {  	p0 =	seq.s32 s10, $0x1;
	s10 =	sld [smem:$0x3FAE];
	_ =	sdelay $0x3  }
0x34: {  	[smem:$0x3FAE] =	sst s10  }
0x35: {  	s10 =	sld [smem:$0x3FAD];
	_ =	sdelay $0x3  }
0x36: {  	p1 =	seq.s32 s10, $0x1;
	s10 =	sld [smem:$0x3FAE];
	_ =	sdelay $0x3  }
0x37: {  	[smem:$0x3FAE] =	sst s10  }
0x38: {  	s10 =	sld [smem:$0x3FAF]  }
0x39: {  	_ = 	snop;
	(pc) =	sbr.ind lr, $3  }
0x3a: {  	_ = 	snop  }
0x3b: {  	_ = 	snop  }
0x3c: {  	p2 =	seq.s32 s10, $0x1;
	s10 =	sld [smem:$0x3FAE]  }
0x3d: {  	_ =	shalt  }
0x3e: {  	_ =	shalt  }
0x3f: {  	_ =	shalt  }
0x40: {  	_ =	shalt  }
0x41: {  	_ =	shalt  }
0x42: {  	_ =	shalt  }
0x43: {  	_ =	shalt  }
0x44: {  	_ =	shalt  }
0x45: {  	_ =	shalt  }
0x46: {  	_ =	shalt  }
0x47: {  	_ =	shalt  }
0x48: {  	_ =	shalt  }
0x49: {  	_ =	shalt  }
0x4a: {  	_ =	shalt  }
0x4b: {  	_ =	shalt  }
0x4c: {  	_ =	shalt  }
0x4d: {  	_ =	shalt  }
0x4e: {  	_ =	shalt  }
0x4f: {  	_ =	shalt  }
0x50: {  	_ =	shalt  }
0x51: {  	_ =	shalt  }
0x52: {  	_ =	shalt  }
0x53: {  	_ =	shalt  }
0x54: {  	_ =	shalt  }
0x55: {  	_ =	shalt  }
0x56: {  	_ =	shalt  }
0x57: {  	_ =	shalt  }
0x58: {  	_ =	shalt  }
0x59: {  	_ =	shalt  }
0x5a: {  	_ =	shalt  }
0x5b: {  	_ =	shalt  }
0x5c: {  	_ =	shalt  }
0x5d: {  	_ =	shalt  }
0x5e: {  	_ =	shalt  }
0x5f: {  	_ =	shalt  }
0x60: {  	_ =	shalt  }
0x61: {  	_ =	shalt  }
0x62: {  	_ =	shalt  }
0x63: {  	_ =	shalt  }
0x64: {  	_ =	shalt  }
0x65: {  	_ =	shalt  }
0x66: {  	_ =	shalt  }
0x67: {  	_ =	shalt  }
0x68: {  	_ =	shalt  }
0x69: {  	_ =	shalt  }
0x6a: {  	_ =	shalt  }
0x6b: {  	_ =	shalt  }
0x6c: {  	_ =	shalt  }
0x6d: {  	_ =	shalt  }
0x6e: {  	_ =	shalt  }
0x6f: {  	_ =	shalt  }
0x70: {  	_ =	shalt  }
0x71: {  	_ =	shalt  }
0x72: {  	_ =	shalt  }
0x73: {  	_ =	shalt  }
0x74: {  	_ =	shalt  }
0x75: {  	_ =	shalt  }
0x76: {  	_ =	shalt  }
0x77: {  	_ =	shalt  }
0x78: {  	_ =	shalt  }
0x79: {  	_ =	shalt  }
0x7a: {  	_ =	shalt  }
0x7b: {  	_ =	shalt  }
0x7c: {  	_ =	shalt  }
0x7d: {  	_ =	shalt  }
0x7e: {  	_ =	shalt  }
0x7f: {  	_ =	shalt  }
0x80: {  	_ =	shalt  }
0x81: {  	_ =	shalt  }
0x82: {  	_ =	shalt  }
0x83: {  	_ =	shalt  }
0x84: {  	_ =	shalt  }
0x85: {  	_ =	shalt  }
0x86: {  	_ =	shalt  }
0x87: {  	_ =	shalt  }
.Lfunc_end0:
.L_simem_size_0:
called_computation.3_lowered:
.L_overlay_start_0:
0x88: {  	s2 =	sld [smem:$0x3FD9]  }
0x89: {  	s3 =	sld [smem:$0x3FFE];
	_ =	sdelay $0x1  }
0x8a: {  	s1 =	srdreg.scid  }
0x8b: {  	s0 =	sand.u32 $0x1, s1  }
0x8c: {  	s17 =	sshll.u32 s0, $0xA;
	s2 =	sadd.s32 s3, s2  }
0x8d: {  	s2 =	sadd.s32 s2, s17  }
0x8e: {  	[smem:$0x3FBA] =	sst s2  }
0x8f: {  	_ = 	snop  }
0x90: {  	s2 =	sld [smem:$0x3FD0];
	(tm) =	ssettm $0x1  }
0x91: {  	s18 =	sld [smem:$0x3FFB];
	_ =	sdelay $0x3  }
0x92: {  	_ =	strace s18  }
0x93: {  	s3 =	sld [smem:$0x3FFC];
	_ =	sdelay $0x3  }
0x94: {  	_ =	strace s3  }
0x95: {  	s3 =	sld [smem:$0x3FFD];
	_ =	sdelay $0x3  }
0x96: {  	_ =	strace s3  }
0x97: {  	_ =	strace $0x8FFFFFFF  }
0x98: {  	s19 =	sld [smem:$0x3FDB];
	_ =	sdelay $0x1  }
0x99: {  	s4 =	simm.s32 $_scs_section_size  }
0x9a: {  	s5 =	simm.s32 $_size__tile_overlayer_lowered;
	s6 =	simm.s32 $_tile_overlayer_lowered  }
0x9b: {  	s22 =	simm.s32 $0x1BFF;
	s21 =	sshll.u32 s6, $0x1;
	s3 =	sadd.s32 s4, s19  }
0x9c: {  	s7 =	simm.s32 $0x0;
	s20 =	sshll.u32 s5, $0x1;
	s5 =	sadd.s32 s21, s3  }
0x9d: {  	[timem:s7], [sflag:s22] =	dma.local [hbm:s5], s20  }
0x9e: {  	_ =	swait.ge [sflag:s22], s20  }
0x9f: {  	s4 =	ssub.s32 $0x0, s20;
	[sflag:s22] =	ssyncset.done $0x0  }
0xa0: {  	[sflag:s22] =	ssyncadd.s32 s4;
	_ =	sdelay $0x1  }
0xa1: {  	s23 =	simm.s32 $0x1B8B  }
0xa2: {  	_ =	swait.ge [sflag:s23], $0x1  }
0xa3: {  	[sflag:s23] =	ssyncset.done $0x0  }
0xa4: {  	s25 =	simm.s32 $0x1B8E;
	s24 =	sld [smem:$0x3FFE];
	[sflag:s23] =	ssyncadd.s32 $0xFFFFFFFF  }
0xa5: {  	s26 =	simm.s32 $execute0_lowered;
	[smem:$0x3FD2] =	sst s25  }
0xa6: {  	s5 =	sshll.u32 s26, $0x1;
	_ =	strace $0x8000004F;
	[dreg:$0x1] =	wrdreg $0xFFFFFFFF  }
0xa7: {  	s28 =	simm.s32 $_size_execute0_lowered;
	s3 =	sadd.s32 s3, s5;
	[dreg:$0x0] =	wrdreg $0x0  }
0xa8: {  	s5 =	sshll.u32 s28, $0x1;
	[dreg:$0x2] =	wrdreg s3  }
0xa9: {  	[dreg:$0x3] =	wrdreg s5  }
0xaa: {  	[dreg:$0x4] =	wrdreg $0xC0  }
0xab: {  	_ =	task [dreg:s7], $0x5FFFF  }
0xac: {  	[dreg:$0x1] =	wrdreg $0xFFFFFFFF  }
0xad: {  	[dreg:$0x0] =	wrdreg $0x60  }
0xae: {  	[dreg:$0x2] =	wrdreg s24  }
0xaf: {  	[dreg:$0x3] =	wrdreg s2  }
0xb0: {  	[dreg:$0x4] =	wrdreg $0xB4000  }
0xb1: {  	[dreg:$0x5] =	wrdreg $0x9  }
0xb2: {  	_ =	task.clear_ibuf [dreg:s7], $0x6FFFF;
	_ =	strace $0x9000004F  }
0xb3: {  	s29 =	simm.s32 $0x9;
	_ =	strace $0x80000051  }
0xb4: {  	_ =	swait.ge [sflag:s29], $0x1  }
0xb5: {  	[sflag:s29] =	ssyncadd.s32 $0xFFFFFFFF  }
0xb6: {  	_ =	strace $0x90000051  }
0xb7: {  	_ =	sfence  }
0xb8: {  	s30 =	sld [smem:$0x0];
	_ =	sdelay $0x2  }
0xb9: {  	s31 =	sshll.u32 s1, $0xD;
	s1 =	sshrl.u32 s1, $0x2  }
0xba: {  	s3 =	sand.u32 $0x4000, s31;
	s1 =	sadd.s32 s1, s30  }
0xbb: {  	s0 =	sor.u32 s3, s0;
	s1 =	sshll.u32 s1, $0x11  }
0xbc: {  	s0 =	sor.u32 s1, s0  }
0xbd: {  	s0 =	sadd.s32 $0x8F2B, s0  }
0xbe: {  	[sflag:s0] =	ssyncadd.remote.s32 $0x1  }
0xbf: {  	_ =	sfence.sel $0xFFFF  }
0xc0: {  	[dreg:$0x0] =	wrdreg $0xFFFFFFFF;
	(pc) =	sbr.abs _section_cstart, $3  }
0xc1: {  	[dreg:$0x1] =	wrdreg $0xFFFFFFFF  }
0xc2: {  	_ =	task.clear_ibuf [dreg:s7], $0x2FFFF;
	_ =	strace $0x9FFFFFFF  }
0xc3: {  	(tm) =	ssettm $0x7FFFFFFF  }
tec
execute0_lowered:
.L_overlay_start_1:
0x0: {  	(tag) =	ssettag $0x1  }
0x1: {  	s0 =	rddreg [dreg:$0x0]  }
0x2: {  	s2 =	rddreg [dreg:$0x2];
	s1 =	srdreg.scid;
	s14 =	simm.s32 $0x0  }
0x3: {  	s9 =	stileid.u32;
	s13 =	simm.s32 $0xB;
	s15 =	simm.s32 $0x32  }
0x4: {  	s16 =	simm.s32 $0x2800;
	s18 =	simm.s32 $0x4400;
	s28 =	simm.s32 $0x2  }
0x5: {  	s29 =	simm.s32 $0x7;
	s30 =	simm.s32 $0x3;
	s31 =	simm.s32 $0x8  }
0x6: {  	s10 =	simm.s32 $0xA;
	s11 =	simm.s32 $0x2580;
	s12 =	simm.s32 $0x2680  }
0x7: {  	s1 =	sand.u32 $0x1, s1;
	[smem:$0x7FF] =	sst s14;
	s4 =	smul.u32 $0x14000, s9  }
0x8: {  	s5 =	sadd.s32 $0x31200, s0;
	s6 =	sadd.s32 $0x18200, s0;
	s7 =	sadd.s32 $0x4400, s0  }
0x9: {  	s8 =	smul.u32 $0x50000, s9;
	s23 =	sshll.u32 s9, $0x1;
	s25 =	sshll.u32 s9, $0x6  }
0xa: {  	s3 =	smul.u32 $0x140000, s1;
	_ =	strace $0x80000050;
	[dreg:$0x5] =	wrdreg s7  }
0xb: {  	s20 =	ssub.s32 $0x2, s1;
	s1 =	sor.u32 s1, s23;
	s17 =	sor.u32 $0x1C0B, s25  }
0xc: {  	s23 =	simm.s32 $0x200;
	s25 =	simm.s32 $0x1;
	s7 =	simm.s32 $0x5  }
0xd: {  	s21 =	sshrl.u32 s20, $0x1;
	s24 =	sshrl.u32 s8, $0x2;
	s9 =	smul.u32 $0xC8, s1  }
0xe: {  	s8 =	simm.s32 $0x2600;
	s1 =	simm.s32 $0x2780;
	[dreg:$0x6] =	wrdreg s17  }
0xf: {  	s3 =	sadd.s32 s4, s3;
	s22 =	ssub.s32 s20, s21;
	s4 =	sadd.s32 s24, s2  }
0x10: {  	s20 =	simm.s32 $0x6000;
	s24 =	simm.s32 $0x9800;
	s3 =	sshrl.u32 s3, $0x3  }
0x11: {  	s26 =	smax.u32 s22, $0x1;
	s21 =	sshrl.u32 s4, $0x3;
	s22 =	simm.s32 $0x7C00  }
0x12: {  	s4 =	simm.s32 $0x2700;
	s0 =	sadd.s32 s3, s0;
	[dreg:$0x8] =	wrdreg s26  }
0x13: {  	s26 =	simm.s32 $0x6;
	[dreg:$0x9] =	wrdreg s21;
	s0 =	sadd.s32 $0xA9200, s0  }
0x14: {  	s3 =	simm.s32 $0x9;
	[dreg:$0x7] =	wrdreg s0;
	s0 =	simm.s32 $0x4  }
.LBB2_1:
0x15: {  	[dreg:$0x4] =	wrdreg s14  }
0x16: {  	s19 =	rddreg [dreg:$0x5]  }
0x17: {  	[spmem:s21], [sflag:s17] =	dma.local [hbm:s19], $0x2800  }
0x18: {  	_ =	swait.ge [sflag:s13], $0x2800  }
0x19: {  	[sflag:s13] =	ssyncset.done $0x0  }
0x1a: {  	[sflag:s13] =	ssyncadd.s32 $0xFFFFD800  }
0x1b: {  	s14 =	simm.s32 $0x0;
	[bflag:$0x0] =	sbarrier.arrive $0xFFFF  }
.LBB2_2:
0x1c: {  	s17 =	smul.u32 $0x28, s14;
	_ =	sdelay $0x1  }
0x1d: {  	s17 =	sadd.s32 s9, s17  }
0x1e: {  	s19 =	rddreg [dreg:$0x1];
	s17 =	sshll.u32 s17, $0x4  }
0x1f: {  	s21 =	simm.s32 $0x0;
	s19 =	sadd.s32 s19, s17  }
0x20: {  	[tilespmem:s21], [sflag:$0xB] =	stream.linear.gather [hbm4b:s19+s21], $0x1400, $0x38;
	[tilespmem:$0x1F400] =	vst v63  }
0x21: {  	_ =	swait.ge [sflag:s13], $0x1400  }
0x22: {  	[sflag:s13] =	ssyncset.done $0x0  }
0x23: {  	s17 =	sadd.s32 s6, s17;
	s19 =	simm.s32 $0x1400;
	[sflag:s13] =	ssyncadd.s32 $0xFFFFEC00  }
0x24: {  	[tilespmem:s19], [sflag:$0xB] =	stream.linear.gather [hbm4b:s17+s21], $0x1400, $0x38;
	[tilespmem:$0x1F400] =	vst v63  }
0x25: {  	_ =	swait.ge [sflag:s13], $0x1400  }
0x26: {  	[sflag:s13] =	ssyncset.done $0x0  }
0x27: {  	[sflag:s13] =	ssyncadd.s32 $0xFFFFEC00  }
0x28: {  	[tilespmem:s16], [sflag:$0x1] =	stream.indirect.gather [hbm4b:s5+s15], $0x80, s21, s15, $0xb8;
	[tilespmem:$0x1F400] =	vst v63  }
0x29: {  	s19 =	simm.s32 $0x80  }
0x2a: {  	[tilespmem:s18], [sflag:$0x2] =	stream.indirect.gather [hbm4b:s5+s15], $0x80, s19, s15, $0xb8;
	[tilespmem:$0x1F400] =	vst v63  }
0x2b: {  	s21 =	simm.s32 $0x100  }
0x2c: {  	[tilespmem:s20], [sflag:$0x3] =	stream.indirect.gather [hbm4b:s5+s15], $0x80, s21, s15, $0xb8;
	[tilespmem:$0x1F400] =	vst v63  }
0x2d: {  	s19 =	simm.s32 $0x180  }
0x2e: {  	[tilespmem:s22], [sflag:$0x4] =	stream.indirect.gather [hbm4b:s5+s15], $0x80, s19, s15, $0xb8;
	[tilespmem:$0x1F400] =	vst v63  }
0x2f: {  	_ = 	snop  }
0x30: {  	[tilespmem:s24], [sflag:$0x5] =	stream.indirect.gather [hbm4b:s5+s15], $0x80, s23, s15, $0xb8;
	[tilespmem:$0x1F400] =	vst v63  }
0x31: {  	_ =	swait.ge [sflag:s25], $0x1900  }
0x32: {  	[sflag:s25] =	ssyncset.done $0x0  }
0x33: {  	s21 =	simm.s32 $0x1400;
	[sflag:s25] =	ssyncadd.s32 $0xFFFFE700  }
0x34: {  	[spmem:s2] =	stream.indirect.scatter.add.f32 [tilespmem:s16], [sflag:$0x6], $0x80, s21, s15, $0xb8;
	[tilespmem:$0x1F400] =	vst v63  }
0x35: {  	_ =	swait.ge [sflag:s26], $0x1900  }
0x36: {  	[sflag:s26] =	ssyncset.done $0x0  }
0x37: {  	s19 =	simm.s32 $0x280;
	[sflag:s26] =	ssyncadd.s32 $0xFFFFE700  }
0x38: {  	[tilespmem:s16], [sflag:$0x1] =	stream.indirect.gather [hbm4b:s5+s15], $0x80, s19, s15, $0xb8;
	[tilespmem:$0x1F400] =	vst v63  }
0x39: {  	_ =	swait.ge [sflag:s28], $0x1900  }
0x3a: {  	[sflag:s28] =	ssyncset.done $0x0  }
0x3b: {  	s21 =	simm.s32 $0x1480;
	[sflag:s28] =	ssyncadd.s32 $0xFFFFE700  }
0x3c: {  	[spmem:s2] =	stream.indirect.scatter.add.f32 [tilespmem:s18], [sflag:$0x7], $0x80, s21, s15, $0xb8;
	[tilespmem:$0x1F400] =	vst v63  }
0x3d: {  	_ =	swait.ge [sflag:s29], $0x1900  }
0x3e: {  	[sflag:s29] =	ssyncset.done $0x0  }
0x3f: {  	s19 =	simm.s32 $0x300;
	[sflag:s29] =	ssyncadd.s32 $0xFFFFE700  }
0x40: {  	[tilespmem:s18], [sflag:$0x2] =	stream.indirect.gather [hbm4b:s5+s15], $0x80, s19, s15, $0xb8;
	[tilespmem:$0x1F400] =	vst v63  }
0x41: {  	_ =	swait.ge [sflag:s30], $0x1900  }
0x42: {  	[sflag:s30] =	ssyncset.done $0x0  }
0x43: {  	s21 =	simm.s32 $0x1500;
	[sflag:s30] =	ssyncadd.s32 $0xFFFFE700  }
0x44: {  	[spmem:s2] =	stream.indirect.scatter.add.f32 [tilespmem:s20], [sflag:$0x8], $0x80, s21, s15, $0xb8;
	[tilespmem:$0x1F400] =	vst v63  }
0x45: {  	_ =	swait.ge [sflag:s31], $0x1900  }
0x46: {  	[sflag:s31] =	ssyncset.done $0x0  }
0x47: {  	s19 =	simm.s32 $0x380;
	[sflag:s31] =	ssyncadd.s32 $0xFFFFE700  }
0x48: {  	[tilespmem:s20], [sflag:$0x3] =	stream.indirect.gather [hbm4b:s5+s15], $0x80, s19, s15, $0xb8;
	[tilespmem:$0x1F400] =	vst v63  }
0x49: {  	_ =	swait.ge [sflag:s0], $0x1900  }
0x4a: {  	[sflag:s0] =	ssyncset.done $0x0  }
0x4b: {  	s21 =	simm.s32 $0x1580;
	[sflag:s0] =	ssyncadd.s32 $0xFFFFE700  }
0x4c: {  	[spmem:s2] =	stream.indirect.scatter.add.f32 [tilespmem:s22], [sflag:$0x9], $0x80, s21, s15, $0xb8;
	[tilespmem:$0x1F400] =	vst v63  }
0x4d: {  	_ =	swait.ge [sflag:s3], $0x1900  }
0x4e: {  	[sflag:s3] =	ssyncset.done $0x0  }
0x4f: {  	s19 =	simm.s32 $0x400;
	[sflag:s3] =	ssyncadd.s32 $0xFFFFE700  }
0x50: {  	[tilespmem:s22], [sflag:$0x4] =	stream.indirect.gather [hbm4b:s5+s15], $0x80, s19, s15, $0xb8;
	[tilespmem:$0x1F400] =	vst v63  }
0x51: {  	_ =	swait.ge [sflag:s7], $0x1900  }
0x52: {  	[sflag:s7] =	ssyncset.done $0x0  }
0x53: {  	s21 =	simm.s32 $0x1600;
	[sflag:s7] =	ssyncadd.s32 $0xFFFFE700  }
0x54: {  	[spmem:s2] =	stream.indirect.scatter.add.f32 [tilespmem:s24], [sflag:$0xA], $0x80, s21, s15, $0xb8;
	[tilespmem:$0x1F400] =	vst v63  }
0x55: {  	_ =	swait.ge [sflag:s10], $0x1900  }
0x56: {  	[sflag:s10] =	ssyncset.done $0x0  }
0x57: {  	s17 =	simm.s32 $0xA00;
	s19 =	simm.s32 $0x480;
	[sflag:s10] =	ssyncadd.s32 $0xFFFFE700  }
.LBB2_3:
0x58: {  	[tilespmem:s24], [sflag:$0x5] =	stream.indirect.gather [hbm4b:s5+s15], $0x80, s19, s15, $0xb8;
	[tilespmem:$0x1F400] =	vst v63  }
0x59: {  	s19 =	smov.u32 s17  }
0x5a: {  	p0 =	sne.s32 s17, $0x3C00;
	s17 =	sadd.s32 $0xA00, s17;
	_ =	swait.ge [sflag:s25], $0x1900  }
0x5b: {  	s19 =	sshra.s32 s19, $0x2;
	[sflag:s25] =	ssyncset.done $0x0  }
0x5c: {  	s21 =	sadd.s32 $0x1400, s19;
	[sflag:s25] =	ssyncadd.s32 $0xFFFFE700  }
0x5d: {  	[spmem:s2] =	stream.indirect.scatter.add.f32 [tilespmem:s16], [sflag:$0x6], $0x80, s21, s15, $0xb8;
	[tilespmem:$0x1F400] =	vst v63  }
0x5e: {  	_ =	swait.ge [sflag:s26], $0x1900  }
0x5f: {  	[sflag:s26] =	ssyncset.done $0x0  }
0x60: {  	s21 =	sadd.s32 $0x280, s19;
	[sflag:s26] =	ssyncadd.s32 $0xFFFFE700  }
0x61: {  	[tilespmem:s16], [sflag:$0x1] =	stream.indirect.gather [hbm4b:s5+s15], $0x80, s21, s15, $0xb8;
	[tilespmem:$0x1F400] =	vst v63  }
0x62: {  	_ =	swait.ge [sflag:s28], $0x1900  }
0x63: {  	[sflag:s28] =	ssyncset.done $0x0  }
0x64: {  	s21 =	sadd.s32 $0x1480, s19;
	[sflag:s28] =	ssyncadd.s32 $0xFFFFE700  }
0x65: {  	[spmem:s2] =	stream.indirect.scatter.add.f32 [tilespmem:s18], [sflag:$0x7], $0x80, s21, s15, $0xb8;
	[tilespmem:$0x1F400] =	vst v63  }
0x66: {  	_ =	swait.ge [sflag:s29], $0x1900  }
0x67: {  	[sflag:s29] =	ssyncset.done $0x0  }
0x68: {  	s21 =	sadd.s32 $0x300, s19;
	[sflag:s29] =	ssyncadd.s32 $0xFFFFE700  }
0x69: {  	[tilespmem:s18], [sflag:$0x2] =	stream.indirect.gather [hbm4b:s5+s15], $0x80, s21, s15, $0xb8;
	[tilespmem:$0x1F400] =	vst v63  }
0x6a: {  	_ =	swait.ge [sflag:s30], $0x1900  }
0x6b: {  	[sflag:s30] =	ssyncset.done $0x0  }
0x6c: {  	s21 =	sadd.s32 $0x1500, s19;
	[sflag:s30] =	ssyncadd.s32 $0xFFFFE700  }
0x6d: {  	[spmem:s2] =	stream.indirect.scatter.add.f32 [tilespmem:s20], [sflag:$0x8], $0x80, s21, s15, $0xb8;
	[tilespmem:$0x1F400] =	vst v63  }
0x6e: {  	_ =	swait.ge [sflag:s31], $0x1900  }
0x6f: {  	[sflag:s31] =	ssyncset.done $0x0  }
0x70: {  	s21 =	sadd.s32 $0x380, s19;
	[sflag:s31] =	ssyncadd.s32 $0xFFFFE700  }
0x71: {  	[tilespmem:s20], [sflag:$0x3] =	stream.indirect.gather [hbm4b:s5+s15], $0x80, s21, s15, $0xb8;
	[tilespmem:$0x1F400] =	vst v63  }
0x72: {  	_ =	swait.ge [sflag:s0], $0x1900  }
0x73: {  	[sflag:s0] =	ssyncset.done $0x0  }
0x74: {  	s21 =	sadd.s32 $0x1580, s19;
	[sflag:s0] =	ssyncadd.s32 $0xFFFFE700  }
0x75: {  	[spmem:s2] =	stream.indirect.scatter.add.f32 [tilespmem:s22], [sflag:$0x9], $0x80, s21, s15, $0xb8;
	[tilespmem:$0x1F400] =	vst v63  }
0x76: {  	_ =	swait.ge [sflag:s3], $0x1900  }
0x77: {  	[sflag:s3] =	ssyncset.done $0x0  }
0x78: {  	s21 =	sadd.s32 $0x400, s19;
	[sflag:s3] =	ssyncadd.s32 $0xFFFFE700  }
0x79: {  	[tilespmem:s22], [sflag:$0x4] =	stream.indirect.gather [hbm4b:s5+s15], $0x80, s21, s15, $0xb8;
	[tilespmem:$0x1F400] =	vst v63  }
0x7a: {  	_ =	swait.ge [sflag:s7], $0x1900  }
0x7b: {  	[sflag:s7] =	ssyncset.done $0x0  }
.Ltmp0:
0x7c: {  	s21 =	sadd.s32 $0x1600, s19;
	[sflag:s7] =	ssyncadd.s32 $0xFFFFE700;
	(pc) =	sbr.rel @p0 .LBB2_3-.Ltmp0, $4  }
0x7d: {  	[spmem:s2] =	stream.indirect.scatter.add.f32 [tilespmem:s24], [sflag:$0xA], $0x80, s21, s15, $0xb8;
	[tilespmem:$0x1F400] =	vst v63  }
0x7e: {  	_ =	swait.ge [sflag:s10], $0x1900  }
0x7f: {  	[sflag:s10] =	ssyncset.done $0x0  }
0x80: {  	s19 =	sadd.s32 $0x480, s19;
	[sflag:s10] =	ssyncadd.s32 $0xFFFFE700  }
0x81: {  	[tilespmem:s24], [sflag:$0x5] =	stream.indirect.gather [hbm4b:s5+s15], $0x80, s19, s15, $0xb8;
	[tilespmem:$0x1F400] =	vst v63  }
0x82: {  	_ =	swait.ge [sflag:s25], $0x1900  }
0x83: {  	[sflag:s25] =	ssyncset.done $0x0  }
0x84: {  	[sflag:s25] =	ssyncadd.s32 $0xFFFFE700  }
0x85: {  	[spmem:s2] =	stream.indirect.scatter.add.f32 [tilespmem:s16], [sflag:$0x6], $0x80, s11, s15, $0xb8;
	[tilespmem:$0x1F400] =	vst v63  }
0x86: {  	_ =	swait.ge [sflag:s26], $0x1900  }
0x87: {  	[sflag:s26] =	ssyncset.done $0x0  }
0x88: {  	[sflag:s26] =	ssyncadd.s32 $0xFFFFE700  }
0x89: {  	_ =	swait.ge [sflag:s28], $0x1900  }
0x8a: {  	[sflag:s28] =	ssyncset.done $0x0  }
0x8b: {  	[sflag:s28] =	ssyncadd.s32 $0xFFFFE700  }
0x8c: {  	[spmem:s2] =	stream.indirect.scatter.add.f32 [tilespmem:s18], [sflag:$0x7], $0x80, s8, s15, $0xb8;
	[tilespmem:$0x1F400] =	vst v63  }
0x8d: {  	_ =	swait.ge [sflag:s29], $0x1900  }
0x8e: {  	[sflag:s29] =	ssyncset.done $0x0  }
0x8f: {  	[sflag:s29] =	ssyncadd.s32 $0xFFFFE700  }
0x90: {  	_ =	swait.ge [sflag:s30], $0x1900  }
0x91: {  	[sflag:s30] =	ssyncset.done $0x0  }
0x92: {  	[sflag:s30] =	ssyncadd.s32 $0xFFFFE700  }
0x93: {  	[spmem:s2] =	stream.indirect.scatter.add.f32 [tilespmem:s20], [sflag:$0x8], $0x80, s12, s15, $0xb8;
	[tilespmem:$0x1F400] =	vst v63  }
0x94: {  	_ =	swait.ge [sflag:s31], $0x1900  }
0x95: {  	[sflag:s31] =	ssyncset.done $0x0  }
0x96: {  	[sflag:s31] =	ssyncadd.s32 $0xFFFFE700  }
0x97: {  	_ =	swait.ge [sflag:s0], $0x1900  }
0x98: {  	[sflag:s0] =	ssyncset.done $0x0  }
0x99: {  	[sflag:s0] =	ssyncadd.s32 $0xFFFFE700  }
0x9a: {  	[spmem:s2] =	stream.indirect.scatter.add.f32 [tilespmem:s22], [sflag:$0x9], $0x80, s4, s15, $0xb8;
	[tilespmem:$0x1F400] =	vst v63  }
0x9b: {  	_ =	swait.ge [sflag:s3], $0x1900  }
0x9c: {  	[sflag:s3] =	ssyncset.done $0x0  }
0x9d: {  	[sflag:s3] =	ssyncadd.s32 $0xFFFFE700  }
0x9e: {  	s14 =	sadd.s32 $0x1, s14;
	_ =	swait.ge [sflag:s7], $0x1900  }
0x9f: {  	p0 =	sne.s32 s14, $0x5;
	[sflag:s7] =	ssyncset.done $0x0  }
.Ltmp1:
0xa0: {  	[sflag:s7] =	ssyncadd.s32 $0xFFFFE700;
	(pc) =	sbr.rel @p0 .LBB2_2-.Ltmp1, $4  }
0xa1: {  	[spmem:s2] =	stream.indirect.scatter.add.f32 [tilespmem:s24], [sflag:$0xA], $0x80, s1, s15, $0xb8;
	[tilespmem:$0x1F400] =	vst v63  }
0xa2: {  	_ =	swait.ge [sflag:s10], $0x1900  }
0xa3: {  	[sflag:s10] =	ssyncset.done $0x0  }
0xa4: {  	[sflag:s10] =	ssyncadd.s32 $0xFFFFE700  }
0xa5: {  	[bflag:$0x0] =	sbarrier.arrive $0xFFFF  }
0xa6: {  	s17 =	rddreg [dreg:$0x6]  }
0xa7: {  	s14 =	rddreg [dreg:$0x7]  }
0xa8: {  	s21 =	rddreg [dreg:$0x9]  }
0xa9: {  	[hbm:s14], [sflag:s17] =	dma.local [spmem:s21], $0x2800  }
0xaa: {  	_ =	swait.ge [sflag:s13], $0x2800  }
0xab: {  	s19 =	rddreg [dreg:$0x4]  }
0xac: {  	s14 =	sadd.s32 $0x1, s19;
	s19 =	rddreg [dreg:$0x8]  }
0xad: {  	p0 =	sne.s32 s14, s19  }
.Ltmp2:
0xae: {  	_ = 	snop;
	(pc) =	sbr.rel @p0 .LBB2_1-.Ltmp2, $3  }
0xaf: {  	_ =	sdelay $0x1  }
0xb0: {  	[sflag:s13] =	ssyncset.done $0x0  }
0xb1: {  	[sflag:s13] =	ssyncadd.s32 $0xFFFFD800  }
0xb2: {  	_ =	sfence.sel $0x180000  }
0xb3: {  	[bflag:$0x0] =	sbarrier.arrive $0xFFFF  }
0xb4: {  	_ =	strace $0x90000050  }
0xb5: {  	s0 =	stileid.u32;
	[bflag:$0x2] =	sbarrier.arrive $0xFFFF  }
0xb6: {  	p0 =	sne.s32 s0, $0x0;
	s0 =	rddreg [dreg:$0x3]  }
0xb7: {  	s0 =	sadd.s32 @!p0 $0x100000, s0  }
0xb8: {  	[sflag:s0] =	ssyncadd.tile.s32 @!p0 $0x1;
	_ =	shalt  }
.Lfunc_end2:
_tile_overlayer_lowered:
.L_overlay_start_2:
0xb9: {  	(tag) =	ssettag $0x2  }
0xba: {  	s0 =	rddreg [dreg:$0x0];
	s2 =	stileid.u32  }
0xbb: {  	s1 =	rddreg [dreg:$0x1];
	p0 =	sne.s32 s2, $0x0  }
0xbc: {  	s3 =	rddreg [dreg:$0x2];
	[bflag:$0x3] =	sbarrier.arrive $0xFFFF;
	s2 =	simm.s32 @!p0 $0x1C0B  }
0xbd: {  	[timem:s3], [sflag:s2] =	dma.local @!p0 [hbm:s0], s1  }
0xbe: {  	s0 =	simm.s32 @!p0 $0xB  }
0xbf: {  	_ =	swait.ge @!p0 [sflag:s0], s1  }
0xc0: {  	s1 =	ssub.s32 @!p0 $0x0, s1;
	[sflag:s0] =	ssyncset.done @!p0 $0x0  }
0xc1: {  	[sflag:s0] =	ssyncadd.s32 @!p0 s1  }
0xc2: {  	[bflag:$0x3] =	sbarrier.arrive $0xFFFF  }
0xc3: {  	_ =	shalt  }

</sc_bundles>
